<compile_context>
chip_gen: v7x
topology: tpu7x:2x2x1
jax: 0.10.2.dev20260603
libtpu: 0.0.44.dev20260713+nightly
codegen_flags: <defaults>
</compile_context>

<pallas_src>
import functools

import jax
import jax.numpy as jnp
from jax import lax
from jax.experimental import pallas as pl
from jax.experimental.pallas import tpu as pltpu
from jax.experimental.pallas import tpu_sc as plsc

MAXV = 11
D = 128
NLANE = 16
NVEC = D // NLANE
BLD = 84
CB = 256
GSZ = 128


@functools.cache
def _build_sc_call(B: int, XY: int):
    NC, NS = 2, 16
    NW = NC * NS
    BW = B // NW
    NSUB = BW // CB
    assert B % NW == 0 and BW % CB == 0 and NSUB == 2 and CB % GSZ == 0

    mesh = plsc.VectorSubcoreMesh(
        core_axis_name="c", subcore_axis_name="s", num_cores=NC, num_subcores=NS
    )

    @functools.partial(
        pl.kernel,
        out_type=jax.ShapeDtypeStruct((XY, B, D), jnp.float32),
        mesh=mesh,
        compiler_params=pltpu.CompilerParams(use_tc_tiling_on_sc=True),
        scratch_types=[
            pltpu.VMEM((3 * MAXV, D), jnp.float32),
            pltpu.VMEM((BLD, D), jnp.float32),
            pltpu.VMEM_SHARED((16 * BLD, D), jnp.float32),
            pltpu.VMEM((3, BW), jnp.int32),
            pltpu.VMEM((3, BW), jnp.int32),
            pltpu.VMEM((CB,), jnp.int32),
            pltpu.VMEM((CB,), jnp.int32),
            pltpu.VMEM((CB, D), jnp.float32),
            pltpu.VMEM((CB, D), jnp.float32),
            pltpu.SemaphoreType.DMA,
            pltpu.SemaphoreType.DMA,
            pltpu.SemaphoreType.DMA,
            pltpu.SemaphoreType.DMA,
            pltpu.SemaphoreType.DMA,
        ],
    )
    def sc_embed(idx_hbm, tab_hbm, out_hbm, tab_v, bld_v, t012_sh,
                 idx_v0, idx_v1, cidx_v0, cidx_v1, out_v0, out_v1,
                 g_s0, o_s0, o_s1, i_s0, i_s1):
        cid = lax.axis_index("c")
        sid = lax.axis_index("s")
        wid = sid * NC + cid
        b0w = wid * BW
        idx_v = (idx_v0, idx_v1)
        cidx_v = (cidx_v0, cidx_v1)
        out_v = (out_v0, out_v1)
        o_s = (o_s0, o_s1)
        i_s = (i_s0, i_s1)

        pltpu.sync_copy(tab_hbm, tab_v)

        r0 = sid * BLD
        a0 = r0 // (MAXV * MAXV)
        rem = r0 - a0 * (MAXV * MAXV)
        b0 = rem // MAXV
        c0 = rem - b0 * MAXV

        def build(j, abc):
            a, b, c = abc
            for k in range(NVEC):
                s = pl.ds(k * NLANE, NLANE)
                bld_v[j, s] = tab_v[a, s] + tab_v[MAXV + b, s] + tab_v[2 * MAXV + c, s]
            roll_c = c == MAXV - 1
            roll_b = jnp.logical_and(roll_c, b == MAXV - 1)
            c = jnp.where(roll_c, 0, c + 1)
            b = jnp.where(roll_c, jnp.where(roll_b, 0, b + 1), b)
            a = jnp.where(roll_b, a + 1, a)
            return (a, b, c)

        lax.fori_loop(0, BLD, build, (a0, b0, c0))
        pltpu.sync_copy(bld_v, t012_sh.at[pl.ds(r0, BLD), :])
        plsc.subcore_barrier()

        def start_in(xy, ib):
            pltpu.async_copy(idx_hbm.at[:, xy, pl.ds(b0w, BW)], idx_v[ib], i_s[ib])

        def process(xy, ib):
            for sub in range(NSUB):
                b = sub
                for p in range(CB // NLANE):
                    off = sub * CB + p * NLANE
                    i0 = idx_v[ib][0, pl.ds(off, NLANE)]
                    i1 = idx_v[ib][1, pl.ds(off, NLANE)]
                    i2 = idx_v[ib][2, pl.ds(off, NLANE)]
                    cidx_v[b][pl.ds(p * NLANE, NLANE)] = (i0 * MAXV + i1) * MAXV + i2

                @pl.when(xy > 0)
                def _():
                    pltpu.make_async_copy(
                        out_v[b], out_hbm.at[0, pl.ds(b0w, CB), :], o_s[b]
                    ).wait()

                descs = [
                    pltpu.async_copy(
                        t012_sh.at[cidx_v[b].at[pl.ds(q * GSZ, GSZ)]],
                        out_v[b].at[pl.ds(q * GSZ, GSZ), :],
                        g_s0,
                    )
                    for q in range(CB // GSZ)
                ]
                for d in descs:
                    d.wait()
                pltpu.async_copy(
                    out_v[b],
                    out_hbm.at[xy, pl.ds(b0w + sub * CB, CB), :],
                    o_s[b],
                )

        def wait_in(ib):
            pltpu.make_async_copy(
                idx_hbm.at[:, 0, pl.ds(b0w, BW)], idx_v[ib], i_s[ib]
            ).wait()

        start_in(0, 0)

        def pair(t, _):
            w0 = 2 * t
            wait_in(0)

            @pl.when(w0 + 1 < XY)
            def _():
                start_in(w0 + 1, 1)

            process(w0, 0)

            @pl.when(w0 + 1 < XY)
            def _():
                wait_in(1)

                @pl.when(w0 + 2 < XY)
                def _():
                    start_in(w0 + 2, 0)

                process(w0 + 1, 1)

            return 0

        lax.fori_loop(0, (XY + 1) // 2, pair, 0)
        for b in range(NSUB):
            pltpu.make_async_copy(
                out_v[b], out_hbm.at[0, pl.ds(b0w, CB), :], o_s[b]
            ).wait()

    return sc_embed


def kernel(inputs, emb_weight):
    B, X, Y, C = inputs.shape
    idx = inputs.reshape(B, X * Y, C).astype(jnp.int32).transpose(2, 1, 0)
    out = _build_sc_call(B, X * Y)(idx, emb_weight)
    return out.reshape(X, Y, B, D).transpose(2, 0, 1, 3)

# --- scband reference (transcript-rebuilt; emitter-appended) ---
"""Pipeline reference for scband-mini-grid-bowembedding-12610023981523 (READ-ONLY COPY).

The authoritative reference and input builder live on the scoring server;
editing this copy changes nothing except your own understanding.
"""

import jax, jax.numpy as jnp
import numpy as np

MAX_VALUE = 11
NUM_CHANNELS = 3
EMBED_DIM = 128
BATCH = 16384
VIEW = 7

def setup_inputs(seed: int = 0) -> dict:
    key = jax.random.key(seed)
    k_idx, k_emb = jax.random.split(key)
    inputs = jax.random.randint(k_idx, (BATCH, VIEW, VIEW, NUM_CHANNELS), 0, MAX_VALUE, dtype=jnp.int64 if jax.config.jax_enable_x64 else jnp.int32)
    initializer_range = 1.0 / np.sqrt(EMBED_DIM)
    emb_weight = jax.random.normal(k_emb, (NUM_CHANNELS * MAX_VALUE, EMBED_DIM), dtype=jnp.float32) * initializer_range
    return {"inputs": inputs, "emb_weight": emb_weight}

def reference(inputs, emb_weight):
    # offsets shift each channel's token ids into its own slice of the shared table
    offsets = jnp.array([0, MAX_VALUE, 2 * MAX_VALUE], dtype=inputs.dtype)
    idx = inputs + offsets[None, None, None, :]
    # embedding lookup: gather rows from table, shape [B, X, Y, C, D]
    emb = jnp.take(emb_weight, idx, axis=0)
    # bag-of-words sum over channel axis
    x = emb.sum(axis=3)
    # position_encoding is Identity (add_positional_enc=False)
    return x

if __name__ == "__main__":
    import jax
    _d = setup_inputs()
    print(jax.jit(kernel)(*tuple(_d.values())))

</pallas_src>

<mosaic_0001>
#map = affine_map<(d0, d1) -> (0, 0, 0)>
#map1 = affine_map<(d0, d1) -> (0, 0)>
module attributes {stable_mosaic.version = 14 : i64} {
  func.func @sc_embed(%arg0: i32, %arg1: i32, %arg2: memref<3x49x16384xi32, #tpu.memory_space<hbm>>, %arg3: memref<33x128xf32, #tpu.memory_space<hbm>>, %arg4: memref<49x16384x128xf32, #tpu.memory_space<hbm>>, %arg5: memref<33x128xf32, #tpu.memory_space<vmem>>, %arg6: memref<84x128xf32, #tpu.memory_space<vmem>>, %arg7: memref<1344x128xf32, #tpu.memory_space<vmem_shared>>, %arg8: memref<3x512xi32, #tpu.memory_space<vmem>>, %arg9: memref<3x512xi32, #tpu.memory_space<vmem>>, %arg10: memref<256xi32, #tpu.memory_space<vmem>>, %arg11: memref<256xi32, #tpu.memory_space<vmem>>, %arg12: memref<256x128xf32, #tpu.memory_space<vmem>>, %arg13: memref<256x128xf32, #tpu.memory_space<vmem>>, %arg14: memref<!tpu.dma_semaphore, #tpu.memory_space<semaphore_mem>>, %arg15: memref<!tpu.dma_semaphore, #tpu.memory_space<semaphore_mem>>, %arg16: memref<!tpu.dma_semaphore, #tpu.memory_space<semaphore_mem>>, %arg17: memref<!tpu.dma_semaphore, #tpu.memory_space<semaphore_mem>>, %arg18: memref<!tpu.dma_semaphore, #tpu.memory_space<semaphore_mem>>) attributes {dimension_semantics = [#tpu.dimension_semantics<core_parallel>, #tpu.dimension_semantics<subcore_parallel>], iteration_bounds = array<i64: 2, 16>, scalar_prefetch = 0 : i64, scratch_operands = 14 : i64, tpu.core_type = #tpu.core_type<sc_vector_subcore>, window_params = [{transform_indices = #map}, {transform_indices = #map1}, {transform_indices = #map}]} {
    %mul3A = arith.constant 2 : i32
    %mul3A_0 = arith.muli %arg1, %mul3A : i32
    %add3A = arith.addi %mul3A_0, %arg0 : i32
    %mul3A_1 = arith.constant 512 : i32
    %mul3A_2 = arith.muli %add3A, %mul3A_1 : i32
    "tpu.region"() ({
      %run_scoped3A = tpu.sem_alloc : memref<!tpu.dma_semaphore, #tpu.memory_space<semaphore_mem>>
      tpu.enqueue_dma source(%arg3 : memref<33x128xf32, #tpu.memory_space<hbm>>) target(%arg5 : memref<33x128xf32, #tpu.memory_space<vmem>>) target_semaphore(%run_scoped3A : memref<!tpu.dma_semaphore, #tpu.memory_space<semaphore_mem>>)
      tpu.wait_dma2 semaphore(%run_scoped3A : memref<!tpu.dma_semaphore, #tpu.memory_space<semaphore_mem>>) src(%arg3 : memref<33x128xf32, #tpu.memory_space<hbm>>) dst(%arg5 : memref<33x128xf32, #tpu.memory_space<vmem>>)
      tpu.yield
    }) : () -> ()
    %mul3A_3 = arith.constant 84 : i32
    %mul3A_4 = arith.muli %arg1, %mul3A_3 : i32
    %jit3A = arith.constant 121 : i32
    %div3A = arith.divsi %mul3A_4, %jit3A : i32
    %sign3A = arith.constant 0 : i32
    %sign3A_5 = arith.cmpi sgt, %mul3A_4, %sign3A : i32
    %sign3A_6 = arith.extui %sign3A_5 : i1 to i32
    %sign3A_7 = arith.constant 0 : i32
    %sign3A_8 = arith.cmpi slt, %mul3A_4, %sign3A_7 : i32
    %sign3A_9 = arith.extui %sign3A_8 : i1 to i32
    %sign3A_10 = arith.subi %sign3A_6, %sign3A_9 : i32
    %sign3A_11 = arith.constant 0 : i32
    %sign3A_12 = arith.cmpi sgt, %jit3A, %sign3A_11 : i32
    %sign3A_13 = arith.extui %sign3A_12 : i1 to i32
    %sign3A_14 = arith.constant 0 : i32
    %sign3A_15 = arith.cmpi slt, %jit3A, %sign3A_14 : i32
    %sign3A_16 = arith.extui %sign3A_15 : i1 to i32
    %sign3A_17 = arith.subi %sign3A_13, %sign3A_16 : i32
    %ne3A = arith.cmpi ne, %sign3A_10, %sign3A_17 : i32
    %rem3A = arith.remsi %mul3A_4, %jit3A : i32
    %ne3A_18 = arith.constant 0 : i32
    %ne3A_19 = arith.cmpi ne, %rem3A, %ne3A_18 : i32
    %and3A = arith.andi %ne3A, %ne3A_19 : i1
    %sub3A = arith.constant 1 : i32
    %sub3A_20 = arith.subi %div3A, %sub3A : i32
    %select_n3A = arith.select %and3A, %sub3A_20, %div3A : i32
    %mul3A_21 = arith.constant 121 : i32
    %mul3A_22 = arith.muli %select_n3A, %mul3A_21 : i32
    %sub3A_23 = arith.subi %mul3A_4, %mul3A_22 : i32
    %jit3A_24 = arith.constant 11 : i32
    %div3A_25 = arith.divsi %sub3A_23, %jit3A_24 : i32
    %sign3A_26 = arith.constant 0 : i32
    %sign3A_27 = arith.cmpi sgt, %sub3A_23, %sign3A_26 : i32
    %sign3A_28 = arith.extui %sign3A_27 : i1 to i32
    %sign3A_29 = arith.constant 0 : i32
    %sign3A_30 = arith.cmpi slt, %sub3A_23, %sign3A_29 : i32
    %sign3A_31 = arith.extui %sign3A_30 : i1 to i32
    %sign3A_32 = arith.subi %sign3A_28, %sign3A_31 : i32
    %sign3A_33 = arith.constant 0 : i32
    %sign3A_34 = arith.cmpi sgt, %jit3A_24, %sign3A_33 : i32
    %sign3A_35 = arith.extui %sign3A_34 : i1 to i32
    %sign3A_36 = arith.constant 0 : i32
    %sign3A_37 = arith.cmpi slt, %jit3A_24, %sign3A_36 : i32
    %sign3A_38 = arith.extui %sign3A_37 : i1 to i32
    %sign3A_39 = arith.subi %sign3A_35, %sign3A_38 : i32
    %ne3A_40 = arith.cmpi ne, %sign3A_32, %sign3A_39 : i32
    %rem3A_41 = arith.remsi %sub3A_23, %jit3A_24 : i32
    %ne3A_42 = arith.constant 0 : i32
    %ne3A_43 = arith.cmpi ne, %rem3A_41, %ne3A_42 : i32
    %and3A_44 = arith.andi %ne3A_40, %ne3A_43 : i1
    %sub3A_45 = arith.constant 1 : i32
    %sub3A_46 = arith.subi %div3A_25, %sub3A_45 : i32
    %select_n3A_47 = arith.select %and3A_44, %sub3A_46, %div3A_25 : i32
    %mul3A_48 = arith.constant 11 : i32
    %mul3A_49 = arith.muli %select_n3A_47, %mul3A_48 : i32
    %sub3A_50 = arith.subi %sub3A_23, %mul3A_49 : i32
    %scan3A = arith.constant 0 : i32
    %scan3A_51 = arith.constant 84 : i32
    %scan3A_52 = arith.addi %scan3A, %scan3A_51 : i32
    %scan3A_53 = arith.constant 1 : i32
    %scan3A_54:3 = scf.for %scan3A_82 = %scan3A to %scan3A_52 step %scan3A_53 iter_args(%scan3A_83 = %select_n3A, %scan3A_84 = %select_n3A_47, %scan3A_85 = %sub3A_50) -> (i32, i32, i32)  : i32 {
      %get3A = arith.index_cast %scan3A_83 : i32 to index
      %get3A_86 = arith.constant 0 : index
      %get3A_87 = tpu.vector_load %arg5[%get3A, %get3A_86] {strides = array<i32>} : memref<33x128xf32, #tpu.memory_space<vmem>>, vector<1x16xf32>,
      %get3A_88 = vector.shape_cast %get3A_87 : vector<1x16xf32> to vector<16xf32>
      %add3A_89 = arith.constant 11 : i32
      %add3A_90 = arith.addi %add3A_89, %scan3A_84 : i32
      %get3A_91 = arith.index_cast %add3A_90 : i32 to index
      %get3A_92 = arith.constant 0 : index
      %get3A_93 = tpu.vector_load %arg5[%get3A_91, %get3A_92] {strides = array<i32>} : memref<33x128xf32, #tpu.memory_space<vmem>>, vector<1x16xf32>,
      %get3A_94 = vector.shape_cast %get3A_93 : vector<1x16xf32> to vector<16xf32>
      %add3A_95 = arith.addf %get3A_88, %get3A_94 : vector<16xf32>
      %add3A_96 = arith.constant 22 : i32
      %add3A_97 = arith.addi %add3A_96, %scan3A_85 : i32
      %get3A_98 = arith.index_cast %add3A_97 : i32 to index
      %get3A_99 = arith.constant 0 : index
      %get3A_100 = tpu.vector_load %arg5[%get3A_98, %get3A_99] {strides = array<i32>} : memref<33x128xf32, #tpu.memory_space<vmem>>, vector<1x16xf32>,
      %get3A_101 = vector.shape_cast %get3A_100 : vector<1x16xf32> to vector<16xf32>
      %add3A_102 = arith.addf %add3A_95, %get3A_101 : vector<16xf32>
      %swap3A = arith.index_cast %scan3A_82 : i32 to index
      %swap3A_103 = arith.constant 0 : index
      %swap3A_104 = tpu.vector_load %arg6[%swap3A, %swap3A_103] {strides = array<i32>} : memref<84x128xf32, #tpu.memory_space<vmem>>, vector<1x16xf32>,
      %swap3A_105 = vector.shape_cast %swap3A_104 : vector<1x16xf32> to vector<16xf32>
      %swap3A_106 = vector.shape_cast %add3A_102 : vector<16xf32> to vector<1x16xf32>
      tpu.vector_store %arg6[%swap3A, %swap3A_103], %swap3A_106 {strides = array<i32>} : memref<84x128xf32, #tpu.memory_space<vmem>>, vector<1x16xf32>,
      %get3A_107 = arith.index_cast %scan3A_83 : i32 to index
      %get3A_108 = arith.constant 16 : index
      %get3A_109 = tpu.vector_load %arg5[%get3A_107, %get3A_108] {strides = array<i32>} : memref<33x128xf32, #tpu.memory_space<vmem>>, vector<1x16xf32>,
      %get3A_110 = vector.shape_cast %get3A_109 : vector<1x16xf32> to vector<16xf32>
      %add3A_111 = arith.constant 11 : i32
      %add3A_112 = arith.addi %add3A_111, %scan3A_84 : i32
      %get3A_113 = arith.index_cast %add3A_112 : i32 to index
      %get3A_114 = arith.constant 16 : index
      %get3A_115 = tpu.vector_load %arg5[%get3A_113, %get3A_114] {strides = array<i32>} : memref<33x128xf32, #tpu.memory_space<vmem>>, vector<1x16xf32>,
      %get3A_116 = vector.shape_cast %get3A_115 : vector<1x16xf32> to vector<16xf32>
      %add3A_117 = arith.addf %get3A_110, %get3A_116 : vector<16xf32>
      %add3A_118 = arith.constant 22 : i32
      %add3A_119 = arith.addi %add3A_118, %scan3A_85 : i32
      %get3A_120 = arith.index_cast %add3A_119 : i32 to index
      %get3A_121 = arith.constant 16 : index
      %get3A_122 = tpu.vector_load %arg5[%get3A_120, %get3A_121] {strides = array<i32>} : memref<33x128xf32, #tpu.memory_space<vmem>>, vector<1x16xf32>,
      %get3A_123 = vector.shape_cast %get3A_122 : vector<1x16xf32> to vector<16xf32>
      %add3A_124 = arith.addf %add3A_117, %get3A_123 : vector<16xf32>
      %swap3A_125 = arith.index_cast %scan3A_82 : i32 to index
      %swap3A_126 = arith.constant 16 : index
      %swap3A_127 = tpu.vector_load %arg6[%swap3A_125, %swap3A_126] {strides = array<i32>} : memref<84x128xf32, #tpu.memory_space<vmem>>, vector<1x16xf32>,
      %swap3A_128 = vector.shape_cast %swap3A_127 : vector<1x16xf32> to vector<16xf32>
      %swap3A_129 = vector.shape_cast %add3A_124 : vector<16xf32> to vector<1x16xf32>
      tpu.vector_store %arg6[%swap3A_125, %swap3A_126], %swap3A_129 {strides = array<i32>} : memref<84x128xf32, #tpu.memory_space<vmem>>, vector<1x16xf32>,
      %get3A_130 = arith.index_cast %scan3A_83 : i32 to index
      %get3A_131 = arith.constant 32 : index
      %get3A_132 = tpu.vector_load %arg5[%get3A_130, %get3A_131] {strides = array<i32>} : memref<33x128xf32, #tpu.memory_space<vmem>>, vector<1x16xf32>,
      %get3A_133 = vector.shape_cast %get3A_132 : vector<1x16xf32> to vector<16xf32>
      %add3A_134 = arith.constant 11 : i32
      %add3A_135 = arith.addi %add3A_134, %scan3A_84 : i32
      %get3A_136 = arith.index_cast %add3A_135 : i32 to index
      %get3A_137 = arith.constant 32 : index
      %get3A_138 = tpu.vector_load %arg5[%get3A_136, %get3A_137] {strides = array<i32>} : memref<33x128xf32, #tpu.memory_space<vmem>>, vector<1x16xf32>,
      %get3A_139 = vector.shape_cast %get3A_138 : vector<1x16xf32> to vector<16xf32>
      %add3A_140 = arith.addf %get3A_133, %get3A_139 : vector<16xf32>
      %add3A_141 = arith.constant 22 : i32
      %add3A_142 = arith.addi %add3A_141, %scan3A_85 : i32
      %get3A_143 = arith.index_cast %add3A_142 : i32 to index
      %get3A_144 = arith.constant 32 : index
      %get3A_145 = tpu.vector_load %arg5[%get3A_143, %get3A_144] {strides = array<i32>} : memref<33x128xf32, #tpu.memory_space<vmem>>, vector<1x16xf32>,
      %get3A_146 = vector.shape_cast %get3A_145 : vector<1x16xf32> to vector<16xf32>
      %add3A_147 = arith.addf %add3A_140, %get3A_146 : vector<16xf32>
      %swap3A_148 = arith.index_cast %scan3A_82 : i32 to index
      %swap3A_149 = arith.constant 32 : index
      %swap3A_150 = tpu.vector_load %arg6[%swap3A_148, %swap3A_149] {strides = array<i32>} : memref<84x128xf32, #tpu.memory_space<vmem>>, vector<1x16xf32>,
      %swap3A_151 = vector.shape_cast %swap3A_150 : vector<1x16xf32> to vector<16xf32>
      %swap3A_152 = vector.shape_cast %add3A_147 : vector<16xf32> to vector<1x16xf32>
      tpu.vector_store %arg6[%swap3A_148, %swap3A_149], %swap3A_152 {strides = array<i32>} : memref<84x128xf32, #tpu.memory_space<vmem>>, vector<1x16xf32>,
      %get3A_153 = arith.index_cast %scan3A_83 : i32 to index
      %get3A_154 = arith.constant 48 : index
      %get3A_155 = tpu.vector_load %arg5[%get3A_153, %get3A_154] {strides = array<i32>} : memref<33x128xf32, #tpu.memory_space<vmem>>, vector<1x16xf32>,
      %get3A_156 = vector.shape_cast %get3A_155 : vector<1x16xf32> to vector<16xf32>
      %add3A_157 = arith.constant 11 : i32
      %add3A_158 = arith.addi %add3A_157, %scan3A_84 : i32
      %get3A_159 = arith.index_cast %add3A_158 : i32 to index
      %get3A_160 = arith.constant 48 : index
      %get3A_161 = tpu.vector_load %arg5[%get3A_159, %get3A_160] {strides = array<i32>} : memref<33x128xf32, #tpu.memory_space<vmem>>, vector<1x16xf32>,
      %get3A_162 = vector.shape_cast %get3A_161 : vector<1x16xf32> to vector<16xf32>
      %add3A_163 = arith.addf %get3A_156, %get3A_162 : vector<16xf32>
      %add3A_164 = arith.constant 22 : i32
      %add3A_165 = arith.addi %add3A_164, %scan3A_85 : i32
      %get3A_166 = arith.index_cast %add3A_165 : i32 to index
      %get3A_167 = arith.constant 48 : index
      %get3A_168 = tpu.vector_load %arg5[%get3A_166, %get3A_167] {strides = array<i32>} : memref<33x128xf32, #tpu.memory_space<vmem>>, vector<1x16xf32>,
      %get3A_169 = vector.shape_cast %get3A_168 : vector<1x16xf32> to vector<16xf32>
      %add3A_170 = arith.addf %add3A_163, %get3A_169 : vector<16xf32>
      %swap3A_171 = arith.index_cast %scan3A_82 : i32 to index
      %swap3A_172 = arith.constant 48 : index
      %swap3A_173 = tpu.vector_load %arg6[%swap3A_171, %swap3A_172] {strides = array<i32>} : memref<84x128xf32, #tpu.memory_space<vmem>>, vector<1x16xf32>,
      %swap3A_174 = vector.shape_cast %swap3A_173 : vector<1x16xf32> to vector<16xf32>
      %swap3A_175 = vector.shape_cast %add3A_170 : vector<16xf32> to vector<1x16xf32>
      tpu.vector_store %arg6[%swap3A_171, %swap3A_172], %swap3A_175 {strides = array<i32>} : memref<84x128xf32, #tpu.memory_space<vmem>>, vector<1x16xf32>,
      %get3A_176 = arith.index_cast %scan3A_83 : i32 to index
      %get3A_177 = arith.constant 64 : index
      %get3A_178 = tpu.vector_load %arg5[%get3A_176, %get3A_177] {strides = array<i32>} : memref<33x128xf32, #tpu.memory_space<vmem>>, vector<1x16xf32>,
      %get3A_179 = vector.shape_cast %get3A_178 : vector<1x16xf32> to vector<16xf32>
      %add3A_180 = arith.constant 11 : i32
      %add3A_181 = arith.addi %add3A_180, %scan3A_84 : i32
      %get3A_182 = arith.index_cast %add3A_181 : i32 to index
      %get3A_183 = arith.constant 64 : index
      %get3A_184 = tpu.vector_load %arg5[%get3A_182, %get3A_183] {strides = array<i32>} : memref<33x128xf32, #tpu.memory_space<vmem>>, vector<1x16xf32>,
      %get3A_185 = vector.shape_cast %get3A_184 : vector<1x16xf32> to vector<16xf32>
      %add3A_186 = arith.addf %get3A_179, %get3A_185 : vector<16xf32>
      %add3A_187 = arith.constant 22 : i32
      %add3A_188 = arith.addi %add3A_187, %scan3A_85 : i32
      %get3A_189 = arith.index_cast %add3A_188 : i32 to index
      %get3A_190 = arith.constant 64 : index
      %get3A_191 = tpu.vector_load %arg5[%get3A_189, %get3A_190] {strides = array<i32>} : memref<33x128xf32, #tpu.memory_space<vmem>>, vector<1x16xf32>,
      %get3A_192 = vector.shape_cast %get3A_191 : vector<1x16xf32> to vector<16xf32>
      %add3A_193 = arith.addf %add3A_186, %get3A_192 : vector<16xf32>
      %swap3A_194 = arith.index_cast %scan3A_82 : i32 to index
      %swap3A_195 = arith.constant 64 : index
      %swap3A_196 = tpu.vector_load %arg6[%swap3A_194, %swap3A_195] {strides = array<i32>} : memref<84x128xf32, #tpu.memory_space<vmem>>, vector<1x16xf32>,
      %swap3A_197 = vector.shape_cast %swap3A_196 : vector<1x16xf32> to vector<16xf32>
      %swap3A_198 = vector.shape_cast %add3A_193 : vector<16xf32> to vector<1x16xf32>
      tpu.vector_store %arg6[%swap3A_194, %swap3A_195], %swap3A_198 {strides = array<i32>} : memref<84x128xf32, #tpu.memory_space<vmem>>, vector<1x16xf32>,
      %get3A_199 = arith.index_cast %scan3A_83 : i32 to index
      %get3A_200 = arith.constant 80 : index
      %get3A_201 = tpu.vector_load %arg5[%get3A_199, %get3A_200] {strides = array<i32>} : memref<33x128xf32, #tpu.memory_space<vmem>>, vector<1x16xf32>,
      %get3A_202 = vector.shape_cast %get3A_201 : vector<1x16xf32> to vector<16xf32>
      %add3A_203 = arith.constant 11 : i32
      %add3A_204 = arith.addi %add3A_203, %scan3A_84 : i32
      %get3A_205 = arith.index_cast %add3A_204 : i32 to index
      %get3A_206 = arith.constant 80 : index
      %get3A_207 = tpu.vector_load %arg5[%get3A_205, %get3A_206] {strides = array<i32>} : memref<33x128xf32, #tpu.memory_space<vmem>>, vector<1x16xf32>,
      %get3A_208 = vector.shape_cast %get3A_207 : vector<1x16xf32> to vector<16xf32>
      %add3A_209 = arith.addf %get3A_202, %get3A_208 : vector<16xf32>
      %add3A_210 = arith.constant 22 : i32
      %add3A_211 = arith.addi %add3A_210, %scan3A_85 : i32
      %get3A_212 = arith.index_cast %add3A_211 : i32 to index
      %get3A_213 = arith.constant 80 : index
      %get3A_214 = tpu.vector_load %arg5[%get3A_212, %get3A_213] {strides = array<i32>} : memref<33x128xf32, #tpu.memory_space<vmem>>, vector<1x16xf32>,
      %get3A_215 = vector.shape_cast %get3A_214 : vector<1x16xf32> to vector<16xf32>
      %add3A_216 = arith.addf %add3A_209, %get3A_215 : vector<16xf32>
      %swap3A_217 = arith.index_cast %scan3A_82 : i32 to index
      %swap3A_218 = arith.constant 80 : index
      %swap3A_219 = tpu.vector_load %arg6[%swap3A_217, %swap3A_218] {strides = array<i32>} : memref<84x128xf32, #tpu.memory_space<vmem>>, vector<1x16xf32>,
      %swap3A_220 = vector.shape_cast %swap3A_219 : vector<1x16xf32> to vector<16xf32>
      %swap3A_221 = vector.shape_cast %add3A_216 : vector<16xf32> to vector<1x16xf32>
      tpu.vector_store %arg6[%swap3A_217, %swap3A_218], %swap3A_221 {strides = array<i32>} : memref<84x128xf32, #tpu.memory_space<vmem>>, vector<1x16xf32>,
      %get3A_222 = arith.index_cast %scan3A_83 : i32 to index
      %get3A_223 = arith.constant 96 : index
      %get3A_224 = tpu.vector_load %arg5[%get3A_222, %get3A_223] {strides = array<i32>} : memref<33x128xf32, #tpu.memory_space<vmem>>, vector<1x16xf32>,
      %get3A_225 = vector.shape_cast %get3A_224 : vector<1x16xf32> to vector<16xf32>
      %add3A_226 = arith.constant 11 : i32
      %add3A_227 = arith.addi %add3A_226, %scan3A_84 : i32
      %get3A_228 = arith.index_cast %add3A_227 : i32 to index
      %get3A_229 = arith.constant 96 : index
      %get3A_230 = tpu.vector_load %arg5[%get3A_228, %get3A_229] {strides = array<i32>} : memref<33x128xf32, #tpu.memory_space<vmem>>, vector<1x16xf32>,
      %get3A_231 = vector.shape_cast %get3A_230 : vector<1x16xf32> to vector<16xf32>
      %add3A_232 = arith.addf %get3A_225, %get3A_231 : vector<16xf32>
      %add3A_233 = arith.constant 22 : i32
      %add3A_234 = arith.addi %add3A_233, %scan3A_85 : i32
      %get3A_235 = arith.index_cast %add3A_234 : i32 to index
      %get3A_236 = arith.constant 96 : index
      %get3A_237 = tpu.vector_load %arg5[%get3A_235, %get3A_236] {strides = array<i32>} : memref<33x128xf32, #tpu.memory_space<vmem>>, vector<1x16xf32>,
      %get3A_238 = vector.shape_cast %get3A_237 : vector<1x16xf32> to vector<16xf32>
      %add3A_239 = arith.addf %add3A_232, %get3A_238 : vector<16xf32>
      %swap3A_240 = arith.index_cast %scan3A_82 : i32 to index
      %swap3A_241 = arith.constant 96 : index
      %swap3A_242 = tpu.vector_load %arg6[%swap3A_240, %swap3A_241] {strides = array<i32>} : memref<84x128xf32, #tpu.memory_space<vmem>>, vector<1x16xf32>,
      %swap3A_243 = vector.shape_cast %swap3A_242 : vector<1x16xf32> to vector<16xf32>
      %swap3A_244 = vector.shape_cast %add3A_239 : vector<16xf32> to vector<1x16xf32>
      tpu.vector_store %arg6[%swap3A_240, %swap3A_241], %swap3A_244 {strides = array<i32>} : memref<84x128xf32, #tpu.memory_space<vmem>>, vector<1x16xf32>,
      %get3A_245 = arith.index_cast %scan3A_83 : i32 to index
      %get3A_246 = arith.constant 112 : index
      %get3A_247 = tpu.vector_load %arg5[%get3A_245, %get3A_246] {strides = array<i32>} : memref<33x128xf32, #tpu.memory_space<vmem>>, vector<1x16xf32>,
      %get3A_248 = vector.shape_cast %get3A_247 : vector<1x16xf32> to vector<16xf32>
      %add3A_249 = arith.constant 11 : i32
      %add3A_250 = arith.addi %add3A_249, %scan3A_84 : i32
      %get3A_251 = arith.index_cast %add3A_250 : i32 to index
      %get3A_252 = arith.constant 112 : index
      %get3A_253 = tpu.vector_load %arg5[%get3A_251, %get3A_252] {strides = array<i32>} : memref<33x128xf32, #tpu.memory_space<vmem>>, vector<1x16xf32>,
      %get3A_254 = vector.shape_cast %get3A_253 : vector<1x16xf32> to vector<16xf32>
      %add3A_255 = arith.addf %get3A_248, %get3A_254 : vector<16xf32>
      %add3A_256 = arith.constant 22 : i32
      %add3A_257 = arith.addi %add3A_256, %scan3A_85 : i32
      %get3A_258 = arith.index_cast %add3A_257 : i32 to index
      %get3A_259 = arith.constant 112 : index
      %get3A_260 = tpu.vector_load %arg5[%get3A_258, %get3A_259] {strides = array<i32>} : memref<33x128xf32, #tpu.memory_space<vmem>>, vector<1x16xf32>,
      %get3A_261 = vector.shape_cast %get3A_260 : vector<1x16xf32> to vector<16xf32>
      %add3A_262 = arith.addf %add3A_255, %get3A_261 : vector<16xf32>
      %swap3A_263 = arith.index_cast %scan3A_82 : i32 to index
      %swap3A_264 = arith.constant 112 : index
      %swap3A_265 = tpu.vector_load %arg6[%swap3A_263, %swap3A_264] {strides = array<i32>} : memref<84x128xf32, #tpu.memory_space<vmem>>, vector<1x16xf32>,
      %swap3A_266 = vector.shape_cast %swap3A_265 : vector<1x16xf32> to vector<16xf32>
      %swap3A_267 = vector.shape_cast %add3A_262 : vector<16xf32> to vector<1x16xf32>
      tpu.vector_store %arg6[%swap3A_263, %swap3A_264], %swap3A_267 {strides = array<i32>} : memref<84x128xf32, #tpu.memory_space<vmem>>, vector<1x16xf32>,
      %eq3A = arith.constant 10 : i32
      %eq3A_268 = arith.cmpi eq, %scan3A_85, %eq3A : i32
      %eq3A_269 = arith.constant 10 : i32
      %eq3A_270 = arith.cmpi eq, %scan3A_84, %eq3A_269 : i32
      %and3A_271 = arith.andi %eq3A_268, %eq3A_270 : i1
      %add3A_272 = arith.constant 1 : i32
      %add3A_273 = arith.addi %scan3A_85, %add3A_272 : i32
      %jit3A_274 = arith.constant 0 : i32
      %select_n3A_275 = arith.select %eq3A_268, %jit3A_274, %add3A_273 : i32
      %add3A_276 = arith.constant 1 : i32
      %add3A_277 = arith.addi %scan3A_84, %add3A_276 : i32
      %jit3A_278 = arith.constant 0 : i32
      %select_n3A_279 = arith.select %and3A_271, %jit3A_278, %add3A_277 : i32
      %select_n3A_280 = arith.select %eq3A_268, %select_n3A_279, %scan3A_84 : i32
      %add3A_281 = arith.constant 1 : i32
      %add3A_282 = arith.addi %scan3A_83, %add3A_281 : i32
      %select_n3A_283 = arith.select %and3A_271, %add3A_282, %scan3A_83 : i32
      scf.yield %select_n3A_283, %select_n3A_280, %select_n3A_275 : i32, i32, i32
    }
    %scan3A_55 = arith.constant 84 : i32
    "tpu.region"() ({
      %run_scoped3A = tpu.sem_alloc : memref<!tpu.dma_semaphore, #tpu.memory_space<semaphore_mem>>
      %dma_start3A_82 = arith.constant 0 : i32
      %dma_start3A_83 = tpu.memref_slice %arg7[%mul3A_4, %dma_start3A_82] : memref<1344x128xf32, #tpu.memory_space<vmem_shared>> -> memref<84x128xf32, #tpu.memory_space<vmem_shared>>
      %dma_start3A_84 = arith.constant 0 : i32
      %dma_start3A_85 = tpu.memref_slice %arg7[%mul3A_4, %dma_start3A_84] : memref<1344x128xf32, #tpu.memory_space<vmem_shared>> -> memref<84x128xf32, #tpu.memory_space<vmem_shared>>
      tpu.enqueue_dma source(%arg6 : memref<84x128xf32, #tpu.memory_space<vmem>>) target(%dma_start3A_85 : memref<84x128xf32, #tpu.memory_space<vmem_shared>>) target_semaphore(%run_scoped3A : memref<!tpu.dma_semaphore, #tpu.memory_space<semaphore_mem>>)
      %dma_wait3A_86 = arith.constant 0 : i32
      %dma_wait3A_87 = tpu.memref_slice %arg7[%mul3A_4, %dma_wait3A_86] : memref<1344x128xf32, #tpu.memory_space<vmem_shared>> -> memref<84x128xf32, #tpu.memory_space<vmem_shared>>
      %dma_wait3A_88 = arith.constant 0 : i32
      %dma_wait3A_89 = tpu.memref_slice %arg7[%mul3A_4, %dma_wait3A_88] : memref<1344x128xf32, #tpu.memory_space<vmem_shared>> -> memref<84x128xf32, #tpu.memory_space<vmem_shared>>
      tpu.wait_dma2 semaphore(%run_scoped3A : memref<!tpu.dma_semaphore, #tpu.memory_space<semaphore_mem>>) src(%arg6 : memref<84x128xf32, #tpu.memory_space<vmem>>) dst(%dma_wait3A_89 : memref<84x128xf32, #tpu.memory_space<vmem_shared>>)
      tpu.yield
    }) : () -> ()
    %barrier3A = arith.constant 0 : index
    tpu.barrier barrier_id(%barrier3A)
    %dma_start3A = arith.constant 0 : i32
    %dma_start3A_56 = arith.constant 0 : i32
    %dma_start3A_57 = tpu.memref_slice %arg2[%dma_start3A_56, %dma_start3A, %mul3A_2] : memref<3x49x16384xi32, #tpu.memory_space<hbm>> -> memref<3x1x512xi32, #tpu.memory_space<hbm>>
    %dma_start3A_58 = tpu.memref_squeeze %dma_start3A_57 : memref<3x1x512xi32, #tpu.memory_space<hbm>> -> memref<3x512xi32, #tpu.memory_space<hbm>>
    %dma_start3A_59 = arith.constant 0 : i32
    %dma_start3A_60 = tpu.memref_slice %arg2[%dma_start3A_59, %dma_start3A, %mul3A_2] : memref<3x49x16384xi32, #tpu.memory_space<hbm>> -> memref<3x1x512xi32, #tpu.memory_space<hbm>>
    %dma_start3A_61 = tpu.memref_squeeze %dma_start3A_60 : memref<3x1x512xi32, #tpu.memory_space<hbm>> -> memref<3x512xi32, #tpu.memory_space<hbm>>
    tpu.enqueue_dma source(%dma_start3A_61 : memref<3x512xi32, #tpu.memory_space<hbm>>) target(%arg8 : memref<3x512xi32, #tpu.memory_space<vmem>>) target_semaphore(%arg17 : memref<!tpu.dma_semaphore, #tpu.memory_space<semaphore_mem>>)
    %scan3A_62 = arith.constant 0 : i32
    %scan3A_63 = arith.constant 0 : i32
    %scan3A_64 = arith.constant 25 : i32
    %scan3A_65 = arith.addi %scan3A_63, %scan3A_64 : i32
    %scan3A_66 = arith.constant 1 : i32
    %scan3A_67 = scf.for %scan3A_82 = %scan3A_63 to %scan3A_65 step %scan3A_66 iter_args(%scan3A_83 = %scan3A_62) -> (i32)  : i32 {
      %mul3A_84 = arith.constant 2 : i32
      %mul3A_85 = arith.muli %mul3A_84, %scan3A_82 : i32
      %dma_wait3A_86 = arith.constant 0 : i32
      %dma_wait3A_87 = arith.constant 0 : i32
      %dma_wait3A_88 = tpu.memref_slice %arg2[%dma_wait3A_87, %dma_wait3A_86, %mul3A_2] : memref<3x49x16384xi32, #tpu.memory_space<hbm>> -> memref<3x1x512xi32, #tpu.memory_space<hbm>>
      %dma_wait3A_89 = tpu.memref_squeeze %dma_wait3A_88 : memref<3x1x512xi32, #tpu.memory_space<hbm>> -> memref<3x512xi32, #tpu.memory_space<hbm>>
      %dma_wait3A_90 = arith.constant 0 : i32
      %dma_wait3A_91 = tpu.memref_slice %arg2[%dma_wait3A_90, %dma_wait3A_86, %mul3A_2] : memref<3x49x16384xi32, #tpu.memory_space<hbm>> -> memref<3x1x512xi32, #tpu.memory_space<hbm>>
      %dma_wait3A_92 = tpu.memref_squeeze %dma_wait3A_91 : memref<3x1x512xi32, #tpu.memory_space<hbm>> -> memref<3x512xi32, #tpu.memory_space<hbm>>
      tpu.wait_dma2 semaphore(%arg17 : memref<!tpu.dma_semaphore, #tpu.memory_space<semaphore_mem>>) src(%dma_wait3A_92 : memref<3x512xi32, #tpu.memory_space<hbm>>) dst(%arg8 : memref<3x512xi32, #tpu.memory_space<vmem>>)
      %add3A_93 = arith.constant 1 : i32
      %add3A_94 = arith.addi %mul3A_85, %add3A_93 : i32
      %lt3A = arith.constant 49 : i32
      %lt3A_95 = arith.cmpi slt, %add3A_94, %lt3A : i32
      %convert_element_type3A = arith.extui %lt3A_95 : i1 to i32
      %cond3A = arith.constant 0 : i32
      %cond3A_96 = arith.cmpi ne, %convert_element_type3A, %cond3A : i32
      scf.if %cond3A_96 {
        %add3A_1056 = arith.constant 1 : i32
        %add3A_1057 = arith.addi %mul3A_85, %add3A_1056 : i32
        %dma_start3A_1058 = arith.constant 0 : i32
        %dma_start3A_1059 = tpu.memref_slice %arg2[%dma_start3A_1058, %add3A_1057, %mul3A_2] : memref<3x49x16384xi32, #tpu.memory_space<hbm>> -> memref<3x1x512xi32, #tpu.memory_space<hbm>>
        %dma_start3A_1060 = tpu.memref_squeeze %dma_start3A_1059 : memref<3x1x512xi32, #tpu.memory_space<hbm>> -> memref<3x512xi32, #tpu.memory_space<hbm>>
        %dma_start3A_1061 = arith.constant 0 : i32
        %dma_start3A_1062 = tpu.memref_slice %arg2[%dma_start3A_1061, %add3A_1057, %mul3A_2] : memref<3x49x16384xi32, #tpu.memory_space<hbm>> -> memref<3x1x512xi32, #tpu.memory_space<hbm>>
        %dma_start3A_1063 = tpu.memref_squeeze %dma_start3A_1062 : memref<3x1x512xi32, #tpu.memory_space<hbm>> -> memref<3x512xi32, #tpu.memory_space<hbm>>
        tpu.enqueue_dma source(%dma_start3A_1063 : memref<3x512xi32, #tpu.memory_space<hbm>>) target(%arg9 : memref<3x512xi32, #tpu.memory_space<vmem>>) target_semaphore(%arg18 : memref<!tpu.dma_semaphore, #tpu.memory_space<semaphore_mem>>)
      } else {
      }
      %get3A = arith.constant 0 : i32
      %get3A_97 = arith.index_cast %get3A : i32 to index
      %get3A_98 = arith.constant 0 : index
      %get3A_99 = tpu.vector_load %arg8[%get3A_97, %get3A_98] {strides = array<i32>} : memref<3x512xi32, #tpu.memory_space<vmem>>, vector<1x16xi32>,
      %get3A_100 = vector.shape_cast %get3A_99 : vector<1x16xi32> to vector<16xi32>
      %get3A_101 = arith.constant 1 : i32
      %get3A_102 = arith.index_cast %get3A_101 : i32 to index
      %get3A_103 = arith.constant 0 : index
      %get3A_104 = tpu.vector_load %arg8[%get3A_102, %get3A_103] {strides = array<i32>} : memref<3x512xi32, #tpu.memory_space<vmem>>, vector<1x16xi32>,
      %get3A_105 = vector.shape_cast %get3A_104 : vector<1x16xi32> to vector<16xi32>
      %get3A_106 = arith.constant 2 : i32
      %get3A_107 = arith.index_cast %get3A_106 : i32 to index
      %get3A_108 = arith.constant 0 : index
      %get3A_109 = tpu.vector_load %arg8[%get3A_107, %get3A_108] {strides = array<i32>} : memref<3x512xi32, #tpu.memory_space<vmem>>, vector<1x16xi32>,
      %get3A_110 = vector.shape_cast %get3A_109 : vector<1x16xi32> to vector<16xi32>
      %mul3A_111 = arith.constant 11 : i32
      %mul3A_112 = vector.broadcast %mul3A_111 : i32 to vector<16xi32>
      %mul3A_113 = arith.muli %get3A_100, %mul3A_112 : vector<16xi32>
      %add3A_114 = arith.addi %mul3A_113, %get3A_105 : vector<16xi32>
      %mul3A_115 = arith.constant 11 : i32
      %mul3A_116 = vector.broadcast %mul3A_115 : i32 to vector<16xi32>
      %mul3A_117 = arith.muli %add3A_114, %mul3A_116 : vector<16xi32>
      %add3A_118 = arith.addi %mul3A_117, %get3A_110 : vector<16xi32>
      %swap3A = arith.constant 0 : index
      %swap3A_119 = tpu.vector_load %arg10[%swap3A] {strides = array<i32>} : memref<256xi32, #tpu.memory_space<vmem>>, vector<16xi32>,
      %swap3A_120 = vector.shape_cast %swap3A_119 : vector<16xi32> to vector<16xi32>
      %swap3A_121 = vector.shape_cast %add3A_118 : vector<16xi32> to vector<16xi32>
      tpu.vector_store %arg10[%swap3A], %swap3A_121 {strides = array<i32>} : memref<256xi32, #tpu.memory_space<vmem>>, vector<16xi32>,
      %get3A_122 = arith.constant 0 : i32
      %get3A_123 = arith.index_cast %get3A_122 : i32 to index
      %get3A_124 = arith.constant 16 : index
      %get3A_125 = tpu.vector_load %arg8[%get3A_123, %get3A_124] {strides = array<i32>} : memref<3x512xi32, #tpu.memory_space<vmem>>, vector<1x16xi32>,
      %get3A_126 = vector.shape_cast %get3A_125 : vector<1x16xi32> to vector<16xi32>
      %get3A_127 = arith.constant 1 : i32
      %get3A_128 = arith.index_cast %get3A_127 : i32 to index
      %get3A_129 = arith.constant 16 : index
      %get3A_130 = tpu.vector_load %arg8[%get3A_128, %get3A_129] {strides = array<i32>} : memref<3x512xi32, #tpu.memory_space<vmem>>, vector<1x16xi32>,
      %get3A_131 = vector.shape_cast %get3A_130 : vector<1x16xi32> to vector<16xi32>
      %get3A_132 = arith.constant 2 : i32
      %get3A_133 = arith.index_cast %get3A_132 : i32 to index
      %get3A_134 = arith.constant 16 : index
      %get3A_135 = tpu.vector_load %arg8[%get3A_133, %get3A_134] {strides = array<i32>} : memref<3x512xi32, #tpu.memory_space<vmem>>, vector<1x16xi32>,
      %get3A_136 = vector.shape_cast %get3A_135 : vector<1x16xi32> to vector<16xi32>
      %mul3A_137 = arith.constant 11 : i32
      %mul3A_138 = vector.broadcast %mul3A_137 : i32 to vector<16xi32>
      %mul3A_139 = arith.muli %get3A_126, %mul3A_138 : vector<16xi32>
      %add3A_140 = arith.addi %mul3A_139, %get3A_131 : vector<16xi32>
      %mul3A_141 = arith.constant 11 : i32
      %mul3A_142 = vector.broadcast %mul3A_141 : i32 to vector<16xi32>
      %mul3A_143 = arith.muli %add3A_140, %mul3A_142 : vector<16xi32>
      %add3A_144 = arith.addi %mul3A_143, %get3A_136 : vector<16xi32>
      %swap3A_145 = arith.constant 16 : index
      %swap3A_146 = tpu.vector_load %arg10[%swap3A_145] {strides = array<i32>} : memref<256xi32, #tpu.memory_space<vmem>>, vector<16xi32>,
      %swap3A_147 = vector.shape_cast %swap3A_146 : vector<16xi32> to vector<16xi32>
      %swap3A_148 = vector.shape_cast %add3A_144 : vector<16xi32> to vector<16xi32>
      tpu.vector_store %arg10[%swap3A_145], %swap3A_148 {strides = array<i32>} : memref<256xi32, #tpu.memory_space<vmem>>, vector<16xi32>,
      %get3A_149 = arith.constant 0 : i32
      %get3A_150 = arith.index_cast %get3A_149 : i32 to index
      %get3A_151 = arith.constant 32 : index
      %get3A_152 = tpu.vector_load %arg8[%get3A_150, %get3A_151] {strides = array<i32>} : memref<3x512xi32, #tpu.memory_space<vmem>>, vector<1x16xi32>,
      %get3A_153 = vector.shape_cast %get3A_152 : vector<1x16xi32> to vector<16xi32>
      %get3A_154 = arith.constant 1 : i32
      %get3A_155 = arith.index_cast %get3A_154 : i32 to index
      %get3A_156 = arith.constant 32 : index
      %get3A_157 = tpu.vector_load %arg8[%get3A_155, %get3A_156] {strides = array<i32>} : memref<3x512xi32, #tpu.memory_space<vmem>>, vector<1x16xi32>,
      %get3A_158 = vector.shape_cast %get3A_157 : vector<1x16xi32> to vector<16xi32>
      %get3A_159 = arith.constant 2 : i32
      %get3A_160 = arith.index_cast %get3A_159 : i32 to index
      %get3A_161 = arith.constant 32 : index
      %get3A_162 = tpu.vector_load %arg8[%get3A_160, %get3A_161] {strides = array<i32>} : memref<3x512xi32, #tpu.memory_space<vmem>>, vector<1x16xi32>,
      %get3A_163 = vector.shape_cast %get3A_162 : vector<1x16xi32> to vector<16xi32>
      %mul3A_164 = arith.constant 11 : i32
      %mul3A_165 = vector.broadcast %mul3A_164 : i32 to vector<16xi32>
      %mul3A_166 = arith.muli %get3A_153, %mul3A_165 : vector<16xi32>
      %add3A_167 = arith.addi %mul3A_166, %get3A_158 : vector<16xi32>
      %mul3A_168 = arith.constant 11 : i32
      %mul3A_169 = vector.broadcast %mul3A_168 : i32 to vector<16xi32>
      %mul3A_170 = arith.muli %add3A_167, %mul3A_169 : vector<16xi32>
      %add3A_171 = arith.addi %mul3A_170, %get3A_163 : vector<16xi32>
      %swap3A_172 = arith.constant 32 : index
      %swap3A_173 = tpu.vector_load %arg10[%swap3A_172] {strides = array<i32>} : memref<256xi32, #tpu.memory_space<vmem>>, vector<16xi32>,
      %swap3A_174 = vector.shape_cast %swap3A_173 : vector<16xi32> to vector<16xi32>
      %swap3A_175 = vector.shape_cast %add3A_171 : vector<16xi32> to vector<16xi32>
      tpu.vector_store %arg10[%swap3A_172], %swap3A_175 {strides = array<i32>} : memref<256xi32, #tpu.memory_space<vmem>>, vector<16xi32>,
      %get3A_176 = arith.constant 0 : i32
      %get3A_177 = arith.index_cast %get3A_176 : i32 to index
      %get3A_178 = arith.constant 48 : index
      %get3A_179 = tpu.vector_load %arg8[%get3A_177, %get3A_178] {strides = array<i32>} : memref<3x512xi32, #tpu.memory_space<vmem>>, vector<1x16xi32>,
      %get3A_180 = vector.shape_cast %get3A_179 : vector<1x16xi32> to vector<16xi32>
      %get3A_181 = arith.constant 1 : i32
      %get3A_182 = arith.index_cast %get3A_181 : i32 to index
      %get3A_183 = arith.constant 48 : index
      %get3A_184 = tpu.vector_load %arg8[%get3A_182, %get3A_183] {strides = array<i32>} : memref<3x512xi32, #tpu.memory_space<vmem>>, vector<1x16xi32>,
      %get3A_185 = vector.shape_cast %get3A_184 : vector<1x16xi32> to vector<16xi32>
      %get3A_186 = arith.constant 2 : i32
      %get3A_187 = arith.index_cast %get3A_186 : i32 to index
      %get3A_188 = arith.constant 48 : index
      %get3A_189 = tpu.vector_load %arg8[%get3A_187, %get3A_188] {strides = array<i32>} : memref<3x512xi32, #tpu.memory_space<vmem>>, vector<1x16xi32>,
      %get3A_190 = vector.shape_cast %get3A_189 : vector<1x16xi32> to vector<16xi32>
      %mul3A_191 = arith.constant 11 : i32
      %mul3A_192 = vector.broadcast %mul3A_191 : i32 to vector<16xi32>
      %mul3A_193 = arith.muli %get3A_180, %mul3A_192 : vector<16xi32>
      %add3A_194 = arith.addi %mul3A_193, %get3A_185 : vector<16xi32>
      %mul3A_195 = arith.constant 11 : i32
      %mul3A_196 = vector.broadcast %mul3A_195 : i32 to vector<16xi32>
      %mul3A_197 = arith.muli %add3A_194, %mul3A_196 : vector<16xi32>
      %add3A_198 = arith.addi %mul3A_197, %get3A_190 : vector<16xi32>
      %swap3A_199 = arith.constant 48 : index
      %swap3A_200 = tpu.vector_load %arg10[%swap3A_199] {strides = array<i32>} : memref<256xi32, #tpu.memory_space<vmem>>, vector<16xi32>,
      %swap3A_201 = vector.shape_cast %swap3A_200 : vector<16xi32> to vector<16xi32>
      %swap3A_202 = vector.shape_cast %add3A_198 : vector<16xi32> to vector<16xi32>
      tpu.vector_store %arg10[%swap3A_199], %swap3A_202 {strides = array<i32>} : memref<256xi32, #tpu.memory_space<vmem>>, vector<16xi32>,
      %get3A_203 = arith.constant 0 : i32
      %get3A_204 = arith.index_cast %get3A_203 : i32 to index
      %get3A_205 = arith.constant 64 : index
      %get3A_206 = tpu.vector_load %arg8[%get3A_204, %get3A_205] {strides = array<i32>} : memref<3x512xi32, #tpu.memory_space<vmem>>, vector<1x16xi32>,
      %get3A_207 = vector.shape_cast %get3A_206 : vector<1x16xi32> to vector<16xi32>
      %get3A_208 = arith.constant 1 : i32
      %get3A_209 = arith.index_cast %get3A_208 : i32 to index
      %get3A_210 = arith.constant 64 : index
      %get3A_211 = tpu.vector_load %arg8[%get3A_209, %get3A_210] {strides = array<i32>} : memref<3x512xi32, #tpu.memory_space<vmem>>, vector<1x16xi32>,
      %get3A_212 = vector.shape_cast %get3A_211 : vector<1x16xi32> to vector<16xi32>
      %get3A_213 = arith.constant 2 : i32
      %get3A_214 = arith.index_cast %get3A_213 : i32 to index
      %get3A_215 = arith.constant 64 : index
      %get3A_216 = tpu.vector_load %arg8[%get3A_214, %get3A_215] {strides = array<i32>} : memref<3x512xi32, #tpu.memory_space<vmem>>, vector<1x16xi32>,
      %get3A_217 = vector.shape_cast %get3A_216 : vector<1x16xi32> to vector<16xi32>
      %mul3A_218 = arith.constant 11 : i32
      %mul3A_219 = vector.broadcast %mul3A_218 : i32 to vector<16xi32>
      %mul3A_220 = arith.muli %get3A_207, %mul3A_219 : vector<16xi32>
      %add3A_221 = arith.addi %mul3A_220, %get3A_212 : vector<16xi32>
      %mul3A_222 = arith.constant 11 : i32
      %mul3A_223 = vector.broadcast %mul3A_222 : i32 to vector<16xi32>
      %mul3A_224 = arith.muli %add3A_221, %mul3A_223 : vector<16xi32>
      %add3A_225 = arith.addi %mul3A_224, %get3A_217 : vector<16xi32>
      %swap3A_226 = arith.constant 64 : index
      %swap3A_227 = tpu.vector_load %arg10[%swap3A_226] {strides = array<i32>} : memref<256xi32, #tpu.memory_space<vmem>>, vector<16xi32>,
      %swap3A_228 = vector.shape_cast %swap3A_227 : vector<16xi32> to vector<16xi32>
      %swap3A_229 = vector.shape_cast %add3A_225 : vector<16xi32> to vector<16xi32>
      tpu.vector_store %arg10[%swap3A_226], %swap3A_229 {strides = array<i32>} : memref<256xi32, #tpu.memory_space<vmem>>, vector<16xi32>,
      %get3A_230 = arith.constant 0 : i32
      %get3A_231 = arith.index_cast %get3A_230 : i32 to index
      %get3A_232 = arith.constant 80 : index
      %get3A_233 = tpu.vector_load %arg8[%get3A_231, %get3A_232] {strides = array<i32>} : memref<3x512xi32, #tpu.memory_space<vmem>>, vector<1x16xi32>,
      %get3A_234 = vector.shape_cast %get3A_233 : vector<1x16xi32> to vector<16xi32>
      %get3A_235 = arith.constant 1 : i32
      %get3A_236 = arith.index_cast %get3A_235 : i32 to index
      %get3A_237 = arith.constant 80 : index
      %get3A_238 = tpu.vector_load %arg8[%get3A_236, %get3A_237] {strides = array<i32>} : memref<3x512xi32, #tpu.memory_space<vmem>>, vector<1x16xi32>,
      %get3A_239 = vector.shape_cast %get3A_238 : vector<1x16xi32> to vector<16xi32>
      %get3A_240 = arith.constant 2 : i32
      %get3A_241 = arith.index_cast %get3A_240 : i32 to index
      %get3A_242 = arith.constant 80 : index
      %get3A_243 = tpu.vector_load %arg8[%get3A_241, %get3A_242] {strides = array<i32>} : memref<3x512xi32, #tpu.memory_space<vmem>>, vector<1x16xi32>,
      %get3A_244 = vector.shape_cast %get3A_243 : vector<1x16xi32> to vector<16xi32>
      %mul3A_245 = arith.constant 11 : i32
      %mul3A_246 = vector.broadcast %mul3A_245 : i32 to vector<16xi32>
      %mul3A_247 = arith.muli %get3A_234, %mul3A_246 : vector<16xi32>
      %add3A_248 = arith.addi %mul3A_247, %get3A_239 : vector<16xi32>
      %mul3A_249 = arith.constant 11 : i32
      %mul3A_250 = vector.broadcast %mul3A_249 : i32 to vector<16xi32>
      %mul3A_251 = arith.muli %add3A_248, %mul3A_250 : vector<16xi32>
      %add3A_252 = arith.addi %mul3A_251, %get3A_244 : vector<16xi32>
      %swap3A_253 = arith.constant 80 : index
      %swap3A_254 = tpu.vector_load %arg10[%swap3A_253] {strides = array<i32>} : memref<256xi32, #tpu.memory_space<vmem>>, vector<16xi32>,
      %swap3A_255 = vector.shape_cast %swap3A_254 : vector<16xi32> to vector<16xi32>
      %swap3A_256 = vector.shape_cast %add3A_252 : vector<16xi32> to vector<16xi32>
      tpu.vector_store %arg10[%swap3A_253], %swap3A_256 {strides = array<i32>} : memref<256xi32, #tpu.memory_space<vmem>>, vector<16xi32>,
      %get3A_257 = arith.constant 0 : i32
      %get3A_258 = arith.index_cast %get3A_257 : i32 to index
      %get3A_259 = arith.constant 96 : index
      %get3A_260 = tpu.vector_load %arg8[%get3A_258, %get3A_259] {strides = array<i32>} : memref<3x512xi32, #tpu.memory_space<vmem>>, vector<1x16xi32>,
      %get3A_261 = vector.shape_cast %get3A_260 : vector<1x16xi32> to vector<16xi32>
      %get3A_262 = arith.constant 1 : i32
      %get3A_263 = arith.index_cast %get3A_262 : i32 to index
      %get3A_264 = arith.constant 96 : index
      %get3A_265 = tpu.vector_load %arg8[%get3A_263, %get3A_264] {strides = array<i32>} : memref<3x512xi32, #tpu.memory_space<vmem>>, vector<1x16xi32>,
      %get3A_266 = vector.shape_cast %get3A_265 : vector<1x16xi32> to vector<16xi32>
      %get3A_267 = arith.constant 2 : i32
      %get3A_268 = arith.index_cast %get3A_267 : i32 to index
      %get3A_269 = arith.constant 96 : index
      %get3A_270 = tpu.vector_load %arg8[%get3A_268, %get3A_269] {strides = array<i32>} : memref<3x512xi32, #tpu.memory_space<vmem>>, vector<1x16xi32>,
      %get3A_271 = vector.shape_cast %get3A_270 : vector<1x16xi32> to vector<16xi32>
      %mul3A_272 = arith.constant 11 : i32
      %mul3A_273 = vector.broadcast %mul3A_272 : i32 to vector<16xi32>
      %mul3A_274 = arith.muli %get3A_261, %mul3A_273 : vector<16xi32>
      %add3A_275 = arith.addi %mul3A_274, %get3A_266 : vector<16xi32>
      %mul3A_276 = arith.constant 11 : i32
      %mul3A_277 = vector.broadcast %mul3A_276 : i32 to vector<16xi32>
      %mul3A_278 = arith.muli %add3A_275, %mul3A_277 : vector<16xi32>
      %add3A_279 = arith.addi %mul3A_278, %get3A_271 : vector<16xi32>
      %swap3A_280 = arith.constant 96 : index
      %swap3A_281 = tpu.vector_load %arg10[%swap3A_280] {strides = array<i32>} : memref<256xi32, #tpu.memory_space<vmem>>, vector<16xi32>,
      %swap3A_282 = vector.shape_cast %swap3A_281 : vector<16xi32> to vector<16xi32>
      %swap3A_283 = vector.shape_cast %add3A_279 : vector<16xi32> to vector<16xi32>
      tpu.vector_store %arg10[%swap3A_280], %swap3A_283 {strides = array<i32>} : memref<256xi32, #tpu.memory_space<vmem>>, vector<16xi32>,
      %get3A_284 = arith.constant 0 : i32
      %get3A_285 = arith.index_cast %get3A_284 : i32 to index
      %get3A_286 = arith.constant 112 : index
      %get3A_287 = tpu.vector_load %arg8[%get3A_285, %get3A_286] {strides = array<i32>} : memref<3x512xi32, #tpu.memory_space<vmem>>, vector<1x16xi32>,
      %get3A_288 = vector.shape_cast %get3A_287 : vector<1x16xi32> to vector<16xi32>
      %get3A_289 = arith.constant 1 : i32
      %get3A_290 = arith.index_cast %get3A_289 : i32 to index
      %get3A_291 = arith.constant 112 : index
      %get3A_292 = tpu.vector_load %arg8[%get3A_290, %get3A_291] {strides = array<i32>} : memref<3x512xi32, #tpu.memory_space<vmem>>, vector<1x16xi32>,
      %get3A_293 = vector.shape_cast %get3A_292 : vector<1x16xi32> to vector<16xi32>
      %get3A_294 = arith.constant 2 : i32
      %get3A_295 = arith.index_cast %get3A_294 : i32 to index
      %get3A_296 = arith.constant 112 : index
      %get3A_297 = tpu.vector_load %arg8[%get3A_295, %get3A_296] {strides = array<i32>} : memref<3x512xi32, #tpu.memory_space<vmem>>, vector<1x16xi32>,
      %get3A_298 = vector.shape_cast %get3A_297 : vector<1x16xi32> to vector<16xi32>
      %mul3A_299 = arith.constant 11 : i32
      %mul3A_300 = vector.broadcast %mul3A_299 : i32 to vector<16xi32>
      %mul3A_301 = arith.muli %get3A_288, %mul3A_300 : vector<16xi32>
      %add3A_302 = arith.addi %mul3A_301, %get3A_293 : vector<16xi32>
      %mul3A_303 = arith.constant 11 : i32
      %mul3A_304 = vector.broadcast %mul3A_303 : i32 to vector<16xi32>
      %mul3A_305 = arith.muli %add3A_302, %mul3A_304 : vector<16xi32>
      %add3A_306 = arith.addi %mul3A_305, %get3A_298 : vector<16xi32>
      %swap3A_307 = arith.constant 112 : index
      %swap3A_308 = tpu.vector_load %arg10[%swap3A_307] {strides = array<i32>} : memref<256xi32, #tpu.memory_space<vmem>>, vector<16xi32>,
      %swap3A_309 = vector.shape_cast %swap3A_308 : vector<16xi32> to vector<16xi32>
      %swap3A_310 = vector.shape_cast %add3A_306 : vector<16xi32> to vector<16xi32>
      tpu.vector_store %arg10[%swap3A_307], %swap3A_310 {strides = array<i32>} : memref<256xi32, #tpu.memory_space<vmem>>, vector<16xi32>,
      %get3A_311 = arith.constant 0 : i32
      %get3A_312 = arith.index_cast %get3A_311 : i32 to index
      %get3A_313 = arith.constant 128 : index
      %get3A_314 = tpu.vector_load %arg8[%get3A_312, %get3A_313] {strides = array<i32>} : memref<3x512xi32, #tpu.memory_space<vmem>>, vector<1x16xi32>,
      %get3A_315 = vector.shape_cast %get3A_314 : vector<1x16xi32> to vector<16xi32>
      %get3A_316 = arith.constant 1 : i32
      %get3A_317 = arith.index_cast %get3A_316 : i32 to index
      %get3A_318 = arith.constant 128 : index
      %get3A_319 = tpu.vector_load %arg8[%get3A_317, %get3A_318] {strides = array<i32>} : memref<3x512xi32, #tpu.memory_space<vmem>>, vector<1x16xi32>,
      %get3A_320 = vector.shape_cast %get3A_319 : vector<1x16xi32> to vector<16xi32>
      %get3A_321 = arith.constant 2 : i32
      %get3A_322 = arith.index_cast %get3A_321 : i32 to index
      %get3A_323 = arith.constant 128 : index
      %get3A_324 = tpu.vector_load %arg8[%get3A_322, %get3A_323] {strides = array<i32>} : memref<3x512xi32, #tpu.memory_space<vmem>>, vector<1x16xi32>,
      %get3A_325 = vector.shape_cast %get3A_324 : vector<1x16xi32> to vector<16xi32>
      %mul3A_326 = arith.constant 11 : i32
      %mul3A_327 = vector.broadcast %mul3A_326 : i32 to vector<16xi32>
      %mul3A_328 = arith.muli %get3A_315, %mul3A_327 : vector<16xi32>
      %add3A_329 = arith.addi %mul3A_328, %get3A_320 : vector<16xi32>
      %mul3A_330 = arith.constant 11 : i32
      %mul3A_331 = vector.broadcast %mul3A_330 : i32 to vector<16xi32>
      %mul3A_332 = arith.muli %add3A_329, %mul3A_331 : vector<16xi32>
      %add3A_333 = arith.addi %mul3A_332, %get3A_325 : vector<16xi32>
      %swap3A_334 = arith.constant 128 : index
      %swap3A_335 = tpu.vector_load %arg10[%swap3A_334] {strides = array<i32>} : memref<256xi32, #tpu.memory_space<vmem>>, vector<16xi32>,
      %swap3A_336 = vector.shape_cast %swap3A_335 : vector<16xi32> to vector<16xi32>
      %swap3A_337 = vector.shape_cast %add3A_333 : vector<16xi32> to vector<16xi32>
      tpu.vector_store %arg10[%swap3A_334], %swap3A_337 {strides = array<i32>} : memref<256xi32, #tpu.memory_space<vmem>>, vector<16xi32>,
      %get3A_338 = arith.constant 0 : i32
      %get3A_339 = arith.index_cast %get3A_338 : i32 to index
      %get3A_340 = arith.constant 144 : index
      %get3A_341 = tpu.vector_load %arg8[%get3A_339, %get3A_340] {strides = array<i32>} : memref<3x512xi32, #tpu.memory_space<vmem>>, vector<1x16xi32>,
      %get3A_342 = vector.shape_cast %get3A_341 : vector<1x16xi32> to vector<16xi32>
      %get3A_343 = arith.constant 1 : i32
      %get3A_344 = arith.index_cast %get3A_343 : i32 to index
      %get3A_345 = arith.constant 144 : index
      %get3A_346 = tpu.vector_load %arg8[%get3A_344, %get3A_345] {strides = array<i32>} : memref<3x512xi32, #tpu.memory_space<vmem>>, vector<1x16xi32>,
      %get3A_347 = vector.shape_cast %get3A_346 : vector<1x16xi32> to vector<16xi32>
      %get3A_348 = arith.constant 2 : i32
      %get3A_349 = arith.index_cast %get3A_348 : i32 to index
      %get3A_350 = arith.constant 144 : index
      %get3A_351 = tpu.vector_load %arg8[%get3A_349, %get3A_350] {strides = array<i32>} : memref<3x512xi32, #tpu.memory_space<vmem>>, vector<1x16xi32>,
      %get3A_352 = vector.shape_cast %get3A_351 : vector<1x16xi32> to vector<16xi32>
      %mul3A_353 = arith.constant 11 : i32
      %mul3A_354 = vector.broadcast %mul3A_353 : i32 to vector<16xi32>
      %mul3A_355 = arith.muli %get3A_342, %mul3A_354 : vector<16xi32>
      %add3A_356 = arith.addi %mul3A_355, %get3A_347 : vector<16xi32>
      %mul3A_357 = arith.constant 11 : i32
      %mul3A_358 = vector.broadcast %mul3A_357 : i32 to vector<16xi32>
      %mul3A_359 = arith.muli %add3A_356, %mul3A_358 : vector<16xi32>
      %add3A_360 = arith.addi %mul3A_359, %get3A_352 : vector<16xi32>
      %swap3A_361 = arith.constant 144 : index
      %swap3A_362 = tpu.vector_load %arg10[%swap3A_361] {strides = array<i32>} : memref<256xi32, #tpu.memory_space<vmem>>, vector<16xi32>,
      %swap3A_363 = vector.shape_cast %swap3A_362 : vector<16xi32> to vector<16xi32>
      %swap3A_364 = vector.shape_cast %add3A_360 : vector<16xi32> to vector<16xi32>
      tpu.vector_store %arg10[%swap3A_361], %swap3A_364 {strides = array<i32>} : memref<256xi32, #tpu.memory_space<vmem>>, vector<16xi32>,
      %get3A_365 = arith.constant 0 : i32
      %get3A_366 = arith.index_cast %get3A_365 : i32 to index
      %get3A_367 = arith.constant 160 : index
      %get3A_368 = tpu.vector_load %arg8[%get3A_366, %get3A_367] {strides = array<i32>} : memref<3x512xi32, #tpu.memory_space<vmem>>, vector<1x16xi32>,
      %get3A_369 = vector.shape_cast %get3A_368 : vector<1x16xi32> to vector<16xi32>
      %get3A_370 = arith.constant 1 : i32
      %get3A_371 = arith.index_cast %get3A_370 : i32 to index
      %get3A_372 = arith.constant 160 : index
      %get3A_373 = tpu.vector_load %arg8[%get3A_371, %get3A_372] {strides = array<i32>} : memref<3x512xi32, #tpu.memory_space<vmem>>, vector<1x16xi32>,
      %get3A_374 = vector.shape_cast %get3A_373 : vector<1x16xi32> to vector<16xi32>
      %get3A_375 = arith.constant 2 : i32
      %get3A_376 = arith.index_cast %get3A_375 : i32 to index
      %get3A_377 = arith.constant 160 : index
      %get3A_378 = tpu.vector_load %arg8[%get3A_376, %get3A_377] {strides = array<i32>} : memref<3x512xi32, #tpu.memory_space<vmem>>, vector<1x16xi32>,
      %get3A_379 = vector.shape_cast %get3A_378 : vector<1x16xi32> to vector<16xi32>
      %mul3A_380 = arith.constant 11 : i32
      %mul3A_381 = vector.broadcast %mul3A_380 : i32 to vector<16xi32>
      %mul3A_382 = arith.muli %get3A_369, %mul3A_381 : vector<16xi32>
      %add3A_383 = arith.addi %mul3A_382, %get3A_374 : vector<16xi32>
      %mul3A_384 = arith.constant 11 : i32
      %mul3A_385 = vector.broadcast %mul3A_384 : i32 to vector<16xi32>
      %mul3A_386 = arith.muli %add3A_383, %mul3A_385 : vector<16xi32>
      %add3A_387 = arith.addi %mul3A_386, %get3A_379 : vector<16xi32>
      %swap3A_388 = arith.constant 160 : index
      %swap3A_389 = tpu.vector_load %arg10[%swap3A_388] {strides = array<i32>} : memref<256xi32, #tpu.memory_space<vmem>>, vector<16xi32>,
      %swap3A_390 = vector.shape_cast %swap3A_389 : vector<16xi32> to vector<16xi32>
      %swap3A_391 = vector.shape_cast %add3A_387 : vector<16xi32> to vector<16xi32>
      tpu.vector_store %arg10[%swap3A_388], %swap3A_391 {strides = array<i32>} : memref<256xi32, #tpu.memory_space<vmem>>, vector<16xi32>,
      %get3A_392 = arith.constant 0 : i32
      %get3A_393 = arith.index_cast %get3A_392 : i32 to index
      %get3A_394 = arith.constant 176 : index
      %get3A_395 = tpu.vector_load %arg8[%get3A_393, %get3A_394] {strides = array<i32>} : memref<3x512xi32, #tpu.memory_space<vmem>>, vector<1x16xi32>,
      %get3A_396 = vector.shape_cast %get3A_395 : vector<1x16xi32> to vector<16xi32>
      %get3A_397 = arith.constant 1 : i32
      %get3A_398 = arith.index_cast %get3A_397 : i32 to index
      %get3A_399 = arith.constant 176 : index
      %get3A_400 = tpu.vector_load %arg8[%get3A_398, %get3A_399] {strides = array<i32>} : memref<3x512xi32, #tpu.memory_space<vmem>>, vector<1x16xi32>,
      %get3A_401 = vector.shape_cast %get3A_400 : vector<1x16xi32> to vector<16xi32>
      %get3A_402 = arith.constant 2 : i32
      %get3A_403 = arith.index_cast %get3A_402 : i32 to index
      %get3A_404 = arith.constant 176 : index
      %get3A_405 = tpu.vector_load %arg8[%get3A_403, %get3A_404] {strides = array<i32>} : memref<3x512xi32, #tpu.memory_space<vmem>>, vector<1x16xi32>,
      %get3A_406 = vector.shape_cast %get3A_405 : vector<1x16xi32> to vector<16xi32>
      %mul3A_407 = arith.constant 11 : i32
      %mul3A_408 = vector.broadcast %mul3A_407 : i32 to vector<16xi32>
      %mul3A_409 = arith.muli %get3A_396, %mul3A_408 : vector<16xi32>
      %add3A_410 = arith.addi %mul3A_409, %get3A_401 : vector<16xi32>
      %mul3A_411 = arith.constant 11 : i32
      %mul3A_412 = vector.broadcast %mul3A_411 : i32 to vector<16xi32>
      %mul3A_413 = arith.muli %add3A_410, %mul3A_412 : vector<16xi32>
      %add3A_414 = arith.addi %mul3A_413, %get3A_406 : vector<16xi32>
      %swap3A_415 = arith.constant 176 : index
      %swap3A_416 = tpu.vector_load %arg10[%swap3A_415] {strides = array<i32>} : memref<256xi32, #tpu.memory_space<vmem>>, vector<16xi32>,
      %swap3A_417 = vector.shape_cast %swap3A_416 : vector<16xi32> to vector<16xi32>
      %swap3A_418 = vector.shape_cast %add3A_414 : vector<16xi32> to vector<16xi32>
      tpu.vector_store %arg10[%swap3A_415], %swap3A_418 {strides = array<i32>} : memref<256xi32, #tpu.memory_space<vmem>>, vector<16xi32>,
      %get3A_419 = arith.constant 0 : i32
      %get3A_420 = arith.index_cast %get3A_419 : i32 to index
      %get3A_421 = arith.constant 192 : index
      %get3A_422 = tpu.vector_load %arg8[%get3A_420, %get3A_421] {strides = array<i32>} : memref<3x512xi32, #tpu.memory_space<vmem>>, vector<1x16xi32>,
      %get3A_423 = vector.shape_cast %get3A_422 : vector<1x16xi32> to vector<16xi32>
      %get3A_424 = arith.constant 1 : i32
      %get3A_425 = arith.index_cast %get3A_424 : i32 to index
      %get3A_426 = arith.constant 192 : index
      %get3A_427 = tpu.vector_load %arg8[%get3A_425, %get3A_426] {strides = array<i32>} : memref<3x512xi32, #tpu.memory_space<vmem>>, vector<1x16xi32>,
      %get3A_428 = vector.shape_cast %get3A_427 : vector<1x16xi32> to vector<16xi32>
      %get3A_429 = arith.constant 2 : i32
      %get3A_430 = arith.index_cast %get3A_429 : i32 to index
      %get3A_431 = arith.constant 192 : index
      %get3A_432 = tpu.vector_load %arg8[%get3A_430, %get3A_431] {strides = array<i32>} : memref<3x512xi32, #tpu.memory_space<vmem>>, vector<1x16xi32>,
      %get3A_433 = vector.shape_cast %get3A_432 : vector<1x16xi32> to vector<16xi32>
      %mul3A_434 = arith.constant 11 : i32
      %mul3A_435 = vector.broadcast %mul3A_434 : i32 to vector<16xi32>
      %mul3A_436 = arith.muli %get3A_423, %mul3A_435 : vector<16xi32>
      %add3A_437 = arith.addi %mul3A_436, %get3A_428 : vector<16xi32>
      %mul3A_438 = arith.constant 11 : i32
      %mul3A_439 = vector.broadcast %mul3A_438 : i32 to vector<16xi32>
      %mul3A_440 = arith.muli %add3A_437, %mul3A_439 : vector<16xi32>
      %add3A_441 = arith.addi %mul3A_440, %get3A_433 : vector<16xi32>
      %swap3A_442 = arith.constant 192 : index
      %swap3A_443 = tpu.vector_load %arg10[%swap3A_442] {strides = array<i32>} : memref<256xi32, #tpu.memory_space<vmem>>, vector<16xi32>,
      %swap3A_444 = vector.shape_cast %swap3A_443 : vector<16xi32> to vector<16xi32>
      %swap3A_445 = vector.shape_cast %add3A_441 : vector<16xi32> to vector<16xi32>
      tpu.vector_store %arg10[%swap3A_442], %swap3A_445 {strides = array<i32>} : memref<256xi32, #tpu.memory_space<vmem>>, vector<16xi32>,
      %get3A_446 = arith.constant 0 : i32
      %get3A_447 = arith.index_cast %get3A_446 : i32 to index
      %get3A_448 = arith.constant 208 : index
      %get3A_449 = tpu.vector_load %arg8[%get3A_447, %get3A_448] {strides = array<i32>} : memref<3x512xi32, #tpu.memory_space<vmem>>, vector<1x16xi32>,
      %get3A_450 = vector.shape_cast %get3A_449 : vector<1x16xi32> to vector<16xi32>
      %get3A_451 = arith.constant 1 : i32
      %get3A_452 = arith.index_cast %get3A_451 : i32 to index
      %get3A_453 = arith.constant 208 : index
      %get3A_454 = tpu.vector_load %arg8[%get3A_452, %get3A_453] {strides = array<i32>} : memref<3x512xi32, #tpu.memory_space<vmem>>, vector<1x16xi32>,
      %get3A_455 = vector.shape_cast %get3A_454 : vector<1x16xi32> to vector<16xi32>
      %get3A_456 = arith.constant 2 : i32
      %get3A_457 = arith.index_cast %get3A_456 : i32 to index
      %get3A_458 = arith.constant 208 : index
      %get3A_459 = tpu.vector_load %arg8[%get3A_457, %get3A_458] {strides = array<i32>} : memref<3x512xi32, #tpu.memory_space<vmem>>, vector<1x16xi32>,
      %get3A_460 = vector.shape_cast %get3A_459 : vector<1x16xi32> to vector<16xi32>
      %mul3A_461 = arith.constant 11 : i32
      %mul3A_462 = vector.broadcast %mul3A_461 : i32 to vector<16xi32>
      %mul3A_463 = arith.muli %get3A_450, %mul3A_462 : vector<16xi32>
      %add3A_464 = arith.addi %mul3A_463, %get3A_455 : vector<16xi32>
      %mul3A_465 = arith.constant 11 : i32
      %mul3A_466 = vector.broadcast %mul3A_465 : i32 to vector<16xi32>
      %mul3A_467 = arith.muli %add3A_464, %mul3A_466 : vector<16xi32>
      %add3A_468 = arith.addi %mul3A_467, %get3A_460 : vector<16xi32>
      %swap3A_469 = arith.constant 208 : index
      %swap3A_470 = tpu.vector_load %arg10[%swap3A_469] {strides = array<i32>} : memref<256xi32, #tpu.memory_space<vmem>>, vector<16xi32>,
      %swap3A_471 = vector.shape_cast %swap3A_470 : vector<16xi32> to vector<16xi32>
      %swap3A_472 = vector.shape_cast %add3A_468 : vector<16xi32> to vector<16xi32>
      tpu.vector_store %arg10[%swap3A_469], %swap3A_472 {strides = array<i32>} : memref<256xi32, #tpu.memory_space<vmem>>, vector<16xi32>,
      %get3A_473 = arith.constant 0 : i32
      %get3A_474 = arith.index_cast %get3A_473 : i32 to index
      %get3A_475 = arith.constant 224 : index
      %get3A_476 = tpu.vector_load %arg8[%get3A_474, %get3A_475] {strides = array<i32>} : memref<3x512xi32, #tpu.memory_space<vmem>>, vector<1x16xi32>,
      %get3A_477 = vector.shape_cast %get3A_476 : vector<1x16xi32> to vector<16xi32>
      %get3A_478 = arith.constant 1 : i32
      %get3A_479 = arith.index_cast %get3A_478 : i32 to index
      %get3A_480 = arith.constant 224 : index
      %get3A_481 = tpu.vector_load %arg8[%get3A_479, %get3A_480] {strides = array<i32>} : memref<3x512xi32, #tpu.memory_space<vmem>>, vector<1x16xi32>,
      %get3A_482 = vector.shape_cast %get3A_481 : vector<1x16xi32> to vector<16xi32>
      %get3A_483 = arith.constant 2 : i32
      %get3A_484 = arith.index_cast %get3A_483 : i32 to index
      %get3A_485 = arith.constant 224 : index
      %get3A_486 = tpu.vector_load %arg8[%get3A_484, %get3A_485] {strides = array<i32>} : memref<3x512xi32, #tpu.memory_space<vmem>>, vector<1x16xi32>,
      %get3A_487 = vector.shape_cast %get3A_486 : vector<1x16xi32> to vector<16xi32>
      %mul3A_488 = arith.constant 11 : i32
      %mul3A_489 = vector.broadcast %mul3A_488 : i32 to vector<16xi32>
      %mul3A_490 = arith.muli %get3A_477, %mul3A_489 : vector<16xi32>
      %add3A_491 = arith.addi %mul3A_490, %get3A_482 : vector<16xi32>
      %mul3A_492 = arith.constant 11 : i32
      %mul3A_493 = vector.broadcast %mul3A_492 : i32 to vector<16xi32>
      %mul3A_494 = arith.muli %add3A_491, %mul3A_493 : vector<16xi32>
      %add3A_495 = arith.addi %mul3A_494, %get3A_487 : vector<16xi32>
      %swap3A_496 = arith.constant 224 : index
      %swap3A_497 = tpu.vector_load %arg10[%swap3A_496] {strides = array<i32>} : memref<256xi32, #tpu.memory_space<vmem>>, vector<16xi32>,
      %swap3A_498 = vector.shape_cast %swap3A_497 : vector<16xi32> to vector<16xi32>
      %swap3A_499 = vector.shape_cast %add3A_495 : vector<16xi32> to vector<16xi32>
      tpu.vector_store %arg10[%swap3A_496], %swap3A_499 {strides = array<i32>} : memref<256xi32, #tpu.memory_space<vmem>>, vector<16xi32>,
      %get3A_500 = arith.constant 0 : i32
      %get3A_501 = arith.index_cast %get3A_500 : i32 to index
      %get3A_502 = arith.constant 240 : index
      %get3A_503 = tpu.vector_load %arg8[%get3A_501, %get3A_502] {strides = array<i32>} : memref<3x512xi32, #tpu.memory_space<vmem>>, vector<1x16xi32>,
      %get3A_504 = vector.shape_cast %get3A_503 : vector<1x16xi32> to vector<16xi32>
      %get3A_505 = arith.constant 1 : i32
      %get3A_506 = arith.index_cast %get3A_505 : i32 to index
      %get3A_507 = arith.constant 240 : index
      %get3A_508 = tpu.vector_load %arg8[%get3A_506, %get3A_507] {strides = array<i32>} : memref<3x512xi32, #tpu.memory_space<vmem>>, vector<1x16xi32>,
      %get3A_509 = vector.shape_cast %get3A_508 : vector<1x16xi32> to vector<16xi32>
      %get3A_510 = arith.constant 2 : i32
      %get3A_511 = arith.index_cast %get3A_510 : i32 to index
      %get3A_512 = arith.constant 240 : index
      %get3A_513 = tpu.vector_load %arg8[%get3A_511, %get3A_512] {strides = array<i32>} : memref<3x512xi32, #tpu.memory_space<vmem>>, vector<1x16xi32>,
      %get3A_514 = vector.shape_cast %get3A_513 : vector<1x16xi32> to vector<16xi32>
      %mul3A_515 = arith.constant 11 : i32
      %mul3A_516 = vector.broadcast %mul3A_515 : i32 to vector<16xi32>
      %mul3A_517 = arith.muli %get3A_504, %mul3A_516 : vector<16xi32>
      %add3A_518 = arith.addi %mul3A_517, %get3A_509 : vector<16xi32>
      %mul3A_519 = arith.constant 11 : i32
      %mul3A_520 = vector.broadcast %mul3A_519 : i32 to vector<16xi32>
      %mul3A_521 = arith.muli %add3A_518, %mul3A_520 : vector<16xi32>
      %add3A_522 = arith.addi %mul3A_521, %get3A_514 : vector<16xi32>
      %swap3A_523 = arith.constant 240 : index
      %swap3A_524 = tpu.vector_load %arg10[%swap3A_523] {strides = array<i32>} : memref<256xi32, #tpu.memory_space<vmem>>, vector<16xi32>,
      %swap3A_525 = vector.shape_cast %swap3A_524 : vector<16xi32> to vector<16xi32>
      %swap3A_526 = vector.shape_cast %add3A_522 : vector<16xi32> to vector<16xi32>
      tpu.vector_store %arg10[%swap3A_523], %swap3A_526 {strides = array<i32>} : memref<256xi32, #tpu.memory_space<vmem>>, vector<16xi32>,
      %gt3A = arith.constant 0 : i32
      %gt3A_527 = arith.cmpi sgt, %mul3A_85, %gt3A : i32
      %convert_element_type3A_528 = arith.extui %gt3A_527 : i1 to i32
      %cond3A_529 = arith.constant 0 : i32
      %cond3A_530 = arith.cmpi ne, %convert_element_type3A_528, %cond3A_529 : i32
      scf.if %cond3A_530 {
        %dma_wait3A_1056 = arith.constant 0 : i32
        %dma_wait3A_1057 = arith.constant 0 : i32
        %dma_wait3A_1058 = tpu.memref_slice %arg4[%dma_wait3A_1056, %mul3A_2, %dma_wait3A_1057] : memref<49x16384x128xf32, #tpu.memory_space<hbm>> -> memref<1x256x128xf32, #tpu.memory_space<hbm>>
        %dma_wait3A_1059 = tpu.memref_squeeze %dma_wait3A_1058 : memref<1x256x128xf32, #tpu.memory_space<hbm>> -> memref<256x128xf32, #tpu.memory_space<hbm>>
        %dma_wait3A_1060 = arith.constant 0 : i32
        %dma_wait3A_1061 = tpu.memref_slice %arg4[%dma_wait3A_1056, %mul3A_2, %dma_wait3A_1060] : memref<49x16384x128xf32, #tpu.memory_space<hbm>> -> memref<1x256x128xf32, #tpu.memory_space<hbm>>
        %dma_wait3A_1062 = tpu.memref_squeeze %dma_wait3A_1061 : memref<1x256x128xf32, #tpu.memory_space<hbm>> -> memref<256x128xf32, #tpu.memory_space<hbm>>
        tpu.wait_dma2 semaphore(%arg15 : memref<!tpu.dma_semaphore, #tpu.memory_space<semaphore_mem>>) src(%arg12 : memref<256x128xf32, #tpu.memory_space<vmem>>) dst(%dma_wait3A_1062 : memref<256x128xf32, #tpu.memory_space<hbm>>)
      } else {
      }
      %dma_start3A_531 = arith.constant 0 : i32
      %dma_start3A_532 = arith.constant 0 : i32
      %dma_start3A_533 = tpu.memref_slice %arg12[%dma_start3A_531, %dma_start3A_532] : memref<256x128xf32, #tpu.memory_space<vmem>> -> memref<128x128xf32, #tpu.memory_space<vmem>>
      %dma_start3A_534 = arith.constant 0 : i32
      %dma_start3A_535 = tpu.memref_slice %arg10[%dma_start3A_534] : memref<256xi32, #tpu.memory_space<vmem>> -> memref<128xi32, #tpu.memory_space<vmem>>
      %dma_start3A_536 = arith.constant 0 : i32
      %dma_start3A_537 = arith.constant 0 : i32
      %dma_start3A_538 = tpu.memref_slice %arg7[%dma_start3A_536, %dma_start3A_537] : memref<1344x128xf32, #tpu.memory_space<vmem_shared>> -> memref<1344x128xf32, #tpu.memory_space<vmem_shared>>
      tpu.enqueue_indirect_dma source(%dma_start3A_538 : memref<1344x128xf32, #tpu.memory_space<vmem_shared>>) target(%dma_start3A_533 : memref<128x128xf32, #tpu.memory_space<vmem>>) offsets(%dma_start3A_535 : memref<128xi32, #tpu.memory_space<vmem>>) semaphore(%arg14 : memref<!tpu.dma_semaphore, #tpu.memory_space<semaphore_mem>>)
      %dma_start3A_539 = arith.constant 128 : i32
      %dma_start3A_540 = arith.constant 0 : i32
      %dma_start3A_541 = tpu.memref_slice %arg12[%dma_start3A_539, %dma_start3A_540] : memref<256x128xf32, #tpu.memory_space<vmem>> -> memref<128x128xf32, #tpu.memory_space<vmem>>
      %dma_start3A_542 = arith.constant 128 : i32
      %dma_start3A_543 = tpu.memref_slice %arg10[%dma_start3A_542] : memref<256xi32, #tpu.memory_space<vmem>> -> memref<128xi32, #tpu.memory_space<vmem>>
      %dma_start3A_544 = arith.constant 0 : i32
      %dma_start3A_545 = arith.constant 0 : i32
      %dma_start3A_546 = tpu.memref_slice %arg7[%dma_start3A_544, %dma_start3A_545] : memref<1344x128xf32, #tpu.memory_space<vmem_shared>> -> memref<1344x128xf32, #tpu.memory_space<vmem_shared>>
      tpu.enqueue_indirect_dma source(%dma_start3A_546 : memref<1344x128xf32, #tpu.memory_space<vmem_shared>>) target(%dma_start3A_541 : memref<128x128xf32, #tpu.memory_space<vmem>>) offsets(%dma_start3A_543 : memref<128xi32, #tpu.memory_space<vmem>>) semaphore(%arg14 : memref<!tpu.dma_semaphore, #tpu.memory_space<semaphore_mem>>)
      %dma_wait3A_547 = arith.constant 0 : i32
      %dma_wait3A_548 = arith.constant 0 : i32
      %dma_wait3A_549 = tpu.memref_slice %arg12[%dma_wait3A_547, %dma_wait3A_548] : memref<256x128xf32, #tpu.memory_space<vmem>> -> memref<128x128xf32, #tpu.memory_space<vmem>>
      %dma_wait3A_550 = arith.constant 0 : i32
      %dma_wait3A_551 = tpu.memref_slice %arg10[%dma_wait3A_550] : memref<256xi32, #tpu.memory_space<vmem>> -> memref<128xi32, #tpu.memory_space<vmem>>
      %dma_wait3A_552 = arith.constant 0 : i32
      %dma_wait3A_553 = arith.constant 0 : i32
      %dma_wait3A_554 = tpu.memref_slice %arg7[%dma_wait3A_552, %dma_wait3A_553] : memref<1344x128xf32, #tpu.memory_space<vmem_shared>> -> memref<1344x128xf32, #tpu.memory_space<vmem_shared>>
      tpu.wait_indirect_dma semaphore(%arg14 : memref<!tpu.dma_semaphore, #tpu.memory_space<semaphore_mem>>) src(%dma_wait3A_554 : memref<1344x128xf32, #tpu.memory_space<vmem_shared>>) dst(%dma_wait3A_549 : memref<128x128xf32, #tpu.memory_space<vmem>>)
      %dma_wait3A_555 = arith.constant 128 : i32
      %dma_wait3A_556 = arith.constant 0 : i32
      %dma_wait3A_557 = tpu.memref_slice %arg12[%dma_wait3A_555, %dma_wait3A_556] : memref<256x128xf32, #tpu.memory_space<vmem>> -> memref<128x128xf32, #tpu.memory_space<vmem>>
      %dma_wait3A_558 = arith.constant 128 : i32
      %dma_wait3A_559 = tpu.memref_slice %arg10[%dma_wait3A_558] : memref<256xi32, #tpu.memory_space<vmem>> -> memref<128xi32, #tpu.memory_space<vmem>>
      %dma_wait3A_560 = arith.constant 0 : i32
      %dma_wait3A_561 = arith.constant 0 : i32
      %dma_wait3A_562 = tpu.memref_slice %arg7[%dma_wait3A_560, %dma_wait3A_561] : memref<1344x128xf32, #tpu.memory_space<vmem_shared>> -> memref<1344x128xf32, #tpu.memory_space<vmem_shared>>
      tpu.wait_indirect_dma semaphore(%arg14 : memref<!tpu.dma_semaphore, #tpu.memory_space<semaphore_mem>>) src(%dma_wait3A_562 : memref<1344x128xf32, #tpu.memory_space<vmem_shared>>) dst(%dma_wait3A_557 : memref<128x128xf32, #tpu.memory_space<vmem>>)
      %add3A_563 = arith.constant 0 : i32
      %add3A_564 = arith.addi %mul3A_2, %add3A_563 : i32
      %dma_start3A_565 = arith.constant 0 : i32
      %dma_start3A_566 = tpu.memref_slice %arg4[%mul3A_85, %add3A_564, %dma_start3A_565] : memref<49x16384x128xf32, #tpu.memory_space<hbm>> -> memref<1x256x128xf32, #tpu.memory_space<hbm>>
      %dma_start3A_567 = tpu.memref_squeeze %dma_start3A_566 : memref<1x256x128xf32, #tpu.memory_space<hbm>> -> memref<256x128xf32, #tpu.memory_space<hbm>>
      %dma_start3A_568 = arith.constant 0 : i32
      %dma_start3A_569 = tpu.memref_slice %arg4[%mul3A_85, %add3A_564, %dma_start3A_568] : memref<49x16384x128xf32, #tpu.memory_space<hbm>> -> memref<1x256x128xf32, #tpu.memory_space<hbm>>
      %dma_start3A_570 = tpu.memref_squeeze %dma_start3A_569 : memref<1x256x128xf32, #tpu.memory_space<hbm>> -> memref<256x128xf32, #tpu.memory_space<hbm>>
      tpu.enqueue_dma source(%arg12 : memref<256x128xf32, #tpu.memory_space<vmem>>) target(%dma_start3A_570 : memref<256x128xf32, #tpu.memory_space<hbm>>) target_semaphore(%arg15 : memref<!tpu.dma_semaphore, #tpu.memory_space<semaphore_mem>>)
      %get3A_571 = arith.constant 0 : i32
      %get3A_572 = arith.index_cast %get3A_571 : i32 to index
      %get3A_573 = arith.constant 256 : index
      %get3A_574 = tpu.vector_load %arg8[%get3A_572, %get3A_573] {strides = array<i32>} : memref<3x512xi32, #tpu.memory_space<vmem>>, vector<1x16xi32>,
      %get3A_575 = vector.shape_cast %get3A_574 : vector<1x16xi32> to vector<16xi32>
      %get3A_576 = arith.constant 1 : i32
      %get3A_577 = arith.index_cast %get3A_576 : i32 to index
      %get3A_578 = arith.constant 256 : index
      %get3A_579 = tpu.vector_load %arg8[%get3A_577, %get3A_578] {strides = array<i32>} : memref<3x512xi32, #tpu.memory_space<vmem>>, vector<1x16xi32>,
      %get3A_580 = vector.shape_cast %get3A_579 : vector<1x16xi32> to vector<16xi32>
      %get3A_581 = arith.constant 2 : i32
      %get3A_582 = arith.index_cast %get3A_581 : i32 to index
      %get3A_583 = arith.constant 256 : index
      %get3A_584 = tpu.vector_load %arg8[%get3A_582, %get3A_583] {strides = array<i32>} : memref<3x512xi32, #tpu.memory_space<vmem>>, vector<1x16xi32>,
      %get3A_585 = vector.shape_cast %get3A_584 : vector<1x16xi32> to vector<16xi32>
      %mul3A_586 = arith.constant 11 : i32
      %mul3A_587 = vector.broadcast %mul3A_586 : i32 to vector<16xi32>
      %mul3A_588 = arith.muli %get3A_575, %mul3A_587 : vector<16xi32>
      %add3A_589 = arith.addi %mul3A_588, %get3A_580 : vector<16xi32>
      %mul3A_590 = arith.constant 11 : i32
      %mul3A_591 = vector.broadcast %mul3A_590 : i32 to vector<16xi32>
      %mul3A_592 = arith.muli %add3A_589, %mul3A_591 : vector<16xi32>
      %add3A_593 = arith.addi %mul3A_592, %get3A_585 : vector<16xi32>
      %swap3A_594 = arith.constant 0 : index
      %swap3A_595 = tpu.vector_load %arg11[%swap3A_594] {strides = array<i32>} : memref<256xi32, #tpu.memory_space<vmem>>, vector<16xi32>,
      %swap3A_596 = vector.shape_cast %swap3A_595 : vector<16xi32> to vector<16xi32>
      %swap3A_597 = vector.shape_cast %add3A_593 : vector<16xi32> to vector<16xi32>
      tpu.vector_store %arg11[%swap3A_594], %swap3A_597 {strides = array<i32>} : memref<256xi32, #tpu.memory_space<vmem>>, vector<16xi32>,
      %get3A_598 = arith.constant 0 : i32
      %get3A_599 = arith.index_cast %get3A_598 : i32 to index
      %get3A_600 = arith.constant 272 : index
      %get3A_601 = tpu.vector_load %arg8[%get3A_599, %get3A_600] {strides = array<i32>} : memref<3x512xi32, #tpu.memory_space<vmem>>, vector<1x16xi32>,
      %get3A_602 = vector.shape_cast %get3A_601 : vector<1x16xi32> to vector<16xi32>
      %get3A_603 = arith.constant 1 : i32
      %get3A_604 = arith.index_cast %get3A_603 : i32 to index
      %get3A_605 = arith.constant 272 : index
      %get3A_606 = tpu.vector_load %arg8[%get3A_604, %get3A_605] {strides = array<i32>} : memref<3x512xi32, #tpu.memory_space<vmem>>, vector<1x16xi32>,
      %get3A_607 = vector.shape_cast %get3A_606 : vector<1x16xi32> to vector<16xi32>
      %get3A_608 = arith.constant 2 : i32
      %get3A_609 = arith.index_cast %get3A_608 : i32 to index
      %get3A_610 = arith.constant 272 : index
      %get3A_611 = tpu.vector_load %arg8[%get3A_609, %get3A_610] {strides = array<i32>} : memref<3x512xi32, #tpu.memory_space<vmem>>, vector<1x16xi32>,
      %get3A_612 = vector.shape_cast %get3A_611 : vector<1x16xi32> to vector<16xi32>
      %mul3A_613 = arith.constant 11 : i32
      %mul3A_614 = vector.broadcast %mul3A_613 : i32 to vector<16xi32>
      %mul3A_615 = arith.muli %get3A_602, %mul3A_614 : vector<16xi32>
      %add3A_616 = arith.addi %mul3A_615, %get3A_607 : vector<16xi32>
      %mul3A_617 = arith.constant 11 : i32
      %mul3A_618 = vector.broadcast %mul3A_617 : i32 to vector<16xi32>
      %mul3A_619 = arith.muli %add3A_616, %mul3A_618 : vector<16xi32>
      %add3A_620 = arith.addi %mul3A_619, %get3A_612 : vector<16xi32>
      %swap3A_621 = arith.constant 16 : index
      %swap3A_622 = tpu.vector_load %arg11[%swap3A_621] {strides = array<i32>} : memref<256xi32, #tpu.memory_space<vmem>>, vector<16xi32>,
      %swap3A_623 = vector.shape_cast %swap3A_622 : vector<16xi32> to vector<16xi32>
      %swap3A_624 = vector.shape_cast %add3A_620 : vector<16xi32> to vector<16xi32>
      tpu.vector_store %arg11[%swap3A_621], %swap3A_624 {strides = array<i32>} : memref<256xi32, #tpu.memory_space<vmem>>, vector<16xi32>,
      %get3A_625 = arith.constant 0 : i32
      %get3A_626 = arith.index_cast %get3A_625 : i32 to index
      %get3A_627 = arith.constant 288 : index
      %get3A_628 = tpu.vector_load %arg8[%get3A_626, %get3A_627] {strides = array<i32>} : memref<3x512xi32, #tpu.memory_space<vmem>>, vector<1x16xi32>,
      %get3A_629 = vector.shape_cast %get3A_628 : vector<1x16xi32> to vector<16xi32>
      %get3A_630 = arith.constant 1 : i32
      %get3A_631 = arith.index_cast %get3A_630 : i32 to index
      %get3A_632 = arith.constant 288 : index
      %get3A_633 = tpu.vector_load %arg8[%get3A_631, %get3A_632] {strides = array<i32>} : memref<3x512xi32, #tpu.memory_space<vmem>>, vector<1x16xi32>,
      %get3A_634 = vector.shape_cast %get3A_633 : vector<1x16xi32> to vector<16xi32>
      %get3A_635 = arith.constant 2 : i32
      %get3A_636 = arith.index_cast %get3A_635 : i32 to index
      %get3A_637 = arith.constant 288 : index
      %get3A_638 = tpu.vector_load %arg8[%get3A_636, %get3A_637] {strides = array<i32>} : memref<3x512xi32, #tpu.memory_space<vmem>>, vector<1x16xi32>,
      %get3A_639 = vector.shape_cast %get3A_638 : vector<1x16xi32> to vector<16xi32>
      %mul3A_640 = arith.constant 11 : i32
      %mul3A_641 = vector.broadcast %mul3A_640 : i32 to vector<16xi32>
      %mul3A_642 = arith.muli %get3A_629, %mul3A_641 : vector<16xi32>
      %add3A_643 = arith.addi %mul3A_642, %get3A_634 : vector<16xi32>
      %mul3A_644 = arith.constant 11 : i32
      %mul3A_645 = vector.broadcast %mul3A_644 : i32 to vector<16xi32>
      %mul3A_646 = arith.muli %add3A_643, %mul3A_645 : vector<16xi32>
      %add3A_647 = arith.addi %mul3A_646, %get3A_639 : vector<16xi32>
      %swap3A_648 = arith.constant 32 : index
      %swap3A_649 = tpu.vector_load %arg11[%swap3A_648] {strides = array<i32>} : memref<256xi32, #tpu.memory_space<vmem>>, vector<16xi32>,
      %swap3A_650 = vector.shape_cast %swap3A_649 : vector<16xi32> to vector<16xi32>
      %swap3A_651 = vector.shape_cast %add3A_647 : vector<16xi32> to vector<16xi32>
      tpu.vector_store %arg11[%swap3A_648], %swap3A_651 {strides = array<i32>} : memref<256xi32, #tpu.memory_space<vmem>>, vector<16xi32>,
      %get3A_652 = arith.constant 0 : i32
      %get3A_653 = arith.index_cast %get3A_652 : i32 to index
      %get3A_654 = arith.constant 304 : index
      %get3A_655 = tpu.vector_load %arg8[%get3A_653, %get3A_654] {strides = array<i32>} : memref<3x512xi32, #tpu.memory_space<vmem>>, vector<1x16xi32>,
      %get3A_656 = vector.shape_cast %get3A_655 : vector<1x16xi32> to vector<16xi32>
      %get3A_657 = arith.constant 1 : i32
      %get3A_658 = arith.index_cast %get3A_657 : i32 to index
      %get3A_659 = arith.constant 304 : index
      %get3A_660 = tpu.vector_load %arg8[%get3A_658, %get3A_659] {strides = array<i32>} : memref<3x512xi32, #tpu.memory_space<vmem>>, vector<1x16xi32>,
      %get3A_661 = vector.shape_cast %get3A_660 : vector<1x16xi32> to vector<16xi32>
      %get3A_662 = arith.constant 2 : i32
      %get3A_663 = arith.index_cast %get3A_662 : i32 to index
      %get3A_664 = arith.constant 304 : index
      %get3A_665 = tpu.vector_load %arg8[%get3A_663, %get3A_664] {strides = array<i32>} : memref<3x512xi32, #tpu.memory_space<vmem>>, vector<1x16xi32>,
      %get3A_666 = vector.shape_cast %get3A_665 : vector<1x16xi32> to vector<16xi32>
      %mul3A_667 = arith.constant 11 : i32
      %mul3A_668 = vector.broadcast %mul3A_667 : i32 to vector<16xi32>
      %mul3A_669 = arith.muli %get3A_656, %mul3A_668 : vector<16xi32>
      %add3A_670 = arith.addi %mul3A_669, %get3A_661 : vector<16xi32>
      %mul3A_671 = arith.constant 11 : i32
      %mul3A_672 = vector.broadcast %mul3A_671 : i32 to vector<16xi32>
      %mul3A_673 = arith.muli %add3A_670, %mul3A_672 : vector<16xi32>
      %add3A_674 = arith.addi %mul3A_673, %get3A_666 : vector<16xi32>
      %swap3A_675 = arith.constant 48 : index
      %swap3A_676 = tpu.vector_load %arg11[%swap3A_675] {strides = array<i32>} : memref<256xi32, #tpu.memory_space<vmem>>, vector<16xi32>,
      %swap3A_677 = vector.shape_cast %swap3A_676 : vector<16xi32> to vector<16xi32>
      %swap3A_678 = vector.shape_cast %add3A_674 : vector<16xi32> to vector<16xi32>
      tpu.vector_store %arg11[%swap3A_675], %swap3A_678 {strides = array<i32>} : memref<256xi32, #tpu.memory_space<vmem>>, vector<16xi32>,
      %get3A_679 = arith.constant 0 : i32
      %get3A_680 = arith.index_cast %get3A_679 : i32 to index
      %get3A_681 = arith.constant 320 : index
      %get3A_682 = tpu.vector_load %arg8[%get3A_680, %get3A_681] {strides = array<i32>} : memref<3x512xi32, #tpu.memory_space<vmem>>, vector<1x16xi32>,
      %get3A_683 = vector.shape_cast %get3A_682 : vector<1x16xi32> to vector<16xi32>
      %get3A_684 = arith.constant 1 : i32
      %get3A_685 = arith.index_cast %get3A_684 : i32 to index
      %get3A_686 = arith.constant 320 : index
      %get3A_687 = tpu.vector_load %arg8[%get3A_685, %get3A_686] {strides = array<i32>} : memref<3x512xi32, #tpu.memory_space<vmem>>, vector<1x16xi32>,
      %get3A_688 = vector.shape_cast %get3A_687 : vector<1x16xi32> to vector<16xi32>
      %get3A_689 = arith.constant 2 : i32
      %get3A_690 = arith.index_cast %get3A_689 : i32 to index
      %get3A_691 = arith.constant 320 : index
      %get3A_692 = tpu.vector_load %arg8[%get3A_690, %get3A_691] {strides = array<i32>} : memref<3x512xi32, #tpu.memory_space<vmem>>, vector<1x16xi32>,
      %get3A_693 = vector.shape_cast %get3A_692 : vector<1x16xi32> to vector<16xi32>
      %mul3A_694 = arith.constant 11 : i32
      %mul3A_695 = vector.broadcast %mul3A_694 : i32 to vector<16xi32>
      %mul3A_696 = arith.muli %get3A_683, %mul3A_695 : vector<16xi32>
      %add3A_697 = arith.addi %mul3A_696, %get3A_688 : vector<16xi32>
      %mul3A_698 = arith.constant 11 : i32
      %mul3A_699 = vector.broadcast %mul3A_698 : i32 to vector<16xi32>
      %mul3A_700 = arith.muli %add3A_697, %mul3A_699 : vector<16xi32>
      %add3A_701 = arith.addi %mul3A_700, %get3A_693 : vector<16xi32>
      %swap3A_702 = arith.constant 64 : index
      %swap3A_703 = tpu.vector_load %arg11[%swap3A_702] {strides = array<i32>} : memref<256xi32, #tpu.memory_space<vmem>>, vector<16xi32>,
      %swap3A_704 = vector.shape_cast %swap3A_703 : vector<16xi32> to vector<16xi32>
      %swap3A_705 = vector.shape_cast %add3A_701 : vector<16xi32> to vector<16xi32>
      tpu.vector_store %arg11[%swap3A_702], %swap3A_705 {strides = array<i32>} : memref<256xi32, #tpu.memory_space<vmem>>, vector<16xi32>,
      %get3A_706 = arith.constant 0 : i32
      %get3A_707 = arith.index_cast %get3A_706 : i32 to index
      %get3A_708 = arith.constant 336 : index
      %get3A_709 = tpu.vector_load %arg8[%get3A_707, %get3A_708] {strides = array<i32>} : memref<3x512xi32, #tpu.memory_space<vmem>>, vector<1x16xi32>,
      %get3A_710 = vector.shape_cast %get3A_709 : vector<1x16xi32> to vector<16xi32>
      %get3A_711 = arith.constant 1 : i32
      %get3A_712 = arith.index_cast %get3A_711 : i32 to index
      %get3A_713 = arith.constant 336 : index
      %get3A_714 = tpu.vector_load %arg8[%get3A_712, %get3A_713] {strides = array<i32>} : memref<3x512xi32, #tpu.memory_space<vmem>>, vector<1x16xi32>,
      %get3A_715 = vector.shape_cast %get3A_714 : vector<1x16xi32> to vector<16xi32>
      %get3A_716 = arith.constant 2 : i32
      %get3A_717 = arith.index_cast %get3A_716 : i32 to index
      %get3A_718 = arith.constant 336 : index
      %get3A_719 = tpu.vector_load %arg8[%get3A_717, %get3A_718] {strides = array<i32>} : memref<3x512xi32, #tpu.memory_space<vmem>>, vector<1x16xi32>,
      %get3A_720 = vector.shape_cast %get3A_719 : vector<1x16xi32> to vector<16xi32>
      %mul3A_721 = arith.constant 11 : i32
      %mul3A_722 = vector.broadcast %mul3A_721 : i32 to vector<16xi32>
      %mul3A_723 = arith.muli %get3A_710, %mul3A_722 : vector<16xi32>
      %add3A_724 = arith.addi %mul3A_723, %get3A_715 : vector<16xi32>
      %mul3A_725 = arith.constant 11 : i32
      %mul3A_726 = vector.broadcast %mul3A_725 : i32 to vector<16xi32>
      %mul3A_727 = arith.muli %add3A_724, %mul3A_726 : vector<16xi32>
      %add3A_728 = arith.addi %mul3A_727, %get3A_720 : vector<16xi32>
      %swap3A_729 = arith.constant 80 : index
      %swap3A_730 = tpu.vector_load %arg11[%swap3A_729] {strides = array<i32>} : memref<256xi32, #tpu.memory_space<vmem>>, vector<16xi32>,
      %swap3A_731 = vector.shape_cast %swap3A_730 : vector<16xi32> to vector<16xi32>
      %swap3A_732 = vector.shape_cast %add3A_728 : vector<16xi32> to vector<16xi32>
      tpu.vector_store %arg11[%swap3A_729], %swap3A_732 {strides = array<i32>} : memref<256xi32, #tpu.memory_space<vmem>>, vector<16xi32>,
      %get3A_733 = arith.constant 0 : i32
      %get3A_734 = arith.index_cast %get3A_733 : i32 to index
      %get3A_735 = arith.constant 352 : index
      %get3A_736 = tpu.vector_load %arg8[%get3A_734, %get3A_735] {strides = array<i32>} : memref<3x512xi32, #tpu.memory_space<vmem>>, vector<1x16xi32>,
      %get3A_737 = vector.shape_cast %get3A_736 : vector<1x16xi32> to vector<16xi32>
      %get3A_738 = arith.constant 1 : i32
      %get3A_739 = arith.index_cast %get3A_738 : i32 to index
      %get3A_740 = arith.constant 352 : index
      %get3A_741 = tpu.vector_load %arg8[%get3A_739, %get3A_740] {strides = array<i32>} : memref<3x512xi32, #tpu.memory_space<vmem>>, vector<1x16xi32>,
      %get3A_742 = vector.shape_cast %get3A_741 : vector<1x16xi32> to vector<16xi32>
      %get3A_743 = arith.constant 2 : i32
      %get3A_744 = arith.index_cast %get3A_743 : i32 to index
      %get3A_745 = arith.constant 352 : index
      %get3A_746 = tpu.vector_load %arg8[%get3A_744, %get3A_745] {strides = array<i32>} : memref<3x512xi32, #tpu.memory_space<vmem>>, vector<1x16xi32>,
      %get3A_747 = vector.shape_cast %get3A_746 : vector<1x16xi32> to vector<16xi32>
      %mul3A_748 = arith.constant 11 : i32
      %mul3A_749 = vector.broadcast %mul3A_748 : i32 to vector<16xi32>
      %mul3A_750 = arith.muli %get3A_737, %mul3A_749 : vector<16xi32>
      %add3A_751 = arith.addi %mul3A_750, %get3A_742 : vector<16xi32>
      %mul3A_752 = arith.constant 11 : i32
      %mul3A_753 = vector.broadcast %mul3A_752 : i32 to vector<16xi32>
      %mul3A_754 = arith.muli %add3A_751, %mul3A_753 : vector<16xi32>
      %add3A_755 = arith.addi %mul3A_754, %get3A_747 : vector<16xi32>
      %swap3A_756 = arith.constant 96 : index
      %swap3A_757 = tpu.vector_load %arg11[%swap3A_756] {strides = array<i32>} : memref<256xi32, #tpu.memory_space<vmem>>, vector<16xi32>,
      %swap3A_758 = vector.shape_cast %swap3A_757 : vector<16xi32> to vector<16xi32>
      %swap3A_759 = vector.shape_cast %add3A_755 : vector<16xi32> to vector<16xi32>
      tpu.vector_store %arg11[%swap3A_756], %swap3A_759 {strides = array<i32>} : memref<256xi32, #tpu.memory_space<vmem>>, vector<16xi32>,
      %get3A_760 = arith.constant 0 : i32
      %get3A_761 = arith.index_cast %get3A_760 : i32 to index
      %get3A_762 = arith.constant 368 : index
      %get3A_763 = tpu.vector_load %arg8[%get3A_761, %get3A_762] {strides = array<i32>} : memref<3x512xi32, #tpu.memory_space<vmem>>, vector<1x16xi32>,
      %get3A_764 = vector.shape_cast %get3A_763 : vector<1x16xi32> to vector<16xi32>
      %get3A_765 = arith.constant 1 : i32
      %get3A_766 = arith.index_cast %get3A_765 : i32 to index
      %get3A_767 = arith.constant 368 : index
      %get3A_768 = tpu.vector_load %arg8[%get3A_766, %get3A_767] {strides = array<i32>} : memref<3x512xi32, #tpu.memory_space<vmem>>, vector<1x16xi32>,
      %get3A_769 = vector.shape_cast %get3A_768 : vector<1x16xi32> to vector<16xi32>
      %get3A_770 = arith.constant 2 : i32
      %get3A_771 = arith.index_cast %get3A_770 : i32 to index
      %get3A_772 = arith.constant 368 : index
      %get3A_773 = tpu.vector_load %arg8[%get3A_771, %get3A_772] {strides = array<i32>} : memref<3x512xi32, #tpu.memory_space<vmem>>, vector<1x16xi32>,
      %get3A_774 = vector.shape_cast %get3A_773 : vector<1x16xi32> to vector<16xi32>
      %mul3A_775 = arith.constant 11 : i32
      %mul3A_776 = vector.broadcast %mul3A_775 : i32 to vector<16xi32>
      %mul3A_777 = arith.muli %get3A_764, %mul3A_776 : vector<16xi32>
      %add3A_778 = arith.addi %mul3A_777, %get3A_769 : vector<16xi32>
      %mul3A_779 = arith.constant 11 : i32
      %mul3A_780 = vector.broadcast %mul3A_779 : i32 to vector<16xi32>
      %mul3A_781 = arith.muli %add3A_778, %mul3A_780 : vector<16xi32>
      %add3A_782 = arith.addi %mul3A_781, %get3A_774 : vector<16xi32>
      %swap3A_783 = arith.constant 112 : index
      %swap3A_784 = tpu.vector_load %arg11[%swap3A_783] {strides = array<i32>} : memref<256xi32, #tpu.memory_space<vmem>>, vector<16xi32>,
      %swap3A_785 = vector.shape_cast %swap3A_784 : vector<16xi32> to vector<16xi32>
      %swap3A_786 = vector.shape_cast %add3A_782 : vector<16xi32> to vector<16xi32>
      tpu.vector_store %arg11[%swap3A_783], %swap3A_786 {strides = array<i32>} : memref<256xi32, #tpu.memory_space<vmem>>, vector<16xi32>,
      %get3A_787 = arith.constant 0 : i32
      %get3A_788 = arith.index_cast %get3A_787 : i32 to index
      %get3A_789 = arith.constant 384 : index
      %get3A_790 = tpu.vector_load %arg8[%get3A_788, %get3A_789] {strides = array<i32>} : memref<3x512xi32, #tpu.memory_space<vmem>>, vector<1x16xi32>,
      %get3A_791 = vector.shape_cast %get3A_790 : vector<1x16xi32> to vector<16xi32>
      %get3A_792 = arith.constant 1 : i32
      %get3A_793 = arith.index_cast %get3A_792 : i32 to index
      %get3A_794 = arith.constant 384 : index
      %get3A_795 = tpu.vector_load %arg8[%get3A_793, %get3A_794] {strides = array<i32>} : memref<3x512xi32, #tpu.memory_space<vmem>>, vector<1x16xi32>,
      %get3A_796 = vector.shape_cast %get3A_795 : vector<1x16xi32> to vector<16xi32>
      %get3A_797 = arith.constant 2 : i32
      %get3A_798 = arith.index_cast %get3A_797 : i32 to index
      %get3A_799 = arith.constant 384 : index
      %get3A_800 = tpu.vector_load %arg8[%get3A_798, %get3A_799] {strides = array<i32>} : memref<3x512xi32, #tpu.memory_space<vmem>>, vector<1x16xi32>,
      %get3A_801 = vector.shape_cast %get3A_800 : vector<1x16xi32> to vector<16xi32>
      %mul3A_802 = arith.constant 11 : i32
      %mul3A_803 = vector.broadcast %mul3A_802 : i32 to vector<16xi32>
      %mul3A_804 = arith.muli %get3A_791, %mul3A_803 : vector<16xi32>
      %add3A_805 = arith.addi %mul3A_804, %get3A_796 : vector<16xi32>
      %mul3A_806 = arith.constant 11 : i32
      %mul3A_807 = vector.broadcast %mul3A_806 : i32 to vector<16xi32>
      %mul3A_808 = arith.muli %add3A_805, %mul3A_807 : vector<16xi32>
      %add3A_809 = arith.addi %mul3A_808, %get3A_801 : vector<16xi32>
      %swap3A_810 = arith.constant 128 : index
      %swap3A_811 = tpu.vector_load %arg11[%swap3A_810] {strides = array<i32>} : memref<256xi32, #tpu.memory_space<vmem>>, vector<16xi32>,
      %swap3A_812 = vector.shape_cast %swap3A_811 : vector<16xi32> to vector<16xi32>
      %swap3A_813 = vector.shape_cast %add3A_809 : vector<16xi32> to vector<16xi32>
      tpu.vector_store %arg11[%swap3A_810], %swap3A_813 {strides = array<i32>} : memref<256xi32, #tpu.memory_space<vmem>>, vector<16xi32>,
      %get3A_814 = arith.constant 0 : i32
      %get3A_815 = arith.index_cast %get3A_814 : i32 to index
      %get3A_816 = arith.constant 400 : index
      %get3A_817 = tpu.vector_load %arg8[%get3A_815, %get3A_816] {strides = array<i32>} : memref<3x512xi32, #tpu.memory_space<vmem>>, vector<1x16xi32>,
      %get3A_818 = vector.shape_cast %get3A_817 : vector<1x16xi32> to vector<16xi32>
      %get3A_819 = arith.constant 1 : i32
      %get3A_820 = arith.index_cast %get3A_819 : i32 to index
      %get3A_821 = arith.constant 400 : index
      %get3A_822 = tpu.vector_load %arg8[%get3A_820, %get3A_821] {strides = array<i32>} : memref<3x512xi32, #tpu.memory_space<vmem>>, vector<1x16xi32>,
      %get3A_823 = vector.shape_cast %get3A_822 : vector<1x16xi32> to vector<16xi32>
      %get3A_824 = arith.constant 2 : i32
      %get3A_825 = arith.index_cast %get3A_824 : i32 to index
      %get3A_826 = arith.constant 400 : index
      %get3A_827 = tpu.vector_load %arg8[%get3A_825, %get3A_826] {strides = array<i32>} : memref<3x512xi32, #tpu.memory_space<vmem>>, vector<1x16xi32>,
      %get3A_828 = vector.shape_cast %get3A_827 : vector<1x16xi32> to vector<16xi32>
      %mul3A_829 = arith.constant 11 : i32
      %mul3A_830 = vector.broadcast %mul3A_829 : i32 to vector<16xi32>
      %mul3A_831 = arith.muli %get3A_818, %mul3A_830 : vector<16xi32>
      %add3A_832 = arith.addi %mul3A_831, %get3A_823 : vector<16xi32>
      %mul3A_833 = arith.constant 11 : i32
      %mul3A_834 = vector.broadcast %mul3A_833 : i32 to vector<16xi32>
      %mul3A_835 = arith.muli %add3A_832, %mul3A_834 : vector<16xi32>
      %add3A_836 = arith.addi %mul3A_835, %get3A_828 : vector<16xi32>
      %swap3A_837 = arith.constant 144 : index
      %swap3A_838 = tpu.vector_load %arg11[%swap3A_837] {strides = array<i32>} : memref<256xi32, #tpu.memory_space<vmem>>, vector<16xi32>,
      %swap3A_839 = vector.shape_cast %swap3A_838 : vector<16xi32> to vector<16xi32>
      %swap3A_840 = vector.shape_cast %add3A_836 : vector<16xi32> to vector<16xi32>
      tpu.vector_store %arg11[%swap3A_837], %swap3A_840 {strides = array<i32>} : memref<256xi32, #tpu.memory_space<vmem>>, vector<16xi32>,
      %get3A_841 = arith.constant 0 : i32
      %get3A_842 = arith.index_cast %get3A_841 : i32 to index
      %get3A_843 = arith.constant 416 : index
      %get3A_844 = tpu.vector_load %arg8[%get3A_842, %get3A_843] {strides = array<i32>} : memref<3x512xi32, #tpu.memory_space<vmem>>, vector<1x16xi32>,
      %get3A_845 = vector.shape_cast %get3A_844 : vector<1x16xi32> to vector<16xi32>
      %get3A_846 = arith.constant 1 : i32
      %get3A_847 = arith.index_cast %get3A_846 : i32 to index
      %get3A_848 = arith.constant 416 : index
      %get3A_849 = tpu.vector_load %arg8[%get3A_847, %get3A_848] {strides = array<i32>} : memref<3x512xi32, #tpu.memory_space<vmem>>, vector<1x16xi32>,
      %get3A_850 = vector.shape_cast %get3A_849 : vector<1x16xi32> to vector<16xi32>
      %get3A_851 = arith.constant 2 : i32
      %get3A_852 = arith.index_cast %get3A_851 : i32 to index
      %get3A_853 = arith.constant 416 : index
      %get3A_854 = tpu.vector_load %arg8[%get3A_852, %get3A_853] {strides = array<i32>} : memref<3x512xi32, #tpu.memory_space<vmem>>, vector<1x16xi32>,
      %get3A_855 = vector.shape_cast %get3A_854 : vector<1x16xi32> to vector<16xi32>
      %mul3A_856 = arith.constant 11 : i32
      %mul3A_857 = vector.broadcast %mul3A_856 : i32 to vector<16xi32>
      %mul3A_858 = arith.muli %get3A_845, %mul3A_857 : vector<16xi32>
      %add3A_859 = arith.addi %mul3A_858, %get3A_850 : vector<16xi32>
      %mul3A_860 = arith.constant 11 : i32
      %mul3A_861 = vector.broadcast %mul3A_860 : i32 to vector<16xi32>
      %mul3A_862 = arith.muli %add3A_859, %mul3A_861 : vector<16xi32>
      %add3A_863 = arith.addi %mul3A_862, %get3A_855 : vector<16xi32>
      %swap3A_864 = arith.constant 160 : index
      %swap3A_865 = tpu.vector_load %arg11[%swap3A_864] {strides = array<i32>} : memref<256xi32, #tpu.memory_space<vmem>>, vector<16xi32>,
      %swap3A_866 = vector.shape_cast %swap3A_865 : vector<16xi32> to vector<16xi32>
      %swap3A_867 = vector.shape_cast %add3A_863 : vector<16xi32> to vector<16xi32>
      tpu.vector_store %arg11[%swap3A_864], %swap3A_867 {strides = array<i32>} : memref<256xi32, #tpu.memory_space<vmem>>, vector<16xi32>,
      %get3A_868 = arith.constant 0 : i32
      %get3A_869 = arith.index_cast %get3A_868 : i32 to index
      %get3A_870 = arith.constant 432 : index
      %get3A_871 = tpu.vector_load %arg8[%get3A_869, %get3A_870] {strides = array<i32>} : memref<3x512xi32, #tpu.memory_space<vmem>>, vector<1x16xi32>,
      %get3A_872 = vector.shape_cast %get3A_871 : vector<1x16xi32> to vector<16xi32>
      %get3A_873 = arith.constant 1 : i32
      %get3A_874 = arith.index_cast %get3A_873 : i32 to index
      %get3A_875 = arith.constant 432 : index
      %get3A_876 = tpu.vector_load %arg8[%get3A_874, %get3A_875] {strides = array<i32>} : memref<3x512xi32, #tpu.memory_space<vmem>>, vector<1x16xi32>,
      %get3A_877 = vector.shape_cast %get3A_876 : vector<1x16xi32> to vector<16xi32>
      %get3A_878 = arith.constant 2 : i32
      %get3A_879 = arith.index_cast %get3A_878 : i32 to index
      %get3A_880 = arith.constant 432 : index
      %get3A_881 = tpu.vector_load %arg8[%get3A_879, %get3A_880] {strides = array<i32>} : memref<3x512xi32, #tpu.memory_space<vmem>>, vector<1x16xi32>,
      %get3A_882 = vector.shape_cast %get3A_881 : vector<1x16xi32> to vector<16xi32>
      %mul3A_883 = arith.constant 11 : i32
      %mul3A_884 = vector.broadcast %mul3A_883 : i32 to vector<16xi32>
      %mul3A_885 = arith.muli %get3A_872, %mul3A_884 : vector<16xi32>
      %add3A_886 = arith.addi %mul3A_885, %get3A_877 : vector<16xi32>
      %mul3A_887 = arith.constant 11 : i32
      %mul3A_888 = vector.broadcast %mul3A_887 : i32 to vector<16xi32>
      %mul3A_889 = arith.muli %add3A_886, %mul3A_888 : vector<16xi32>
      %add3A_890 = arith.addi %mul3A_889, %get3A_882 : vector<16xi32>
      %swap3A_891 = arith.constant 176 : index
      %swap3A_892 = tpu.vector_load %arg11[%swap3A_891] {strides = array<i32>} : memref<256xi32, #tpu.memory_space<vmem>>, vector<16xi32>,
      %swap3A_893 = vector.shape_cast %swap3A_892 : vector<16xi32> to vector<16xi32>
      %swap3A_894 = vector.shape_cast %add3A_890 : vector<16xi32> to vector<16xi32>
      tpu.vector_store %arg11[%swap3A_891], %swap3A_894 {strides = array<i32>} : memref<256xi32, #tpu.memory_space<vmem>>, vector<16xi32>,
      %get3A_895 = arith.constant 0 : i32
      %get3A_896 = arith.index_cast %get3A_895 : i32 to index
      %get3A_897 = arith.constant 448 : index
      %get3A_898 = tpu.vector_load %arg8[%get3A_896, %get3A_897] {strides = array<i32>} : memref<3x512xi32, #tpu.memory_space<vmem>>, vector<1x16xi32>,
      %get3A_899 = vector.shape_cast %get3A_898 : vector<1x16xi32> to vector<16xi32>
      %get3A_900 = arith.constant 1 : i32
      %get3A_901 = arith.index_cast %get3A_900 : i32 to index
      %get3A_902 = arith.constant 448 : index
      %get3A_903 = tpu.vector_load %arg8[%get3A_901, %get3A_902] {strides = array<i32>} : memref<3x512xi32, #tpu.memory_space<vmem>>, vector<1x16xi32>,
      %get3A_904 = vector.shape_cast %get3A_903 : vector<1x16xi32> to vector<16xi32>
      %get3A_905 = arith.constant 2 : i32
      %get3A_906 = arith.index_cast %get3A_905 : i32 to index
      %get3A_907 = arith.constant 448 : index
      %get3A_908 = tpu.vector_load %arg8[%get3A_906, %get3A_907] {strides = array<i32>} : memref<3x512xi32, #tpu.memory_space<vmem>>, vector<1x16xi32>,
      %get3A_909 = vector.shape_cast %get3A_908 : vector<1x16xi32> to vector<16xi32>
      %mul3A_910 = arith.constant 11 : i32
      %mul3A_911 = vector.broadcast %mul3A_910 : i32 to vector<16xi32>
      %mul3A_912 = arith.muli %get3A_899, %mul3A_911 : vector<16xi32>
      %add3A_913 = arith.addi %mul3A_912, %get3A_904 : vector<16xi32>
      %mul3A_914 = arith.constant 11 : i32
      %mul3A_915 = vector.broadcast %mul3A_914 : i32 to vector<16xi32>
      %mul3A_916 = arith.muli %add3A_913, %mul3A_915 : vector<16xi32>
      %add3A_917 = arith.addi %mul3A_916, %get3A_909 : vector<16xi32>
      %swap3A_918 = arith.constant 192 : index
      %swap3A_919 = tpu.vector_load %arg11[%swap3A_918] {strides = array<i32>} : memref<256xi32, #tpu.memory_space<vmem>>, vector<16xi32>,
      %swap3A_920 = vector.shape_cast %swap3A_919 : vector<16xi32> to vector<16xi32>
      %swap3A_921 = vector.shape_cast %add3A_917 : vector<16xi32> to vector<16xi32>
      tpu.vector_store %arg11[%swap3A_918], %swap3A_921 {strides = array<i32>} : memref<256xi32, #tpu.memory_space<vmem>>, vector<16xi32>,
      %get3A_922 = arith.constant 0 : i32
      %get3A_923 = arith.index_cast %get3A_922 : i32 to index
      %get3A_924 = arith.constant 464 : index
      %get3A_925 = tpu.vector_load %arg8[%get3A_923, %get3A_924] {strides = array<i32>} : memref<3x512xi32, #tpu.memory_space<vmem>>, vector<1x16xi32>,
      %get3A_926 = vector.shape_cast %get3A_925 : vector<1x16xi32> to vector<16xi32>
      %get3A_927 = arith.constant 1 : i32
      %get3A_928 = arith.index_cast %get3A_927 : i32 to index
      %get3A_929 = arith.constant 464 : index
      %get3A_930 = tpu.vector_load %arg8[%get3A_928, %get3A_929] {strides = array<i32>} : memref<3x512xi32, #tpu.memory_space<vmem>>, vector<1x16xi32>,
      %get3A_931 = vector.shape_cast %get3A_930 : vector<1x16xi32> to vector<16xi32>
      %get3A_932 = arith.constant 2 : i32
      %get3A_933 = arith.index_cast %get3A_932 : i32 to index
      %get3A_934 = arith.constant 464 : index
      %get3A_935 = tpu.vector_load %arg8[%get3A_933, %get3A_934] {strides = array<i32>} : memref<3x512xi32, #tpu.memory_space<vmem>>, vector<1x16xi32>,
      %get3A_936 = vector.shape_cast %get3A_935 : vector<1x16xi32> to vector<16xi32>
      %mul3A_937 = arith.constant 11 : i32
      %mul3A_938 = vector.broadcast %mul3A_937 : i32 to vector<16xi32>
      %mul3A_939 = arith.muli %get3A_926, %mul3A_938 : vector<16xi32>
      %add3A_940 = arith.addi %mul3A_939, %get3A_931 : vector<16xi32>
      %mul3A_941 = arith.constant 11 : i32
      %mul3A_942 = vector.broadcast %mul3A_941 : i32 to vector<16xi32>
      %mul3A_943 = arith.muli %add3A_940, %mul3A_942 : vector<16xi32>
      %add3A_944 = arith.addi %mul3A_943, %get3A_936 : vector<16xi32>
      %swap3A_945 = arith.constant 208 : index
      %swap3A_946 = tpu.vector_load %arg11[%swap3A_945] {strides = array<i32>} : memref<256xi32, #tpu.memory_space<vmem>>, vector<16xi32>,
      %swap3A_947 = vector.shape_cast %swap3A_946 : vector<16xi32> to vector<16xi32>
      %swap3A_948 = vector.shape_cast %add3A_944 : vector<16xi32> to vector<16xi32>
      tpu.vector_store %arg11[%swap3A_945], %swap3A_948 {strides = array<i32>} : memref<256xi32, #tpu.memory_space<vmem>>, vector<16xi32>,
      %get3A_949 = arith.constant 0 : i32
      %get3A_950 = arith.index_cast %get3A_949 : i32 to index
      %get3A_951 = arith.constant 480 : index
      %get3A_952 = tpu.vector_load %arg8[%get3A_950, %get3A_951] {strides = array<i32>} : memref<3x512xi32, #tpu.memory_space<vmem>>, vector<1x16xi32>,
      %get3A_953 = vector.shape_cast %get3A_952 : vector<1x16xi32> to vector<16xi32>
      %get3A_954 = arith.constant 1 : i32
      %get3A_955 = arith.index_cast %get3A_954 : i32 to index
      %get3A_956 = arith.constant 480 : index
      %get3A_957 = tpu.vector_load %arg8[%get3A_955, %get3A_956] {strides = array<i32>} : memref<3x512xi32, #tpu.memory_space<vmem>>, vector<1x16xi32>,
      %get3A_958 = vector.shape_cast %get3A_957 : vector<1x16xi32> to vector<16xi32>
      %get3A_959 = arith.constant 2 : i32
      %get3A_960 = arith.index_cast %get3A_959 : i32 to index
      %get3A_961 = arith.constant 480 : index
      %get3A_962 = tpu.vector_load %arg8[%get3A_960, %get3A_961] {strides = array<i32>} : memref<3x512xi32, #tpu.memory_space<vmem>>, vector<1x16xi32>,
      %get3A_963 = vector.shape_cast %get3A_962 : vector<1x16xi32> to vector<16xi32>
      %mul3A_964 = arith.constant 11 : i32
      %mul3A_965 = vector.broadcast %mul3A_964 : i32 to vector<16xi32>
      %mul3A_966 = arith.muli %get3A_953, %mul3A_965 : vector<16xi32>
      %add3A_967 = arith.addi %mul3A_966, %get3A_958 : vector<16xi32>
      %mul3A_968 = arith.constant 11 : i32
      %mul3A_969 = vector.broadcast %mul3A_968 : i32 to vector<16xi32>
      %mul3A_970 = arith.muli %add3A_967, %mul3A_969 : vector<16xi32>
      %add3A_971 = arith.addi %mul3A_970, %get3A_963 : vector<16xi32>
      %swap3A_972 = arith.constant 224 : index
      %swap3A_973 = tpu.vector_load %arg11[%swap3A_972] {strides = array<i32>} : memref<256xi32, #tpu.memory_space<vmem>>, vector<16xi32>,
      %swap3A_974 = vector.shape_cast %swap3A_973 : vector<16xi32> to vector<16xi32>
      %swap3A_975 = vector.shape_cast %add3A_971 : vector<16xi32> to vector<16xi32>
      tpu.vector_store %arg11[%swap3A_972], %swap3A_975 {strides = array<i32>} : memref<256xi32, #tpu.memory_space<vmem>>, vector<16xi32>,
      %get3A_976 = arith.constant 0 : i32
      %get3A_977 = arith.index_cast %get3A_976 : i32 to index
      %get3A_978 = arith.constant 496 : index
      %get3A_979 = tpu.vector_load %arg8[%get3A_977, %get3A_978] {strides = array<i32>} : memref<3x512xi32, #tpu.memory_space<vmem>>, vector<1x16xi32>,
      %get3A_980 = vector.shape_cast %get3A_979 : vector<1x16xi32> to vector<16xi32>
      %get3A_981 = arith.constant 1 : i32
      %get3A_982 = arith.index_cast %get3A_981 : i32 to index
      %get3A_983 = arith.constant 496 : index
      %get3A_984 = tpu.vector_load %arg8[%get3A_982, %get3A_983] {strides = array<i32>} : memref<3x512xi32, #tpu.memory_space<vmem>>, vector<1x16xi32>,
      %get3A_985 = vector.shape_cast %get3A_984 : vector<1x16xi32> to vector<16xi32>
      %get3A_986 = arith.constant 2 : i32
      %get3A_987 = arith.index_cast %get3A_986 : i32 to index
      %get3A_988 = arith.constant 496 : index
      %get3A_989 = tpu.vector_load %arg8[%get3A_987, %get3A_988] {strides = array<i32>} : memref<3x512xi32, #tpu.memory_space<vmem>>, vector<1x16xi32>,
      %get3A_990 = vector.shape_cast %get3A_989 : vector<1x16xi32> to vector<16xi32>
      %mul3A_991 = arith.constant 11 : i32
      %mul3A_992 = vector.broadcast %mul3A_991 : i32 to vector<16xi32>
      %mul3A_993 = arith.muli %get3A_980, %mul3A_992 : vector<16xi32>
      %add3A_994 = arith.addi %mul3A_993, %get3A_985 : vector<16xi32>
      %mul3A_995 = arith.constant 11 : i32
      %mul3A_996 = vector.broadcast %mul3A_995 : i32 to vector<16xi32>
      %mul3A_997 = arith.muli %add3A_994, %mul3A_996 : vector<16xi32>
      %add3A_998 = arith.addi %mul3A_997, %get3A_990 : vector<16xi32>
      %swap3A_999 = arith.constant 240 : index
      %swap3A_1000 = tpu.vector_load %arg11[%swap3A_999] {strides = array<i32>} : memref<256xi32, #tpu.memory_space<vmem>>, vector<16xi32>,
      %swap3A_1001 = vector.shape_cast %swap3A_1000 : vector<16xi32> to vector<16xi32>
      %swap3A_1002 = vector.shape_cast %add3A_998 : vector<16xi32> to vector<16xi32>
      tpu.vector_store %arg11[%swap3A_999], %swap3A_1002 {strides = array<i32>} : memref<256xi32, #tpu.memory_space<vmem>>, vector<16xi32>,
      %gt3A_1003 = arith.constant 0 : i32
      %gt3A_1004 = arith.cmpi sgt, %mul3A_85, %gt3A_1003 : i32
      %convert_element_type3A_1005 = arith.extui %gt3A_1004 : i1 to i32
      %cond3A_1006 = arith.constant 0 : i32
      %cond3A_1007 = arith.cmpi ne, %convert_element_type3A_1005, %cond3A_1006 : i32
      scf.if %cond3A_1007 {
        %dma_wait3A_1056 = arith.constant 0 : i32
        %dma_wait3A_1057 = arith.constant 0 : i32
        %dma_wait3A_1058 = tpu.memref_slice %arg4[%dma_wait3A_1056, %mul3A_2, %dma_wait3A_1057] : memref<49x16384x128xf32, #tpu.memory_space<hbm>> -> memref<1x256x128xf32, #tpu.memory_space<hbm>>
        %dma_wait3A_1059 = tpu.memref_squeeze %dma_wait3A_1058 : memref<1x256x128xf32, #tpu.memory_space<hbm>> -> memref<256x128xf32, #tpu.memory_space<hbm>>
        %dma_wait3A_1060 = arith.constant 0 : i32
        %dma_wait3A_1061 = tpu.memref_slice %arg4[%dma_wait3A_1056, %mul3A_2, %dma_wait3A_1060] : memref<49x16384x128xf32, #tpu.memory_space<hbm>> -> memref<1x256x128xf32, #tpu.memory_space<hbm>>
        %dma_wait3A_1062 = tpu.memref_squeeze %dma_wait3A_1061 : memref<1x256x128xf32, #tpu.memory_space<hbm>> -> memref<256x128xf32, #tpu.memory_space<hbm>>
        tpu.wait_dma2 semaphore(%arg16 : memref<!tpu.dma_semaphore, #tpu.memory_space<semaphore_mem>>) src(%arg13 : memref<256x128xf32, #tpu.memory_space<vmem>>) dst(%dma_wait3A_1062 : memref<256x128xf32, #tpu.memory_space<hbm>>)
      } else {
      }
      %dma_start3A_1008 = arith.constant 0 : i32
      %dma_start3A_1009 = arith.constant 0 : i32
      %dma_start3A_1010 = tpu.memref_slice %arg13[%dma_start3A_1008, %dma_start3A_1009] : memref<256x128xf32, #tpu.memory_space<vmem>> -> memref<128x128xf32, #tpu.memory_space<vmem>>
      %dma_start3A_1011 = arith.constant 0 : i32
      %dma_start3A_1012 = tpu.memref_slice %arg11[%dma_start3A_1011] : memref<256xi32, #tpu.memory_space<vmem>> -> memref<128xi32, #tpu.memory_space<vmem>>
      %dma_start3A_1013 = arith.constant 0 : i32
      %dma_start3A_1014 = arith.constant 0 : i32
      %dma_start3A_1015 = tpu.memref_slice %arg7[%dma_start3A_1013, %dma_start3A_1014] : memref<1344x128xf32, #tpu.memory_space<vmem_shared>> -> memref<1344x128xf32, #tpu.memory_space<vmem_shared>>
      tpu.enqueue_indirect_dma source(%dma_start3A_1015 : memref<1344x128xf32, #tpu.memory_space<vmem_shared>>) target(%dma_start3A_1010 : memref<128x128xf32, #tpu.memory_space<vmem>>) offsets(%dma_start3A_1012 : memref<128xi32, #tpu.memory_space<vmem>>) semaphore(%arg14 : memref<!tpu.dma_semaphore, #tpu.memory_space<semaphore_mem>>)
      %dma_start3A_1016 = arith.constant 128 : i32
      %dma_start3A_1017 = arith.constant 0 : i32
      %dma_start3A_1018 = tpu.memref_slice %arg13[%dma_start3A_1016, %dma_start3A_1017] : memref<256x128xf32, #tpu.memory_space<vmem>> -> memref<128x128xf32, #tpu.memory_space<vmem>>
      %dma_start3A_1019 = arith.constant 128 : i32
      %dma_start3A_1020 = tpu.memref_slice %arg11[%dma_start3A_1019] : memref<256xi32, #tpu.memory_space<vmem>> -> memref<128xi32, #tpu.memory_space<vmem>>
      %dma_start3A_1021 = arith.constant 0 : i32
      %dma_start3A_1022 = arith.constant 0 : i32
      %dma_start3A_1023 = tpu.memref_slice %arg7[%dma_start3A_1021, %dma_start3A_1022] : memref<1344x128xf32, #tpu.memory_space<vmem_shared>> -> memref<1344x128xf32, #tpu.memory_space<vmem_shared>>
      tpu.enqueue_indirect_dma source(%dma_start3A_1023 : memref<1344x128xf32, #tpu.memory_space<vmem_shared>>) target(%dma_start3A_1018 : memref<128x128xf32, #tpu.memory_space<vmem>>) offsets(%dma_start3A_1020 : memref<128xi32, #tpu.memory_space<vmem>>) semaphore(%arg14 : memref<!tpu.dma_semaphore, #tpu.memory_space<semaphore_mem>>)
      %dma_wait3A_1024 = arith.constant 0 : i32
      %dma_wait3A_1025 = arith.constant 0 : i32
      %dma_wait3A_1026 = tpu.memref_slice %arg13[%dma_wait3A_1024, %dma_wait3A_1025] : memref<256x128xf32, #tpu.memory_space<vmem>> -> memref<128x128xf32, #tpu.memory_space<vmem>>
      %dma_wait3A_1027 = arith.constant 0 : i32
      %dma_wait3A_1028 = tpu.memref_slice %arg11[%dma_wait3A_1027] : memref<256xi32, #tpu.memory_space<vmem>> -> memref<128xi32, #tpu.memory_space<vmem>>
      %dma_wait3A_1029 = arith.constant 0 : i32
      %dma_wait3A_1030 = arith.constant 0 : i32
      %dma_wait3A_1031 = tpu.memref_slice %arg7[%dma_wait3A_1029, %dma_wait3A_1030] : memref<1344x128xf32, #tpu.memory_space<vmem_shared>> -> memref<1344x128xf32, #tpu.memory_space<vmem_shared>>
      tpu.wait_indirect_dma semaphore(%arg14 : memref<!tpu.dma_semaphore, #tpu.memory_space<semaphore_mem>>) src(%dma_wait3A_1031 : memref<1344x128xf32, #tpu.memory_space<vmem_shared>>) dst(%dma_wait3A_1026 : memref<128x128xf32, #tpu.memory_space<vmem>>)
      %dma_wait3A_1032 = arith.constant 128 : i32
      %dma_wait3A_1033 = arith.constant 0 : i32
      %dma_wait3A_1034 = tpu.memref_slice %arg13[%dma_wait3A_1032, %dma_wait3A_1033] : memref<256x128xf32, #tpu.memory_space<vmem>> -> memref<128x128xf32, #tpu.memory_space<vmem>>
      %dma_wait3A_1035 = arith.constant 128 : i32
      %dma_wait3A_1036 = tpu.memref_slice %arg11[%dma_wait3A_1035] : memref<256xi32, #tpu.memory_space<vmem>> -> memref<128xi32, #tpu.memory_space<vmem>>
      %dma_wait3A_1037 = arith.constant 0 : i32
      %dma_wait3A_1038 = arith.constant 0 : i32
      %dma_wait3A_1039 = tpu.memref_slice %arg7[%dma_wait3A_1037, %dma_wait3A_1038] : memref<1344x128xf32, #tpu.memory_space<vmem_shared>> -> memref<1344x128xf32, #tpu.memory_space<vmem_shared>>
      tpu.wait_indirect_dma semaphore(%arg14 : memref<!tpu.dma_semaphore, #tpu.memory_space<semaphore_mem>>) src(%dma_wait3A_1039 : memref<1344x128xf32, #tpu.memory_space<vmem_shared>>) dst(%dma_wait3A_1034 : memref<128x128xf32, #tpu.memory_space<vmem>>)
      %add3A_1040 = arith.constant 256 : i32
      %add3A_1041 = arith.addi %mul3A_2, %add3A_1040 : i32
      %dma_start3A_1042 = arith.constant 0 : i32
      %dma_start3A_1043 = tpu.memref_slice %arg4[%mul3A_85, %add3A_1041, %dma_start3A_1042] : memref<49x16384x128xf32, #tpu.memory_space<hbm>> -> memref<1x256x128xf32, #tpu.memory_space<hbm>>
      %dma_start3A_1044 = tpu.memref_squeeze %dma_start3A_1043 : memref<1x256x128xf32, #tpu.memory_space<hbm>> -> memref<256x128xf32, #tpu.memory_space<hbm>>
      %dma_start3A_1045 = arith.constant 0 : i32
      %dma_start3A_1046 = tpu.memref_slice %arg4[%mul3A_85, %add3A_1041, %dma_start3A_1045] : memref<49x16384x128xf32, #tpu.memory_space<hbm>> -> memref<1x256x128xf32, #tpu.memory_space<hbm>>
      %dma_start3A_1047 = tpu.memref_squeeze %dma_start3A_1046 : memref<1x256x128xf32, #tpu.memory_space<hbm>> -> memref<256x128xf32, #tpu.memory_space<hbm>>
      tpu.enqueue_dma source(%arg13 : memref<256x128xf32, #tpu.memory_space<vmem>>) target(%dma_start3A_1047 : memref<256x128xf32, #tpu.memory_space<hbm>>) target_semaphore(%arg16 : memref<!tpu.dma_semaphore, #tpu.memory_space<semaphore_mem>>)
      %add3A_1048 = arith.constant 1 : i32
      %add3A_1049 = arith.addi %mul3A_85, %add3A_1048 : i32
      %lt3A_1050 = arith.constant 49 : i32
      %lt3A_1051 = arith.cmpi slt, %add3A_1049, %lt3A_1050 : i32
      %convert_element_type3A_1052 = arith.extui %lt3A_1051 : i1 to i32
      %cond3A_1053 = arith.constant 0 : i32
      %cond3A_1054 = arith.cmpi ne, %convert_element_type3A_1052, %cond3A_1053 : i32
      scf.if %cond3A_1054 {
        %dma_wait3A_1056 = arith.constant 0 : i32
        %dma_wait3A_1057 = arith.constant 0 : i32
        %dma_wait3A_1058 = tpu.memref_slice %arg2[%dma_wait3A_1057, %dma_wait3A_1056, %mul3A_2] : memref<3x49x16384xi32, #tpu.memory_space<hbm>> -> memref<3x1x512xi32, #tpu.memory_space<hbm>>
        %dma_wait3A_1059 = tpu.memref_squeeze %dma_wait3A_1058 : memref<3x1x512xi32, #tpu.memory_space<hbm>> -> memref<3x512xi32, #tpu.memory_space<hbm>>
        %dma_wait3A_1060 = arith.constant 0 : i32
        %dma_wait3A_1061 = tpu.memref_slice %arg2[%dma_wait3A_1060, %dma_wait3A_1056, %mul3A_2] : memref<3x49x16384xi32, #tpu.memory_space<hbm>> -> memref<3x1x512xi32, #tpu.memory_space<hbm>>
        %dma_wait3A_1062 = tpu.memref_squeeze %dma_wait3A_1061 : memref<3x1x512xi32, #tpu.memory_space<hbm>> -> memref<3x512xi32, #tpu.memory_space<hbm>>
        tpu.wait_dma2 semaphore(%arg18 : memref<!tpu.dma_semaphore, #tpu.memory_space<semaphore_mem>>) src(%dma_wait3A_1062 : memref<3x512xi32, #tpu.memory_space<hbm>>) dst(%arg9 : memref<3x512xi32, #tpu.memory_space<vmem>>)
        %add3A_1063 = arith.constant 2 : i32
        %add3A_1064 = arith.addi %mul3A_85, %add3A_1063 : i32
        %lt3A_1065 = arith.constant 49 : i32
        %lt3A_1066 = arith.cmpi slt, %add3A_1064, %lt3A_1065 : i32
        %convert_element_type3A_1067 = arith.extui %lt3A_1066 : i1 to i32
        %cond3A_1068 = arith.constant 0 : i32
        %cond3A_1069 = arith.cmpi ne, %convert_element_type3A_1067, %cond3A_1068 : i32
        scf.if %cond3A_1069 {
          %add3A_2026 = arith.constant 2 : i32
          %add3A_2027 = arith.addi %mul3A_85, %add3A_2026 : i32
          %dma_start3A_2028 = arith.constant 0 : i32
          %dma_start3A_2029 = tpu.memref_slice %arg2[%dma_start3A_2028, %add3A_2027, %mul3A_2] : memref<3x49x16384xi32, #tpu.memory_space<hbm>> -> memref<3x1x512xi32, #tpu.memory_space<hbm>>
          %dma_start3A_2030 = tpu.memref_squeeze %dma_start3A_2029 : memref<3x1x512xi32, #tpu.memory_space<hbm>> -> memref<3x512xi32, #tpu.memory_space<hbm>>
          %dma_start3A_2031 = arith.constant 0 : i32
          %dma_start3A_2032 = tpu.memref_slice %arg2[%dma_start3A_2031, %add3A_2027, %mul3A_2] : memref<3x49x16384xi32, #tpu.memory_space<hbm>> -> memref<3x1x512xi32, #tpu.memory_space<hbm>>
          %dma_start3A_2033 = tpu.memref_squeeze %dma_start3A_2032 : memref<3x1x512xi32, #tpu.memory_space<hbm>> -> memref<3x512xi32, #tpu.memory_space<hbm>>
          tpu.enqueue_dma source(%dma_start3A_2033 : memref<3x512xi32, #tpu.memory_space<hbm>>) target(%arg8 : memref<3x512xi32, #tpu.memory_space<vmem>>) target_semaphore(%arg17 : memref<!tpu.dma_semaphore, #tpu.memory_space<semaphore_mem>>)
        } else {
        }
        %add3A_1070 = arith.constant 1 : i32
        %add3A_1071 = arith.addi %mul3A_85, %add3A_1070 : i32
        %get3A_1072 = arith.constant 0 : i32
        %get3A_1073 = arith.index_cast %get3A_1072 : i32 to index
        %get3A_1074 = arith.constant 0 : index
        %get3A_1075 = tpu.vector_load %arg9[%get3A_1073, %get3A_1074] {strides = array<i32>} : memref<3x512xi32, #tpu.memory_space<vmem>>, vector<1x16xi32>,
        %get3A_1076 = vector.shape_cast %get3A_1075 : vector<1x16xi32> to vector<16xi32>
        %get3A_1077 = arith.constant 1 : i32
        %get3A_1078 = arith.index_cast %get3A_1077 : i32 to index
        %get3A_1079 = arith.constant 0 : index
        %get3A_1080 = tpu.vector_load %arg9[%get3A_1078, %get3A_1079] {strides = array<i32>} : memref<3x512xi32, #tpu.memory_space<vmem>>, vector<1x16xi32>,
        %get3A_1081 = vector.shape_cast %get3A_1080 : vector<1x16xi32> to vector<16xi32>
        %get3A_1082 = arith.constant 2 : i32
        %get3A_1083 = arith.index_cast %get3A_1082 : i32 to index
        %get3A_1084 = arith.constant 0 : index
        %get3A_1085 = tpu.vector_load %arg9[%get3A_1083, %get3A_1084] {strides = array<i32>} : memref<3x512xi32, #tpu.memory_space<vmem>>, vector<1x16xi32>,
        %get3A_1086 = vector.shape_cast %get3A_1085 : vector<1x16xi32> to vector<16xi32>
        %mul3A_1087 = arith.constant 11 : i32
        %mul3A_1088 = vector.broadcast %mul3A_1087 : i32 to vector<16xi32>
        %mul3A_1089 = arith.muli %get3A_1076, %mul3A_1088 : vector<16xi32>
        %add3A_1090 = arith.addi %mul3A_1089, %get3A_1081 : vector<16xi32>
        %mul3A_1091 = arith.constant 11 : i32
        %mul3A_1092 = vector.broadcast %mul3A_1091 : i32 to vector<16xi32>
        %mul3A_1093 = arith.muli %add3A_1090, %mul3A_1092 : vector<16xi32>
        %add3A_1094 = arith.addi %mul3A_1093, %get3A_1086 : vector<16xi32>
        %swap3A_1095 = arith.constant 0 : index
        %swap3A_1096 = tpu.vector_load %arg10[%swap3A_1095] {strides = array<i32>} : memref<256xi32, #tpu.memory_space<vmem>>, vector<16xi32>,
        %swap3A_1097 = vector.shape_cast %swap3A_1096 : vector<16xi32> to vector<16xi32>
        %swap3A_1098 = vector.shape_cast %add3A_1094 : vector<16xi32> to vector<16xi32>
        tpu.vector_store %arg10[%swap3A_1095], %swap3A_1098 {strides = array<i32>} : memref<256xi32, #tpu.memory_space<vmem>>, vector<16xi32>,
        %get3A_1099 = arith.constant 0 : i32
        %get3A_1100 = arith.index_cast %get3A_1099 : i32 to index
        %get3A_1101 = arith.constant 16 : index
        %get3A_1102 = tpu.vector_load %arg9[%get3A_1100, %get3A_1101] {strides = array<i32>} : memref<3x512xi32, #tpu.memory_space<vmem>>, vector<1x16xi32>,
        %get3A_1103 = vector.shape_cast %get3A_1102 : vector<1x16xi32> to vector<16xi32>
        %get3A_1104 = arith.constant 1 : i32
        %get3A_1105 = arith.index_cast %get3A_1104 : i32 to index
        %get3A_1106 = arith.constant 16 : index
        %get3A_1107 = tpu.vector_load %arg9[%get3A_1105, %get3A_1106] {strides = array<i32>} : memref<3x512xi32, #tpu.memory_space<vmem>>, vector<1x16xi32>,
        %get3A_1108 = vector.shape_cast %get3A_1107 : vector<1x16xi32> to vector<16xi32>
        %get3A_1109 = arith.constant 2 : i32
        %get3A_1110 = arith.index_cast %get3A_1109 : i32 to index
        %get3A_1111 = arith.constant 16 : index
        %get3A_1112 = tpu.vector_load %arg9[%get3A_1110, %get3A_1111] {strides = array<i32>} : memref<3x512xi32, #tpu.memory_space<vmem>>, vector<1x16xi32>,
        %get3A_1113 = vector.shape_cast %get3A_1112 : vector<1x16xi32> to vector<16xi32>
        %mul3A_1114 = arith.constant 11 : i32
        %mul3A_1115 = vector.broadcast %mul3A_1114 : i32 to vector<16xi32>
        %mul3A_1116 = arith.muli %get3A_1103, %mul3A_1115 : vector<16xi32>
        %add3A_1117 = arith.addi %mul3A_1116, %get3A_1108 : vector<16xi32>
        %mul3A_1118 = arith.constant 11 : i32
        %mul3A_1119 = vector.broadcast %mul3A_1118 : i32 to vector<16xi32>
        %mul3A_1120 = arith.muli %add3A_1117, %mul3A_1119 : vector<16xi32>
        %add3A_1121 = arith.addi %mul3A_1120, %get3A_1113 : vector<16xi32>
        %swap3A_1122 = arith.constant 16 : index
        %swap3A_1123 = tpu.vector_load %arg10[%swap3A_1122] {strides = array<i32>} : memref<256xi32, #tpu.memory_space<vmem>>, vector<16xi32>,
        %swap3A_1124 = vector.shape_cast %swap3A_1123 : vector<16xi32> to vector<16xi32>
        %swap3A_1125 = vector.shape_cast %add3A_1121 : vector<16xi32> to vector<16xi32>
        tpu.vector_store %arg10[%swap3A_1122], %swap3A_1125 {strides = array<i32>} : memref<256xi32, #tpu.memory_space<vmem>>, vector<16xi32>,
        %get3A_1126 = arith.constant 0 : i32
        %get3A_1127 = arith.index_cast %get3A_1126 : i32 to index
        %get3A_1128 = arith.constant 32 : index
        %get3A_1129 = tpu.vector_load %arg9[%get3A_1127, %get3A_1128] {strides = array<i32>} : memref<3x512xi32, #tpu.memory_space<vmem>>, vector<1x16xi32>,
        %get3A_1130 = vector.shape_cast %get3A_1129 : vector<1x16xi32> to vector<16xi32>
        %get3A_1131 = arith.constant 1 : i32
        %get3A_1132 = arith.index_cast %get3A_1131 : i32 to index
        %get3A_1133 = arith.constant 32 : index
        %get3A_1134 = tpu.vector_load %arg9[%get3A_1132, %get3A_1133] {strides = array<i32>} : memref<3x512xi32, #tpu.memory_space<vmem>>, vector<1x16xi32>,
        %get3A_1135 = vector.shape_cast %get3A_1134 : vector<1x16xi32> to vector<16xi32>
        %get3A_1136 = arith.constant 2 : i32
        %get3A_1137 = arith.index_cast %get3A_1136 : i32 to index
        %get3A_1138 = arith.constant 32 : index
        %get3A_1139 = tpu.vector_load %arg9[%get3A_1137, %get3A_1138] {strides = array<i32>} : memref<3x512xi32, #tpu.memory_space<vmem>>, vector<1x16xi32>,
        %get3A_1140 = vector.shape_cast %get3A_1139 : vector<1x16xi32> to vector<16xi32>
        %mul3A_1141 = arith.constant 11 : i32
        %mul3A_1142 = vector.broadcast %mul3A_1141 : i32 to vector<16xi32>
        %mul3A_1143 = arith.muli %get3A_1130, %mul3A_1142 : vector<16xi32>
        %add3A_1144 = arith.addi %mul3A_1143, %get3A_1135 : vector<16xi32>
        %mul3A_1145 = arith.constant 11 : i32
        %mul3A_1146 = vector.broadcast %mul3A_1145 : i32 to vector<16xi32>
        %mul3A_1147 = arith.muli %add3A_1144, %mul3A_1146 : vector<16xi32>
        %add3A_1148 = arith.addi %mul3A_1147, %get3A_1140 : vector<16xi32>
        %swap3A_1149 = arith.constant 32 : index
        %swap3A_1150 = tpu.vector_load %arg10[%swap3A_1149] {strides = array<i32>} : memref<256xi32, #tpu.memory_space<vmem>>, vector<16xi32>,
        %swap3A_1151 = vector.shape_cast %swap3A_1150 : vector<16xi32> to vector<16xi32>
        %swap3A_1152 = vector.shape_cast %add3A_1148 : vector<16xi32> to vector<16xi32>
        tpu.vector_store %arg10[%swap3A_1149], %swap3A_1152 {strides = array<i32>} : memref<256xi32, #tpu.memory_space<vmem>>, vector<16xi32>,
        %get3A_1153 = arith.constant 0 : i32
        %get3A_1154 = arith.index_cast %get3A_1153 : i32 to index
        %get3A_1155 = arith.constant 48 : index
        %get3A_1156 = tpu.vector_load %arg9[%get3A_1154, %get3A_1155] {strides = array<i32>} : memref<3x512xi32, #tpu.memory_space<vmem>>, vector<1x16xi32>,
        %get3A_1157 = vector.shape_cast %get3A_1156 : vector<1x16xi32> to vector<16xi32>
        %get3A_1158 = arith.constant 1 : i32
        %get3A_1159 = arith.index_cast %get3A_1158 : i32 to index
        %get3A_1160 = arith.constant 48 : index
        %get3A_1161 = tpu.vector_load %arg9[%get3A_1159, %get3A_1160] {strides = array<i32>} : memref<3x512xi32, #tpu.memory_space<vmem>>, vector<1x16xi32>,
        %get3A_1162 = vector.shape_cast %get3A_1161 : vector<1x16xi32> to vector<16xi32>
        %get3A_1163 = arith.constant 2 : i32
        %get3A_1164 = arith.index_cast %get3A_1163 : i32 to index
        %get3A_1165 = arith.constant 48 : index
        %get3A_1166 = tpu.vector_load %arg9[%get3A_1164, %get3A_1165] {strides = array<i32>} : memref<3x512xi32, #tpu.memory_space<vmem>>, vector<1x16xi32>,
        %get3A_1167 = vector.shape_cast %get3A_1166 : vector<1x16xi32> to vector<16xi32>
        %mul3A_1168 = arith.constant 11 : i32
        %mul3A_1169 = vector.broadcast %mul3A_1168 : i32 to vector<16xi32>
        %mul3A_1170 = arith.muli %get3A_1157, %mul3A_1169 : vector<16xi32>
        %add3A_1171 = arith.addi %mul3A_1170, %get3A_1162 : vector<16xi32>
        %mul3A_1172 = arith.constant 11 : i32
        %mul3A_1173 = vector.broadcast %mul3A_1172 : i32 to vector<16xi32>
        %mul3A_1174 = arith.muli %add3A_1171, %mul3A_1173 : vector<16xi32>
        %add3A_1175 = arith.addi %mul3A_1174, %get3A_1167 : vector<16xi32>
        %swap3A_1176 = arith.constant 48 : index
        %swap3A_1177 = tpu.vector_load %arg10[%swap3A_1176] {strides = array<i32>} : memref<256xi32, #tpu.memory_space<vmem>>, vector<16xi32>,
        %swap3A_1178 = vector.shape_cast %swap3A_1177 : vector<16xi32> to vector<16xi32>
        %swap3A_1179 = vector.shape_cast %add3A_1175 : vector<16xi32> to vector<16xi32>
        tpu.vector_store %arg10[%swap3A_1176], %swap3A_1179 {strides = array<i32>} : memref<256xi32, #tpu.memory_space<vmem>>, vector<16xi32>,
        %get3A_1180 = arith.constant 0 : i32
        %get3A_1181 = arith.index_cast %get3A_1180 : i32 to index
        %get3A_1182 = arith.constant 64 : index
        %get3A_1183 = tpu.vector_load %arg9[%get3A_1181, %get3A_1182] {strides = array<i32>} : memref<3x512xi32, #tpu.memory_space<vmem>>, vector<1x16xi32>,
        %get3A_1184 = vector.shape_cast %get3A_1183 : vector<1x16xi32> to vector<16xi32>
        %get3A_1185 = arith.constant 1 : i32
        %get3A_1186 = arith.index_cast %get3A_1185 : i32 to index
        %get3A_1187 = arith.constant 64 : index
        %get3A_1188 = tpu.vector_load %arg9[%get3A_1186, %get3A_1187] {strides = array<i32>} : memref<3x512xi32, #tpu.memory_space<vmem>>, vector<1x16xi32>,
        %get3A_1189 = vector.shape_cast %get3A_1188 : vector<1x16xi32> to vector<16xi32>
        %get3A_1190 = arith.constant 2 : i32
        %get3A_1191 = arith.index_cast %get3A_1190 : i32 to index
        %get3A_1192 = arith.constant 64 : index
        %get3A_1193 = tpu.vector_load %arg9[%get3A_1191, %get3A_1192] {strides = array<i32>} : memref<3x512xi32, #tpu.memory_space<vmem>>, vector<1x16xi32>,
        %get3A_1194 = vector.shape_cast %get3A_1193 : vector<1x16xi32> to vector<16xi32>
        %mul3A_1195 = arith.constant 11 : i32
        %mul3A_1196 = vector.broadcast %mul3A_1195 : i32 to vector<16xi32>
        %mul3A_1197 = arith.muli %get3A_1184, %mul3A_1196 : vector<16xi32>
        %add3A_1198 = arith.addi %mul3A_1197, %get3A_1189 : vector<16xi32>
        %mul3A_1199 = arith.constant 11 : i32
        %mul3A_1200 = vector.broadcast %mul3A_1199 : i32 to vector<16xi32>
        %mul3A_1201 = arith.muli %add3A_1198, %mul3A_1200 : vector<16xi32>
        %add3A_1202 = arith.addi %mul3A_1201, %get3A_1194 : vector<16xi32>
        %swap3A_1203 = arith.constant 64 : index
        %swap3A_1204 = tpu.vector_load %arg10[%swap3A_1203] {strides = array<i32>} : memref<256xi32, #tpu.memory_space<vmem>>, vector<16xi32>,
        %swap3A_1205 = vector.shape_cast %swap3A_1204 : vector<16xi32> to vector<16xi32>
        %swap3A_1206 = vector.shape_cast %add3A_1202 : vector<16xi32> to vector<16xi32>
        tpu.vector_store %arg10[%swap3A_1203], %swap3A_1206 {strides = array<i32>} : memref<256xi32, #tpu.memory_space<vmem>>, vector<16xi32>,
        %get3A_1207 = arith.constant 0 : i32
        %get3A_1208 = arith.index_cast %get3A_1207 : i32 to index
        %get3A_1209 = arith.constant 80 : index
        %get3A_1210 = tpu.vector_load %arg9[%get3A_1208, %get3A_1209] {strides = array<i32>} : memref<3x512xi32, #tpu.memory_space<vmem>>, vector<1x16xi32>,
        %get3A_1211 = vector.shape_cast %get3A_1210 : vector<1x16xi32> to vector<16xi32>
        %get3A_1212 = arith.constant 1 : i32
        %get3A_1213 = arith.index_cast %get3A_1212 : i32 to index
        %get3A_1214 = arith.constant 80 : index
        %get3A_1215 = tpu.vector_load %arg9[%get3A_1213, %get3A_1214] {strides = array<i32>} : memref<3x512xi32, #tpu.memory_space<vmem>>, vector<1x16xi32>,
        %get3A_1216 = vector.shape_cast %get3A_1215 : vector<1x16xi32> to vector<16xi32>
        %get3A_1217 = arith.constant 2 : i32
        %get3A_1218 = arith.index_cast %get3A_1217 : i32 to index
        %get3A_1219 = arith.constant 80 : index
        %get3A_1220 = tpu.vector_load %arg9[%get3A_1218, %get3A_1219] {strides = array<i32>} : memref<3x512xi32, #tpu.memory_space<vmem>>, vector<1x16xi32>,
        %get3A_1221 = vector.shape_cast %get3A_1220 : vector<1x16xi32> to vector<16xi32>
        %mul3A_1222 = arith.constant 11 : i32
        %mul3A_1223 = vector.broadcast %mul3A_1222 : i32 to vector<16xi32>
        %mul3A_1224 = arith.muli %get3A_1211, %mul3A_1223 : vector<16xi32>
        %add3A_1225 = arith.addi %mul3A_1224, %get3A_1216 : vector<16xi32>
        %mul3A_1226 = arith.constant 11 : i32
        %mul3A_1227 = vector.broadcast %mul3A_1226 : i32 to vector<16xi32>
        %mul3A_1228 = arith.muli %add3A_1225, %mul3A_1227 : vector<16xi32>
        %add3A_1229 = arith.addi %mul3A_1228, %get3A_1221 : vector<16xi32>
        %swap3A_1230 = arith.constant 80 : index
        %swap3A_1231 = tpu.vector_load %arg10[%swap3A_1230] {strides = array<i32>} : memref<256xi32, #tpu.memory_space<vmem>>, vector<16xi32>,
        %swap3A_1232 = vector.shape_cast %swap3A_1231 : vector<16xi32> to vector<16xi32>
        %swap3A_1233 = vector.shape_cast %add3A_1229 : vector<16xi32> to vector<16xi32>
        tpu.vector_store %arg10[%swap3A_1230], %swap3A_1233 {strides = array<i32>} : memref<256xi32, #tpu.memory_space<vmem>>, vector<16xi32>,
        %get3A_1234 = arith.constant 0 : i32
        %get3A_1235 = arith.index_cast %get3A_1234 : i32 to index
        %get3A_1236 = arith.constant 96 : index
        %get3A_1237 = tpu.vector_load %arg9[%get3A_1235, %get3A_1236] {strides = array<i32>} : memref<3x512xi32, #tpu.memory_space<vmem>>, vector<1x16xi32>,
        %get3A_1238 = vector.shape_cast %get3A_1237 : vector<1x16xi32> to vector<16xi32>
        %get3A_1239 = arith.constant 1 : i32
        %get3A_1240 = arith.index_cast %get3A_1239 : i32 to index
        %get3A_1241 = arith.constant 96 : index
        %get3A_1242 = tpu.vector_load %arg9[%get3A_1240, %get3A_1241] {strides = array<i32>} : memref<3x512xi32, #tpu.memory_space<vmem>>, vector<1x16xi32>,
        %get3A_1243 = vector.shape_cast %get3A_1242 : vector<1x16xi32> to vector<16xi32>
        %get3A_1244 = arith.constant 2 : i32
        %get3A_1245 = arith.index_cast %get3A_1244 : i32 to index
        %get3A_1246 = arith.constant 96 : index
        %get3A_1247 = tpu.vector_load %arg9[%get3A_1245, %get3A_1246] {strides = array<i32>} : memref<3x512xi32, #tpu.memory_space<vmem>>, vector<1x16xi32>,
        %get3A_1248 = vector.shape_cast %get3A_1247 : vector<1x16xi32> to vector<16xi32>
        %mul3A_1249 = arith.constant 11 : i32
        %mul3A_1250 = vector.broadcast %mul3A_1249 : i32 to vector<16xi32>
        %mul3A_1251 = arith.muli %get3A_1238, %mul3A_1250 : vector<16xi32>
        %add3A_1252 = arith.addi %mul3A_1251, %get3A_1243 : vector<16xi32>
        %mul3A_1253 = arith.constant 11 : i32
        %mul3A_1254 = vector.broadcast %mul3A_1253 : i32 to vector<16xi32>
        %mul3A_1255 = arith.muli %add3A_1252, %mul3A_1254 : vector<16xi32>
        %add3A_1256 = arith.addi %mul3A_1255, %get3A_1248 : vector<16xi32>
        %swap3A_1257 = arith.constant 96 : index
        %swap3A_1258 = tpu.vector_load %arg10[%swap3A_1257] {strides = array<i32>} : memref<256xi32, #tpu.memory_space<vmem>>, vector<16xi32>,
        %swap3A_1259 = vector.shape_cast %swap3A_1258 : vector<16xi32> to vector<16xi32>
        %swap3A_1260 = vector.shape_cast %add3A_1256 : vector<16xi32> to vector<16xi32>
        tpu.vector_store %arg10[%swap3A_1257], %swap3A_1260 {strides = array<i32>} : memref<256xi32, #tpu.memory_space<vmem>>, vector<16xi32>,
        %get3A_1261 = arith.constant 0 : i32
        %get3A_1262 = arith.index_cast %get3A_1261 : i32 to index
        %get3A_1263 = arith.constant 112 : index
        %get3A_1264 = tpu.vector_load %arg9[%get3A_1262, %get3A_1263] {strides = array<i32>} : memref<3x512xi32, #tpu.memory_space<vmem>>, vector<1x16xi32>,
        %get3A_1265 = vector.shape_cast %get3A_1264 : vector<1x16xi32> to vector<16xi32>
        %get3A_1266 = arith.constant 1 : i32
        %get3A_1267 = arith.index_cast %get3A_1266 : i32 to index
        %get3A_1268 = arith.constant 112 : index
        %get3A_1269 = tpu.vector_load %arg9[%get3A_1267, %get3A_1268] {strides = array<i32>} : memref<3x512xi32, #tpu.memory_space<vmem>>, vector<1x16xi32>,
        %get3A_1270 = vector.shape_cast %get3A_1269 : vector<1x16xi32> to vector<16xi32>
        %get3A_1271 = arith.constant 2 : i32
        %get3A_1272 = arith.index_cast %get3A_1271 : i32 to index
        %get3A_1273 = arith.constant 112 : index
        %get3A_1274 = tpu.vector_load %arg9[%get3A_1272, %get3A_1273] {strides = array<i32>} : memref<3x512xi32, #tpu.memory_space<vmem>>, vector<1x16xi32>,
        %get3A_1275 = vector.shape_cast %get3A_1274 : vector<1x16xi32> to vector<16xi32>
        %mul3A_1276 = arith.constant 11 : i32
        %mul3A_1277 = vector.broadcast %mul3A_1276 : i32 to vector<16xi32>
        %mul3A_1278 = arith.muli %get3A_1265, %mul3A_1277 : vector<16xi32>
        %add3A_1279 = arith.addi %mul3A_1278, %get3A_1270 : vector<16xi32>
        %mul3A_1280 = arith.constant 11 : i32
        %mul3A_1281 = vector.broadcast %mul3A_1280 : i32 to vector<16xi32>
        %mul3A_1282 = arith.muli %add3A_1279, %mul3A_1281 : vector<16xi32>
        %add3A_1283 = arith.addi %mul3A_1282, %get3A_1275 : vector<16xi32>
        %swap3A_1284 = arith.constant 112 : index
        %swap3A_1285 = tpu.vector_load %arg10[%swap3A_1284] {strides = array<i32>} : memref<256xi32, #tpu.memory_space<vmem>>, vector<16xi32>,
        %swap3A_1286 = vector.shape_cast %swap3A_1285 : vector<16xi32> to vector<16xi32>
        %swap3A_1287 = vector.shape_cast %add3A_1283 : vector<16xi32> to vector<16xi32>
        tpu.vector_store %arg10[%swap3A_1284], %swap3A_1287 {strides = array<i32>} : memref<256xi32, #tpu.memory_space<vmem>>, vector<16xi32>,
        %get3A_1288 = arith.constant 0 : i32
        %get3A_1289 = arith.index_cast %get3A_1288 : i32 to index
        %get3A_1290 = arith.constant 128 : index
        %get3A_1291 = tpu.vector_load %arg9[%get3A_1289, %get3A_1290] {strides = array<i32>} : memref<3x512xi32, #tpu.memory_space<vmem>>, vector<1x16xi32>,
        %get3A_1292 = vector.shape_cast %get3A_1291 : vector<1x16xi32> to vector<16xi32>
        %get3A_1293 = arith.constant 1 : i32
        %get3A_1294 = arith.index_cast %get3A_1293 : i32 to index
        %get3A_1295 = arith.constant 128 : index
        %get3A_1296 = tpu.vector_load %arg9[%get3A_1294, %get3A_1295] {strides = array<i32>} : memref<3x512xi32, #tpu.memory_space<vmem>>, vector<1x16xi32>,
        %get3A_1297 = vector.shape_cast %get3A_1296 : vector<1x16xi32> to vector<16xi32>
        %get3A_1298 = arith.constant 2 : i32
        %get3A_1299 = arith.index_cast %get3A_1298 : i32 to index
        %get3A_1300 = arith.constant 128 : index
        %get3A_1301 = tpu.vector_load %arg9[%get3A_1299, %get3A_1300] {strides = array<i32>} : memref<3x512xi32, #tpu.memory_space<vmem>>, vector<1x16xi32>,
        %get3A_1302 = vector.shape_cast %get3A_1301 : vector<1x16xi32> to vector<16xi32>
        %mul3A_1303 = arith.constant 11 : i32
        %mul3A_1304 = vector.broadcast %mul3A_1303 : i32 to vector<16xi32>
        %mul3A_1305 = arith.muli %get3A_1292, %mul3A_1304 : vector<16xi32>
        %add3A_1306 = arith.addi %mul3A_1305, %get3A_1297 : vector<16xi32>
        %mul3A_1307 = arith.constant 11 : i32
        %mul3A_1308 = vector.broadcast %mul3A_1307 : i32 to vector<16xi32>
        %mul3A_1309 = arith.muli %add3A_1306, %mul3A_1308 : vector<16xi32>
        %add3A_1310 = arith.addi %mul3A_1309, %get3A_1302 : vector<16xi32>
        %swap3A_1311 = arith.constant 128 : index
        %swap3A_1312 = tpu.vector_load %arg10[%swap3A_1311] {strides = array<i32>} : memref<256xi32, #tpu.memory_space<vmem>>, vector<16xi32>,
        %swap3A_1313 = vector.shape_cast %swap3A_1312 : vector<16xi32> to vector<16xi32>
        %swap3A_1314 = vector.shape_cast %add3A_1310 : vector<16xi32> to vector<16xi32>
        tpu.vector_store %arg10[%swap3A_1311], %swap3A_1314 {strides = array<i32>} : memref<256xi32, #tpu.memory_space<vmem>>, vector<16xi32>,
        %get3A_1315 = arith.constant 0 : i32
        %get3A_1316 = arith.index_cast %get3A_1315 : i32 to index
        %get3A_1317 = arith.constant 144 : index
        %get3A_1318 = tpu.vector_load %arg9[%get3A_1316, %get3A_1317] {strides = array<i32>} : memref<3x512xi32, #tpu.memory_space<vmem>>, vector<1x16xi32>,
        %get3A_1319 = vector.shape_cast %get3A_1318 : vector<1x16xi32> to vector<16xi32>
        %get3A_1320 = arith.constant 1 : i32
        %get3A_1321 = arith.index_cast %get3A_1320 : i32 to index
        %get3A_1322 = arith.constant 144 : index
        %get3A_1323 = tpu.vector_load %arg9[%get3A_1321, %get3A_1322] {strides = array<i32>} : memref<3x512xi32, #tpu.memory_space<vmem>>, vector<1x16xi32>,
        %get3A_1324 = vector.shape_cast %get3A_1323 : vector<1x16xi32> to vector<16xi32>
        %get3A_1325 = arith.constant 2 : i32
        %get3A_1326 = arith.index_cast %get3A_1325 : i32 to index
        %get3A_1327 = arith.constant 144 : index
        %get3A_1328 = tpu.vector_load %arg9[%get3A_1326, %get3A_1327] {strides = array<i32>} : memref<3x512xi32, #tpu.memory_space<vmem>>, vector<1x16xi32>,
        %get3A_1329 = vector.shape_cast %get3A_1328 : vector<1x16xi32> to vector<16xi32>
        %mul3A_1330 = arith.constant 11 : i32
        %mul3A_1331 = vector.broadcast %mul3A_1330 : i32 to vector<16xi32>
        %mul3A_1332 = arith.muli %get3A_1319, %mul3A_1331 : vector<16xi32>
        %add3A_1333 = arith.addi %mul3A_1332, %get3A_1324 : vector<16xi32>
        %mul3A_1334 = arith.constant 11 : i32
        %mul3A_1335 = vector.broadcast %mul3A_1334 : i32 to vector<16xi32>
        %mul3A_1336 = arith.muli %add3A_1333, %mul3A_1335 : vector<16xi32>
        %add3A_1337 = arith.addi %mul3A_1336, %get3A_1329 : vector<16xi32>
        %swap3A_1338 = arith.constant 144 : index
        %swap3A_1339 = tpu.vector_load %arg10[%swap3A_1338] {strides = array<i32>} : memref<256xi32, #tpu.memory_space<vmem>>, vector<16xi32>,
        %swap3A_1340 = vector.shape_cast %swap3A_1339 : vector<16xi32> to vector<16xi32>
        %swap3A_1341 = vector.shape_cast %add3A_1337 : vector<16xi32> to vector<16xi32>
        tpu.vector_store %arg10[%swap3A_1338], %swap3A_1341 {strides = array<i32>} : memref<256xi32, #tpu.memory_space<vmem>>, vector<16xi32>,
        %get3A_1342 = arith.constant 0 : i32
        %get3A_1343 = arith.index_cast %get3A_1342 : i32 to index
        %get3A_1344 = arith.constant 160 : index
        %get3A_1345 = tpu.vector_load %arg9[%get3A_1343, %get3A_1344] {strides = array<i32>} : memref<3x512xi32, #tpu.memory_space<vmem>>, vector<1x16xi32>,
        %get3A_1346 = vector.shape_cast %get3A_1345 : vector<1x16xi32> to vector<16xi32>
        %get3A_1347 = arith.constant 1 : i32
        %get3A_1348 = arith.index_cast %get3A_1347 : i32 to index
        %get3A_1349 = arith.constant 160 : index
        %get3A_1350 = tpu.vector_load %arg9[%get3A_1348, %get3A_1349] {strides = array<i32>} : memref<3x512xi32, #tpu.memory_space<vmem>>, vector<1x16xi32>,
        %get3A_1351 = vector.shape_cast %get3A_1350 : vector<1x16xi32> to vector<16xi32>
        %get3A_1352 = arith.constant 2 : i32
        %get3A_1353 = arith.index_cast %get3A_1352 : i32 to index
        %get3A_1354 = arith.constant 160 : index
        %get3A_1355 = tpu.vector_load %arg9[%get3A_1353, %get3A_1354] {strides = array<i32>} : memref<3x512xi32, #tpu.memory_space<vmem>>, vector<1x16xi32>,
        %get3A_1356 = vector.shape_cast %get3A_1355 : vector<1x16xi32> to vector<16xi32>
        %mul3A_1357 = arith.constant 11 : i32
        %mul3A_1358 = vector.broadcast %mul3A_1357 : i32 to vector<16xi32>
        %mul3A_1359 = arith.muli %get3A_1346, %mul3A_1358 : vector<16xi32>
        %add3A_1360 = arith.addi %mul3A_1359, %get3A_1351 : vector<16xi32>
        %mul3A_1361 = arith.constant 11 : i32
        %mul3A_1362 = vector.broadcast %mul3A_1361 : i32 to vector<16xi32>
        %mul3A_1363 = arith.muli %add3A_1360, %mul3A_1362 : vector<16xi32>
        %add3A_1364 = arith.addi %mul3A_1363, %get3A_1356 : vector<16xi32>
        %swap3A_1365 = arith.constant 160 : index
        %swap3A_1366 = tpu.vector_load %arg10[%swap3A_1365] {strides = array<i32>} : memref<256xi32, #tpu.memory_space<vmem>>, vector<16xi32>,
        %swap3A_1367 = vector.shape_cast %swap3A_1366 : vector<16xi32> to vector<16xi32>
        %swap3A_1368 = vector.shape_cast %add3A_1364 : vector<16xi32> to vector<16xi32>
        tpu.vector_store %arg10[%swap3A_1365], %swap3A_1368 {strides = array<i32>} : memref<256xi32, #tpu.memory_space<vmem>>, vector<16xi32>,
        %get3A_1369 = arith.constant 0 : i32
        %get3A_1370 = arith.index_cast %get3A_1369 : i32 to index
        %get3A_1371 = arith.constant 176 : index
        %get3A_1372 = tpu.vector_load %arg9[%get3A_1370, %get3A_1371] {strides = array<i32>} : memref<3x512xi32, #tpu.memory_space<vmem>>, vector<1x16xi32>,
        %get3A_1373 = vector.shape_cast %get3A_1372 : vector<1x16xi32> to vector<16xi32>
        %get3A_1374 = arith.constant 1 : i32
        %get3A_1375 = arith.index_cast %get3A_1374 : i32 to index
        %get3A_1376 = arith.constant 176 : index
        %get3A_1377 = tpu.vector_load %arg9[%get3A_1375, %get3A_1376] {strides = array<i32>} : memref<3x512xi32, #tpu.memory_space<vmem>>, vector<1x16xi32>,
        %get3A_1378 = vector.shape_cast %get3A_1377 : vector<1x16xi32> to vector<16xi32>
        %get3A_1379 = arith.constant 2 : i32
        %get3A_1380 = arith.index_cast %get3A_1379 : i32 to index
        %get3A_1381 = arith.constant 176 : index
        %get3A_1382 = tpu.vector_load %arg9[%get3A_1380, %get3A_1381] {strides = array<i32>} : memref<3x512xi32, #tpu.memory_space<vmem>>, vector<1x16xi32>,
        %get3A_1383 = vector.shape_cast %get3A_1382 : vector<1x16xi32> to vector<16xi32>
        %mul3A_1384 = arith.constant 11 : i32
        %mul3A_1385 = vector.broadcast %mul3A_1384 : i32 to vector<16xi32>
        %mul3A_1386 = arith.muli %get3A_1373, %mul3A_1385 : vector<16xi32>
        %add3A_1387 = arith.addi %mul3A_1386, %get3A_1378 : vector<16xi32>
        %mul3A_1388 = arith.constant 11 : i32
        %mul3A_1389 = vector.broadcast %mul3A_1388 : i32 to vector<16xi32>
        %mul3A_1390 = arith.muli %add3A_1387, %mul3A_1389 : vector<16xi32>
        %add3A_1391 = arith.addi %mul3A_1390, %get3A_1383 : vector<16xi32>
        %swap3A_1392 = arith.constant 176 : index
        %swap3A_1393 = tpu.vector_load %arg10[%swap3A_1392] {strides = array<i32>} : memref<256xi32, #tpu.memory_space<vmem>>, vector<16xi32>,
        %swap3A_1394 = vector.shape_cast %swap3A_1393 : vector<16xi32> to vector<16xi32>
        %swap3A_1395 = vector.shape_cast %add3A_1391 : vector<16xi32> to vector<16xi32>
        tpu.vector_store %arg10[%swap3A_1392], %swap3A_1395 {strides = array<i32>} : memref<256xi32, #tpu.memory_space<vmem>>, vector<16xi32>,
        %get3A_1396 = arith.constant 0 : i32
        %get3A_1397 = arith.index_cast %get3A_1396 : i32 to index
        %get3A_1398 = arith.constant 192 : index
        %get3A_1399 = tpu.vector_load %arg9[%get3A_1397, %get3A_1398] {strides = array<i32>} : memref<3x512xi32, #tpu.memory_space<vmem>>, vector<1x16xi32>,
        %get3A_1400 = vector.shape_cast %get3A_1399 : vector<1x16xi32> to vector<16xi32>
        %get3A_1401 = arith.constant 1 : i32
        %get3A_1402 = arith.index_cast %get3A_1401 : i32 to index
        %get3A_1403 = arith.constant 192 : index
        %get3A_1404 = tpu.vector_load %arg9[%get3A_1402, %get3A_1403] {strides = array<i32>} : memref<3x512xi32, #tpu.memory_space<vmem>>, vector<1x16xi32>,
        %get3A_1405 = vector.shape_cast %get3A_1404 : vector<1x16xi32> to vector<16xi32>
        %get3A_1406 = arith.constant 2 : i32
        %get3A_1407 = arith.index_cast %get3A_1406 : i32 to index
        %get3A_1408 = arith.constant 192 : index
        %get3A_1409 = tpu.vector_load %arg9[%get3A_1407, %get3A_1408] {strides = array<i32>} : memref<3x512xi32, #tpu.memory_space<vmem>>, vector<1x16xi32>,
        %get3A_1410 = vector.shape_cast %get3A_1409 : vector<1x16xi32> to vector<16xi32>
        %mul3A_1411 = arith.constant 11 : i32
        %mul3A_1412 = vector.broadcast %mul3A_1411 : i32 to vector<16xi32>
        %mul3A_1413 = arith.muli %get3A_1400, %mul3A_1412 : vector<16xi32>
        %add3A_1414 = arith.addi %mul3A_1413, %get3A_1405 : vector<16xi32>
        %mul3A_1415 = arith.constant 11 : i32
        %mul3A_1416 = vector.broadcast %mul3A_1415 : i32 to vector<16xi32>
        %mul3A_1417 = arith.muli %add3A_1414, %mul3A_1416 : vector<16xi32>
        %add3A_1418 = arith.addi %mul3A_1417, %get3A_1410 : vector<16xi32>
        %swap3A_1419 = arith.constant 192 : index
        %swap3A_1420 = tpu.vector_load %arg10[%swap3A_1419] {strides = array<i32>} : memref<256xi32, #tpu.memory_space<vmem>>, vector<16xi32>,
        %swap3A_1421 = vector.shape_cast %swap3A_1420 : vector<16xi32> to vector<16xi32>
        %swap3A_1422 = vector.shape_cast %add3A_1418 : vector<16xi32> to vector<16xi32>
        tpu.vector_store %arg10[%swap3A_1419], %swap3A_1422 {strides = array<i32>} : memref<256xi32, #tpu.memory_space<vmem>>, vector<16xi32>,
        %get3A_1423 = arith.constant 0 : i32
        %get3A_1424 = arith.index_cast %get3A_1423 : i32 to index
        %get3A_1425 = arith.constant 208 : index
        %get3A_1426 = tpu.vector_load %arg9[%get3A_1424, %get3A_1425] {strides = array<i32>} : memref<3x512xi32, #tpu.memory_space<vmem>>, vector<1x16xi32>,
        %get3A_1427 = vector.shape_cast %get3A_1426 : vector<1x16xi32> to vector<16xi32>
        %get3A_1428 = arith.constant 1 : i32
        %get3A_1429 = arith.index_cast %get3A_1428 : i32 to index
        %get3A_1430 = arith.constant 208 : index
        %get3A_1431 = tpu.vector_load %arg9[%get3A_1429, %get3A_1430] {strides = array<i32>} : memref<3x512xi32, #tpu.memory_space<vmem>>, vector<1x16xi32>,
        %get3A_1432 = vector.shape_cast %get3A_1431 : vector<1x16xi32> to vector<16xi32>
        %get3A_1433 = arith.constant 2 : i32
        %get3A_1434 = arith.index_cast %get3A_1433 : i32 to index
        %get3A_1435 = arith.constant 208 : index
        %get3A_1436 = tpu.vector_load %arg9[%get3A_1434, %get3A_1435] {strides = array<i32>} : memref<3x512xi32, #tpu.memory_space<vmem>>, vector<1x16xi32>,
        %get3A_1437 = vector.shape_cast %get3A_1436 : vector<1x16xi32> to vector<16xi32>
        %mul3A_1438 = arith.constant 11 : i32
        %mul3A_1439 = vector.broadcast %mul3A_1438 : i32 to vector<16xi32>
        %mul3A_1440 = arith.muli %get3A_1427, %mul3A_1439 : vector<16xi32>
        %add3A_1441 = arith.addi %mul3A_1440, %get3A_1432 : vector<16xi32>
        %mul3A_1442 = arith.constant 11 : i32
        %mul3A_1443 = vector.broadcast %mul3A_1442 : i32 to vector<16xi32>
        %mul3A_1444 = arith.muli %add3A_1441, %mul3A_1443 : vector<16xi32>
        %add3A_1445 = arith.addi %mul3A_1444, %get3A_1437 : vector<16xi32>
        %swap3A_1446 = arith.constant 208 : index
        %swap3A_1447 = tpu.vector_load %arg10[%swap3A_1446] {strides = array<i32>} : memref<256xi32, #tpu.memory_space<vmem>>, vector<16xi32>,
        %swap3A_1448 = vector.shape_cast %swap3A_1447 : vector<16xi32> to vector<16xi32>
        %swap3A_1449 = vector.shape_cast %add3A_1445 : vector<16xi32> to vector<16xi32>
        tpu.vector_store %arg10[%swap3A_1446], %swap3A_1449 {strides = array<i32>} : memref<256xi32, #tpu.memory_space<vmem>>, vector<16xi32>,
        %get3A_1450 = arith.constant 0 : i32
        %get3A_1451 = arith.index_cast %get3A_1450 : i32 to index
        %get3A_1452 = arith.constant 224 : index
        %get3A_1453 = tpu.vector_load %arg9[%get3A_1451, %get3A_1452] {strides = array<i32>} : memref<3x512xi32, #tpu.memory_space<vmem>>, vector<1x16xi32>,
        %get3A_1454 = vector.shape_cast %get3A_1453 : vector<1x16xi32> to vector<16xi32>
        %get3A_1455 = arith.constant 1 : i32
        %get3A_1456 = arith.index_cast %get3A_1455 : i32 to index
        %get3A_1457 = arith.constant 224 : index
        %get3A_1458 = tpu.vector_load %arg9[%get3A_1456, %get3A_1457] {strides = array<i32>} : memref<3x512xi32, #tpu.memory_space<vmem>>, vector<1x16xi32>,
        %get3A_1459 = vector.shape_cast %get3A_1458 : vector<1x16xi32> to vector<16xi32>
        %get3A_1460 = arith.constant 2 : i32
        %get3A_1461 = arith.index_cast %get3A_1460 : i32 to index
        %get3A_1462 = arith.constant 224 : index
        %get3A_1463 = tpu.vector_load %arg9[%get3A_1461, %get3A_1462] {strides = array<i32>} : memref<3x512xi32, #tpu.memory_space<vmem>>, vector<1x16xi32>,
        %get3A_1464 = vector.shape_cast %get3A_1463 : vector<1x16xi32> to vector<16xi32>
        %mul3A_1465 = arith.constant 11 : i32
        %mul3A_1466 = vector.broadcast %mul3A_1465 : i32 to vector<16xi32>
        %mul3A_1467 = arith.muli %get3A_1454, %mul3A_1466 : vector<16xi32>
        %add3A_1468 = arith.addi %mul3A_1467, %get3A_1459 : vector<16xi32>
        %mul3A_1469 = arith.constant 11 : i32
        %mul3A_1470 = vector.broadcast %mul3A_1469 : i32 to vector<16xi32>
        %mul3A_1471 = arith.muli %add3A_1468, %mul3A_1470 : vector<16xi32>
        %add3A_1472 = arith.addi %mul3A_1471, %get3A_1464 : vector<16xi32>
        %swap3A_1473 = arith.constant 224 : index
        %swap3A_1474 = tpu.vector_load %arg10[%swap3A_1473] {strides = array<i32>} : memref<256xi32, #tpu.memory_space<vmem>>, vector<16xi32>,
        %swap3A_1475 = vector.shape_cast %swap3A_1474 : vector<16xi32> to vector<16xi32>
        %swap3A_1476 = vector.shape_cast %add3A_1472 : vector<16xi32> to vector<16xi32>
        tpu.vector_store %arg10[%swap3A_1473], %swap3A_1476 {strides = array<i32>} : memref<256xi32, #tpu.memory_space<vmem>>, vector<16xi32>,
        %get3A_1477 = arith.constant 0 : i32
        %get3A_1478 = arith.index_cast %get3A_1477 : i32 to index
        %get3A_1479 = arith.constant 240 : index
        %get3A_1480 = tpu.vector_load %arg9[%get3A_1478, %get3A_1479] {strides = array<i32>} : memref<3x512xi32, #tpu.memory_space<vmem>>, vector<1x16xi32>,
        %get3A_1481 = vector.shape_cast %get3A_1480 : vector<1x16xi32> to vector<16xi32>
        %get3A_1482 = arith.constant 1 : i32
        %get3A_1483 = arith.index_cast %get3A_1482 : i32 to index
        %get3A_1484 = arith.constant 240 : index
        %get3A_1485 = tpu.vector_load %arg9[%get3A_1483, %get3A_1484] {strides = array<i32>} : memref<3x512xi32, #tpu.memory_space<vmem>>, vector<1x16xi32>,
        %get3A_1486 = vector.shape_cast %get3A_1485 : vector<1x16xi32> to vector<16xi32>
        %get3A_1487 = arith.constant 2 : i32
        %get3A_1488 = arith.index_cast %get3A_1487 : i32 to index
        %get3A_1489 = arith.constant 240 : index
        %get3A_1490 = tpu.vector_load %arg9[%get3A_1488, %get3A_1489] {strides = array<i32>} : memref<3x512xi32, #tpu.memory_space<vmem>>, vector<1x16xi32>,
        %get3A_1491 = vector.shape_cast %get3A_1490 : vector<1x16xi32> to vector<16xi32>
        %mul3A_1492 = arith.constant 11 : i32
        %mul3A_1493 = vector.broadcast %mul3A_1492 : i32 to vector<16xi32>
        %mul3A_1494 = arith.muli %get3A_1481, %mul3A_1493 : vector<16xi32>
        %add3A_1495 = arith.addi %mul3A_1494, %get3A_1486 : vector<16xi32>
        %mul3A_1496 = arith.constant 11 : i32
        %mul3A_1497 = vector.broadcast %mul3A_1496 : i32 to vector<16xi32>
        %mul3A_1498 = arith.muli %add3A_1495, %mul3A_1497 : vector<16xi32>
        %add3A_1499 = arith.addi %mul3A_1498, %get3A_1491 : vector<16xi32>
        %swap3A_1500 = arith.constant 240 : index
        %swap3A_1501 = tpu.vector_load %arg10[%swap3A_1500] {strides = array<i32>} : memref<256xi32, #tpu.memory_space<vmem>>, vector<16xi32>,
        %swap3A_1502 = vector.shape_cast %swap3A_1501 : vector<16xi32> to vector<16xi32>
        %swap3A_1503 = vector.shape_cast %add3A_1499 : vector<16xi32> to vector<16xi32>
        tpu.vector_store %arg10[%swap3A_1500], %swap3A_1503 {strides = array<i32>} : memref<256xi32, #tpu.memory_space<vmem>>, vector<16xi32>,
        %gt3A_1504 = arith.constant 0 : i32
        %gt3A_1505 = arith.cmpi sgt, %add3A_1071, %gt3A_1504 : i32
        %convert_element_type3A_1506 = arith.extui %gt3A_1505 : i1 to i32
        %cond3A_1507 = arith.constant 0 : i32
        %cond3A_1508 = arith.cmpi ne, %convert_element_type3A_1506, %cond3A_1507 : i32
        scf.if %cond3A_1508 {
          %dma_wait3A_2026 = arith.constant 0 : i32
          %dma_wait3A_2027 = arith.constant 0 : i32
          %dma_wait3A_2028 = tpu.memref_slice %arg4[%dma_wait3A_2026, %mul3A_2, %dma_wait3A_2027] : memref<49x16384x128xf32, #tpu.memory_space<hbm>> -> memref<1x256x128xf32, #tpu.memory_space<hbm>>
          %dma_wait3A_2029 = tpu.memref_squeeze %dma_wait3A_2028 : memref<1x256x128xf32, #tpu.memory_space<hbm>> -> memref<256x128xf32, #tpu.memory_space<hbm>>
          %dma_wait3A_2030 = arith.constant 0 : i32
          %dma_wait3A_2031 = tpu.memref_slice %arg4[%dma_wait3A_2026, %mul3A_2, %dma_wait3A_2030] : memref<49x16384x128xf32, #tpu.memory_space<hbm>> -> memref<1x256x128xf32, #tpu.memory_space<hbm>>
          %dma_wait3A_2032 = tpu.memref_squeeze %dma_wait3A_2031 : memref<1x256x128xf32, #tpu.memory_space<hbm>> -> memref<256x128xf32, #tpu.memory_space<hbm>>
          tpu.wait_dma2 semaphore(%arg15 : memref<!tpu.dma_semaphore, #tpu.memory_space<semaphore_mem>>) src(%arg12 : memref<256x128xf32, #tpu.memory_space<vmem>>) dst(%dma_wait3A_2032 : memref<256x128xf32, #tpu.memory_space<hbm>>)
        } else {
        }
        %dma_start3A_1509 = arith.constant 0 : i32
        %dma_start3A_1510 = arith.constant 0 : i32
        %dma_start3A_1511 = tpu.memref_slice %arg12[%dma_start3A_1509, %dma_start3A_1510] : memref<256x128xf32, #tpu.memory_space<vmem>> -> memref<128x128xf32, #tpu.memory_space<vmem>>
        %dma_start3A_1512 = arith.constant 0 : i32
        %dma_start3A_1513 = tpu.memref_slice %arg10[%dma_start3A_1512] : memref<256xi32, #tpu.memory_space<vmem>> -> memref<128xi32, #tpu.memory_space<vmem>>
        %dma_start3A_1514 = arith.constant 0 : i32
        %dma_start3A_1515 = arith.constant 0 : i32
        %dma_start3A_1516 = tpu.memref_slice %arg7[%dma_start3A_1514, %dma_start3A_1515] : memref<1344x128xf32, #tpu.memory_space<vmem_shared>> -> memref<1344x128xf32, #tpu.memory_space<vmem_shared>>
        tpu.enqueue_indirect_dma source(%dma_start3A_1516 : memref<1344x128xf32, #tpu.memory_space<vmem_shared>>) target(%dma_start3A_1511 : memref<128x128xf32, #tpu.memory_space<vmem>>) offsets(%dma_start3A_1513 : memref<128xi32, #tpu.memory_space<vmem>>) semaphore(%arg14 : memref<!tpu.dma_semaphore, #tpu.memory_space<semaphore_mem>>)
        %dma_start3A_1517 = arith.constant 128 : i32
        %dma_start3A_1518 = arith.constant 0 : i32
        %dma_start3A_1519 = tpu.memref_slice %arg12[%dma_start3A_1517, %dma_start3A_1518] : memref<256x128xf32, #tpu.memory_space<vmem>> -> memref<128x128xf32, #tpu.memory_space<vmem>>
        %dma_start3A_1520 = arith.constant 128 : i32
        %dma_start3A_1521 = tpu.memref_slice %arg10[%dma_start3A_1520] : memref<256xi32, #tpu.memory_space<vmem>> -> memref<128xi32, #tpu.memory_space<vmem>>
        %dma_start3A_1522 = arith.constant 0 : i32
        %dma_start3A_1523 = arith.constant 0 : i32
        %dma_start3A_1524 = tpu.memref_slice %arg7[%dma_start3A_1522, %dma_start3A_1523] : memref<1344x128xf32, #tpu.memory_space<vmem_shared>> -> memref<1344x128xf32, #tpu.memory_space<vmem_shared>>
        tpu.enqueue_indirect_dma source(%dma_start3A_1524 : memref<1344x128xf32, #tpu.memory_space<vmem_shared>>) target(%dma_start3A_1519 : memref<128x128xf32, #tpu.memory_space<vmem>>) offsets(%dma_start3A_1521 : memref<128xi32, #tpu.memory_space<vmem>>) semaphore(%arg14 : memref<!tpu.dma_semaphore, #tpu.memory_space<semaphore_mem>>)
        %dma_wait3A_1525 = arith.constant 0 : i32
        %dma_wait3A_1526 = arith.constant 0 : i32
        %dma_wait3A_1527 = tpu.memref_slice %arg12[%dma_wait3A_1525, %dma_wait3A_1526] : memref<256x128xf32, #tpu.memory_space<vmem>> -> memref<128x128xf32, #tpu.memory_space<vmem>>
        %dma_wait3A_1528 = arith.constant 0 : i32
        %dma_wait3A_1529 = tpu.memref_slice %arg10[%dma_wait3A_1528] : memref<256xi32, #tpu.memory_space<vmem>> -> memref<128xi32, #tpu.memory_space<vmem>>
        %dma_wait3A_1530 = arith.constant 0 : i32
        %dma_wait3A_1531 = arith.constant 0 : i32
        %dma_wait3A_1532 = tpu.memref_slice %arg7[%dma_wait3A_1530, %dma_wait3A_1531] : memref<1344x128xf32, #tpu.memory_space<vmem_shared>> -> memref<1344x128xf32, #tpu.memory_space<vmem_shared>>
        tpu.wait_indirect_dma semaphore(%arg14 : memref<!tpu.dma_semaphore, #tpu.memory_space<semaphore_mem>>) src(%dma_wait3A_1532 : memref<1344x128xf32, #tpu.memory_space<vmem_shared>>) dst(%dma_wait3A_1527 : memref<128x128xf32, #tpu.memory_space<vmem>>)
        %dma_wait3A_1533 = arith.constant 128 : i32
        %dma_wait3A_1534 = arith.constant 0 : i32
        %dma_wait3A_1535 = tpu.memref_slice %arg12[%dma_wait3A_1533, %dma_wait3A_1534] : memref<256x128xf32, #tpu.memory_space<vmem>> -> memref<128x128xf32, #tpu.memory_space<vmem>>
        %dma_wait3A_1536 = arith.constant 128 : i32
        %dma_wait3A_1537 = tpu.memref_slice %arg10[%dma_wait3A_1536] : memref<256xi32, #tpu.memory_space<vmem>> -> memref<128xi32, #tpu.memory_space<vmem>>
        %dma_wait3A_1538 = arith.constant 0 : i32
        %dma_wait3A_1539 = arith.constant 0 : i32
        %dma_wait3A_1540 = tpu.memref_slice %arg7[%dma_wait3A_1538, %dma_wait3A_1539] : memref<1344x128xf32, #tpu.memory_space<vmem_shared>> -> memref<1344x128xf32, #tpu.memory_space<vmem_shared>>
        tpu.wait_indirect_dma semaphore(%arg14 : memref<!tpu.dma_semaphore, #tpu.memory_space<semaphore_mem>>) src(%dma_wait3A_1540 : memref<1344x128xf32, #tpu.memory_space<vmem_shared>>) dst(%dma_wait3A_1535 : memref<128x128xf32, #tpu.memory_space<vmem>>)
        %add3A_1541 = arith.constant 0 : i32
        %add3A_1542 = arith.addi %mul3A_2, %add3A_1541 : i32
        %dma_start3A_1543 = arith.constant 0 : i32
        %dma_start3A_1544 = tpu.memref_slice %arg4[%add3A_1071, %add3A_1542, %dma_start3A_1543] : memref<49x16384x128xf32, #tpu.memory_space<hbm>> -> memref<1x256x128xf32, #tpu.memory_space<hbm>>
        %dma_start3A_1545 = tpu.memref_squeeze %dma_start3A_1544 : memref<1x256x128xf32, #tpu.memory_space<hbm>> -> memref<256x128xf32, #tpu.memory_space<hbm>>
        %dma_start3A_1546 = arith.constant 0 : i32
        %dma_start3A_1547 = tpu.memref_slice %arg4[%add3A_1071, %add3A_1542, %dma_start3A_1546] : memref<49x16384x128xf32, #tpu.memory_space<hbm>> -> memref<1x256x128xf32, #tpu.memory_space<hbm>>
        %dma_start3A_1548 = tpu.memref_squeeze %dma_start3A_1547 : memref<1x256x128xf32, #tpu.memory_space<hbm>> -> memref<256x128xf32, #tpu.memory_space<hbm>>
        tpu.enqueue_dma source(%arg12 : memref<256x128xf32, #tpu.memory_space<vmem>>) target(%dma_start3A_1548 : memref<256x128xf32, #tpu.memory_space<hbm>>) target_semaphore(%arg15 : memref<!tpu.dma_semaphore, #tpu.memory_space<semaphore_mem>>)
        %get3A_1549 = arith.constant 0 : i32
        %get3A_1550 = arith.index_cast %get3A_1549 : i32 to index
        %get3A_1551 = arith.constant 256 : index
        %get3A_1552 = tpu.vector_load %arg9[%get3A_1550, %get3A_1551] {strides = array<i32>} : memref<3x512xi32, #tpu.memory_space<vmem>>, vector<1x16xi32>,
        %get3A_1553 = vector.shape_cast %get3A_1552 : vector<1x16xi32> to vector<16xi32>
        %get3A_1554 = arith.constant 1 : i32
        %get3A_1555 = arith.index_cast %get3A_1554 : i32 to index
        %get3A_1556 = arith.constant 256 : index
        %get3A_1557 = tpu.vector_load %arg9[%get3A_1555, %get3A_1556] {strides = array<i32>} : memref<3x512xi32, #tpu.memory_space<vmem>>, vector<1x16xi32>,
        %get3A_1558 = vector.shape_cast %get3A_1557 : vector<1x16xi32> to vector<16xi32>
        %get3A_1559 = arith.constant 2 : i32
        %get3A_1560 = arith.index_cast %get3A_1559 : i32 to index
        %get3A_1561 = arith.constant 256 : index
        %get3A_1562 = tpu.vector_load %arg9[%get3A_1560, %get3A_1561] {strides = array<i32>} : memref<3x512xi32, #tpu.memory_space<vmem>>, vector<1x16xi32>,
        %get3A_1563 = vector.shape_cast %get3A_1562 : vector<1x16xi32> to vector<16xi32>
        %mul3A_1564 = arith.constant 11 : i32
        %mul3A_1565 = vector.broadcast %mul3A_1564 : i32 to vector<16xi32>
        %mul3A_1566 = arith.muli %get3A_1553, %mul3A_1565 : vector<16xi32>
        %add3A_1567 = arith.addi %mul3A_1566, %get3A_1558 : vector<16xi32>
        %mul3A_1568 = arith.constant 11 : i32
        %mul3A_1569 = vector.broadcast %mul3A_1568 : i32 to vector<16xi32>
        %mul3A_1570 = arith.muli %add3A_1567, %mul3A_1569 : vector<16xi32>
        %add3A_1571 = arith.addi %mul3A_1570, %get3A_1563 : vector<16xi32>
        %swap3A_1572 = arith.constant 0 : index
        %swap3A_1573 = tpu.vector_load %arg11[%swap3A_1572] {strides = array<i32>} : memref<256xi32, #tpu.memory_space<vmem>>, vector<16xi32>,
        %swap3A_1574 = vector.shape_cast %swap3A_1573 : vector<16xi32> to vector<16xi32>
        %swap3A_1575 = vector.shape_cast %add3A_1571 : vector<16xi32> to vector<16xi32>
        tpu.vector_store %arg11[%swap3A_1572], %swap3A_1575 {strides = array<i32>} : memref<256xi32, #tpu.memory_space<vmem>>, vector<16xi32>,
        %get3A_1576 = arith.constant 0 : i32
        %get3A_1577 = arith.index_cast %get3A_1576 : i32 to index
        %get3A_1578 = arith.constant 272 : index
        %get3A_1579 = tpu.vector_load %arg9[%get3A_1577, %get3A_1578] {strides = array<i32>} : memref<3x512xi32, #tpu.memory_space<vmem>>, vector<1x16xi32>,
        %get3A_1580 = vector.shape_cast %get3A_1579 : vector<1x16xi32> to vector<16xi32>
        %get3A_1581 = arith.constant 1 : i32
        %get3A_1582 = arith.index_cast %get3A_1581 : i32 to index
        %get3A_1583 = arith.constant 272 : index
        %get3A_1584 = tpu.vector_load %arg9[%get3A_1582, %get3A_1583] {strides = array<i32>} : memref<3x512xi32, #tpu.memory_space<vmem>>, vector<1x16xi32>,
        %get3A_1585 = vector.shape_cast %get3A_1584 : vector<1x16xi32> to vector<16xi32>
        %get3A_1586 = arith.constant 2 : i32
        %get3A_1587 = arith.index_cast %get3A_1586 : i32 to index
        %get3A_1588 = arith.constant 272 : index
        %get3A_1589 = tpu.vector_load %arg9[%get3A_1587, %get3A_1588] {strides = array<i32>} : memref<3x512xi32, #tpu.memory_space<vmem>>, vector<1x16xi32>,
        %get3A_1590 = vector.shape_cast %get3A_1589 : vector<1x16xi32> to vector<16xi32>
        %mul3A_1591 = arith.constant 11 : i32
        %mul3A_1592 = vector.broadcast %mul3A_1591 : i32 to vector<16xi32>
        %mul3A_1593 = arith.muli %get3A_1580, %mul3A_1592 : vector<16xi32>
        %add3A_1594 = arith.addi %mul3A_1593, %get3A_1585 : vector<16xi32>
        %mul3A_1595 = arith.constant 11 : i32
        %mul3A_1596 = vector.broadcast %mul3A_1595 : i32 to vector<16xi32>
        %mul3A_1597 = arith.muli %add3A_1594, %mul3A_1596 : vector<16xi32>
        %add3A_1598 = arith.addi %mul3A_1597, %get3A_1590 : vector<16xi32>
        %swap3A_1599 = arith.constant 16 : index
        %swap3A_1600 = tpu.vector_load %arg11[%swap3A_1599] {strides = array<i32>} : memref<256xi32, #tpu.memory_space<vmem>>, vector<16xi32>,
        %swap3A_1601 = vector.shape_cast %swap3A_1600 : vector<16xi32> to vector<16xi32>
        %swap3A_1602 = vector.shape_cast %add3A_1598 : vector<16xi32> to vector<16xi32>
        tpu.vector_store %arg11[%swap3A_1599], %swap3A_1602 {strides = array<i32>} : memref<256xi32, #tpu.memory_space<vmem>>, vector<16xi32>,
        %get3A_1603 = arith.constant 0 : i32
        %get3A_1604 = arith.index_cast %get3A_1603 : i32 to index
        %get3A_1605 = arith.constant 288 : index
        %get3A_1606 = tpu.vector_load %arg9[%get3A_1604, %get3A_1605] {strides = array<i32>} : memref<3x512xi32, #tpu.memory_space<vmem>>, vector<1x16xi32>,
        %get3A_1607 = vector.shape_cast %get3A_1606 : vector<1x16xi32> to vector<16xi32>
        %get3A_1608 = arith.constant 1 : i32
        %get3A_1609 = arith.index_cast %get3A_1608 : i32 to index
        %get3A_1610 = arith.constant 288 : index
        %get3A_1611 = tpu.vector_load %arg9[%get3A_1609, %get3A_1610] {strides = array<i32>} : memref<3x512xi32, #tpu.memory_space<vmem>>, vector<1x16xi32>,
        %get3A_1612 = vector.shape_cast %get3A_1611 : vector<1x16xi32> to vector<16xi32>
        %get3A_1613 = arith.constant 2 : i32
        %get3A_1614 = arith.index_cast %get3A_1613 : i32 to index
        %get3A_1615 = arith.constant 288 : index
        %get3A_1616 = tpu.vector_load %arg9[%get3A_1614, %get3A_1615] {strides = array<i32>} : memref<3x512xi32, #tpu.memory_space<vmem>>, vector<1x16xi32>,
        %get3A_1617 = vector.shape_cast %get3A_1616 : vector<1x16xi32> to vector<16xi32>
        %mul3A_1618 = arith.constant 11 : i32
        %mul3A_1619 = vector.broadcast %mul3A_1618 : i32 to vector<16xi32>
        %mul3A_1620 = arith.muli %get3A_1607, %mul3A_1619 : vector<16xi32>
        %add3A_1621 = arith.addi %mul3A_1620, %get3A_1612 : vector<16xi32>
        %mul3A_1622 = arith.constant 11 : i32
        %mul3A_1623 = vector.broadcast %mul3A_1622 : i32 to vector<16xi32>
        %mul3A_1624 = arith.muli %add3A_1621, %mul3A_1623 : vector<16xi32>
        %add3A_1625 = arith.addi %mul3A_1624, %get3A_1617 : vector<16xi32>
        %swap3A_1626 = arith.constant 32 : index
        %swap3A_1627 = tpu.vector_load %arg11[%swap3A_1626] {strides = array<i32>} : memref<256xi32, #tpu.memory_space<vmem>>, vector<16xi32>,
        %swap3A_1628 = vector.shape_cast %swap3A_1627 : vector<16xi32> to vector<16xi32>
        %swap3A_1629 = vector.shape_cast %add3A_1625 : vector<16xi32> to vector<16xi32>
        tpu.vector_store %arg11[%swap3A_1626], %swap3A_1629 {strides = array<i32>} : memref<256xi32, #tpu.memory_space<vmem>>, vector<16xi32>,
        %get3A_1630 = arith.constant 0 : i32
        %get3A_1631 = arith.index_cast %get3A_1630 : i32 to index
        %get3A_1632 = arith.constant 304 : index
        %get3A_1633 = tpu.vector_load %arg9[%get3A_1631, %get3A_1632] {strides = array<i32>} : memref<3x512xi32, #tpu.memory_space<vmem>>, vector<1x16xi32>,
        %get3A_1634 = vector.shape_cast %get3A_1633 : vector<1x16xi32> to vector<16xi32>
        %get3A_1635 = arith.constant 1 : i32
        %get3A_1636 = arith.index_cast %get3A_1635 : i32 to index
        %get3A_1637 = arith.constant 304 : index
        %get3A_1638 = tpu.vector_load %arg9[%get3A_1636, %get3A_1637] {strides = array<i32>} : memref<3x512xi32, #tpu.memory_space<vmem>>, vector<1x16xi32>,
        %get3A_1639 = vector.shape_cast %get3A_1638 : vector<1x16xi32> to vector<16xi32>
        %get3A_1640 = arith.constant 2 : i32
        %get3A_1641 = arith.index_cast %get3A_1640 : i32 to index
        %get3A_1642 = arith.constant 304 : index
        %get3A_1643 = tpu.vector_load %arg9[%get3A_1641, %get3A_1642] {strides = array<i32>} : memref<3x512xi32, #tpu.memory_space<vmem>>, vector<1x16xi32>,
        %get3A_1644 = vector.shape_cast %get3A_1643 : vector<1x16xi32> to vector<16xi32>
        %mul3A_1645 = arith.constant 11 : i32
        %mul3A_1646 = vector.broadcast %mul3A_1645 : i32 to vector<16xi32>
        %mul3A_1647 = arith.muli %get3A_1634, %mul3A_1646 : vector<16xi32>
        %add3A_1648 = arith.addi %mul3A_1647, %get3A_1639 : vector<16xi32>
        %mul3A_1649 = arith.constant 11 : i32
        %mul3A_1650 = vector.broadcast %mul3A_1649 : i32 to vector<16xi32>
        %mul3A_1651 = arith.muli %add3A_1648, %mul3A_1650 : vector<16xi32>
        %add3A_1652 = arith.addi %mul3A_1651, %get3A_1644 : vector<16xi32>
        %swap3A_1653 = arith.constant 48 : index
        %swap3A_1654 = tpu.vector_load %arg11[%swap3A_1653] {strides = array<i32>} : memref<256xi32, #tpu.memory_space<vmem>>, vector<16xi32>,
        %swap3A_1655 = vector.shape_cast %swap3A_1654 : vector<16xi32> to vector<16xi32>
        %swap3A_1656 = vector.shape_cast %add3A_1652 : vector<16xi32> to vector<16xi32>
        tpu.vector_store %arg11[%swap3A_1653], %swap3A_1656 {strides = array<i32>} : memref<256xi32, #tpu.memory_space<vmem>>, vector<16xi32>,
        %get3A_1657 = arith.constant 0 : i32
        %get3A_1658 = arith.index_cast %get3A_1657 : i32 to index
        %get3A_1659 = arith.constant 320 : index
        %get3A_1660 = tpu.vector_load %arg9[%get3A_1658, %get3A_1659] {strides = array<i32>} : memref<3x512xi32, #tpu.memory_space<vmem>>, vector<1x16xi32>,
        %get3A_1661 = vector.shape_cast %get3A_1660 : vector<1x16xi32> to vector<16xi32>
        %get3A_1662 = arith.constant 1 : i32
        %get3A_1663 = arith.index_cast %get3A_1662 : i32 to index
        %get3A_1664 = arith.constant 320 : index
        %get3A_1665 = tpu.vector_load %arg9[%get3A_1663, %get3A_1664] {strides = array<i32>} : memref<3x512xi32, #tpu.memory_space<vmem>>, vector<1x16xi32>,
        %get3A_1666 = vector.shape_cast %get3A_1665 : vector<1x16xi32> to vector<16xi32>
        %get3A_1667 = arith.constant 2 : i32
        %get3A_1668 = arith.index_cast %get3A_1667 : i32 to index
        %get3A_1669 = arith.constant 320 : index
        %get3A_1670 = tpu.vector_load %arg9[%get3A_1668, %get3A_1669] {strides = array<i32>} : memref<3x512xi32, #tpu.memory_space<vmem>>, vector<1x16xi32>,
        %get3A_1671 = vector.shape_cast %get3A_1670 : vector<1x16xi32> to vector<16xi32>
        %mul3A_1672 = arith.constant 11 : i32
        %mul3A_1673 = vector.broadcast %mul3A_1672 : i32 to vector<16xi32>
        %mul3A_1674 = arith.muli %get3A_1661, %mul3A_1673 : vector<16xi32>
        %add3A_1675 = arith.addi %mul3A_1674, %get3A_1666 : vector<16xi32>
        %mul3A_1676 = arith.constant 11 : i32
        %mul3A_1677 = vector.broadcast %mul3A_1676 : i32 to vector<16xi32>
        %mul3A_1678 = arith.muli %add3A_1675, %mul3A_1677 : vector<16xi32>
        %add3A_1679 = arith.addi %mul3A_1678, %get3A_1671 : vector<16xi32>
        %swap3A_1680 = arith.constant 64 : index
        %swap3A_1681 = tpu.vector_load %arg11[%swap3A_1680] {strides = array<i32>} : memref<256xi32, #tpu.memory_space<vmem>>, vector<16xi32>,
        %swap3A_1682 = vector.shape_cast %swap3A_1681 : vector<16xi32> to vector<16xi32>
        %swap3A_1683 = vector.shape_cast %add3A_1679 : vector<16xi32> to vector<16xi32>
        tpu.vector_store %arg11[%swap3A_1680], %swap3A_1683 {strides = array<i32>} : memref<256xi32, #tpu.memory_space<vmem>>, vector<16xi32>,
        %get3A_1684 = arith.constant 0 : i32
        %get3A_1685 = arith.index_cast %get3A_1684 : i32 to index
        %get3A_1686 = arith.constant 336 : index
        %get3A_1687 = tpu.vector_load %arg9[%get3A_1685, %get3A_1686] {strides = array<i32>} : memref<3x512xi32, #tpu.memory_space<vmem>>, vector<1x16xi32>,
        %get3A_1688 = vector.shape_cast %get3A_1687 : vector<1x16xi32> to vector<16xi32>
        %get3A_1689 = arith.constant 1 : i32
        %get3A_1690 = arith.index_cast %get3A_1689 : i32 to index
        %get3A_1691 = arith.constant 336 : index
        %get3A_1692 = tpu.vector_load %arg9[%get3A_1690, %get3A_1691] {strides = array<i32>} : memref<3x512xi32, #tpu.memory_space<vmem>>, vector<1x16xi32>,
        %get3A_1693 = vector.shape_cast %get3A_1692 : vector<1x16xi32> to vector<16xi32>
        %get3A_1694 = arith.constant 2 : i32
        %get3A_1695 = arith.index_cast %get3A_1694 : i32 to index
        %get3A_1696 = arith.constant 336 : index
        %get3A_1697 = tpu.vector_load %arg9[%get3A_1695, %get3A_1696] {strides = array<i32>} : memref<3x512xi32, #tpu.memory_space<vmem>>, vector<1x16xi32>,
        %get3A_1698 = vector.shape_cast %get3A_1697 : vector<1x16xi32> to vector<16xi32>
        %mul3A_1699 = arith.constant 11 : i32
        %mul3A_1700 = vector.broadcast %mul3A_1699 : i32 to vector<16xi32>
        %mul3A_1701 = arith.muli %get3A_1688, %mul3A_1700 : vector<16xi32>
        %add3A_1702 = arith.addi %mul3A_1701, %get3A_1693 : vector<16xi32>
        %mul3A_1703 = arith.constant 11 : i32
        %mul3A_1704 = vector.broadcast %mul3A_1703 : i32 to vector<16xi32>
        %mul3A_1705 = arith.muli %add3A_1702, %mul3A_1704 : vector<16xi32>
        %add3A_1706 = arith.addi %mul3A_1705, %get3A_1698 : vector<16xi32>
        %swap3A_1707 = arith.constant 80 : index
        %swap3A_1708 = tpu.vector_load %arg11[%swap3A_1707] {strides = array<i32>} : memref<256xi32, #tpu.memory_space<vmem>>, vector<16xi32>,
        %swap3A_1709 = vector.shape_cast %swap3A_1708 : vector<16xi32> to vector<16xi32>
        %swap3A_1710 = vector.shape_cast %add3A_1706 : vector<16xi32> to vector<16xi32>
        tpu.vector_store %arg11[%swap3A_1707], %swap3A_1710 {strides = array<i32>} : memref<256xi32, #tpu.memory_space<vmem>>, vector<16xi32>,
        %get3A_1711 = arith.constant 0 : i32
        %get3A_1712 = arith.index_cast %get3A_1711 : i32 to index
        %get3A_1713 = arith.constant 352 : index
        %get3A_1714 = tpu.vector_load %arg9[%get3A_1712, %get3A_1713] {strides = array<i32>} : memref<3x512xi32, #tpu.memory_space<vmem>>, vector<1x16xi32>,
        %get3A_1715 = vector.shape_cast %get3A_1714 : vector<1x16xi32> to vector<16xi32>
        %get3A_1716 = arith.constant 1 : i32
        %get3A_1717 = arith.index_cast %get3A_1716 : i32 to index
        %get3A_1718 = arith.constant 352 : index
        %get3A_1719 = tpu.vector_load %arg9[%get3A_1717, %get3A_1718] {strides = array<i32>} : memref<3x512xi32, #tpu.memory_space<vmem>>, vector<1x16xi32>,
        %get3A_1720 = vector.shape_cast %get3A_1719 : vector<1x16xi32> to vector<16xi32>
        %get3A_1721 = arith.constant 2 : i32
        %get3A_1722 = arith.index_cast %get3A_1721 : i32 to index
        %get3A_1723 = arith.constant 352 : index
        %get3A_1724 = tpu.vector_load %arg9[%get3A_1722, %get3A_1723] {strides = array<i32>} : memref<3x512xi32, #tpu.memory_space<vmem>>, vector<1x16xi32>,
        %get3A_1725 = vector.shape_cast %get3A_1724 : vector<1x16xi32> to vector<16xi32>
        %mul3A_1726 = arith.constant 11 : i32
        %mul3A_1727 = vector.broadcast %mul3A_1726 : i32 to vector<16xi32>
        %mul3A_1728 = arith.muli %get3A_1715, %mul3A_1727 : vector<16xi32>
        %add3A_1729 = arith.addi %mul3A_1728, %get3A_1720 : vector<16xi32>
        %mul3A_1730 = arith.constant 11 : i32
        %mul3A_1731 = vector.broadcast %mul3A_1730 : i32 to vector<16xi32>
        %mul3A_1732 = arith.muli %add3A_1729, %mul3A_1731 : vector<16xi32>
        %add3A_1733 = arith.addi %mul3A_1732, %get3A_1725 : vector<16xi32>
        %swap3A_1734 = arith.constant 96 : index
        %swap3A_1735 = tpu.vector_load %arg11[%swap3A_1734] {strides = array<i32>} : memref<256xi32, #tpu.memory_space<vmem>>, vector<16xi32>,
        %swap3A_1736 = vector.shape_cast %swap3A_1735 : vector<16xi32> to vector<16xi32>
        %swap3A_1737 = vector.shape_cast %add3A_1733 : vector<16xi32> to vector<16xi32>
        tpu.vector_store %arg11[%swap3A_1734], %swap3A_1737 {strides = array<i32>} : memref<256xi32, #tpu.memory_space<vmem>>, vector<16xi32>,
        %get3A_1738 = arith.constant 0 : i32
        %get3A_1739 = arith.index_cast %get3A_1738 : i32 to index
        %get3A_1740 = arith.constant 368 : index
        %get3A_1741 = tpu.vector_load %arg9[%get3A_1739, %get3A_1740] {strides = array<i32>} : memref<3x512xi32, #tpu.memory_space<vmem>>, vector<1x16xi32>,
        %get3A_1742 = vector.shape_cast %get3A_1741 : vector<1x16xi32> to vector<16xi32>
        %get3A_1743 = arith.constant 1 : i32
        %get3A_1744 = arith.index_cast %get3A_1743 : i32 to index
        %get3A_1745 = arith.constant 368 : index
        %get3A_1746 = tpu.vector_load %arg9[%get3A_1744, %get3A_1745] {strides = array<i32>} : memref<3x512xi32, #tpu.memory_space<vmem>>, vector<1x16xi32>,
        %get3A_1747 = vector.shape_cast %get3A_1746 : vector<1x16xi32> to vector<16xi32>
        %get3A_1748 = arith.constant 2 : i32
        %get3A_1749 = arith.index_cast %get3A_1748 : i32 to index
        %get3A_1750 = arith.constant 368 : index
        %get3A_1751 = tpu.vector_load %arg9[%get3A_1749, %get3A_1750] {strides = array<i32>} : memref<3x512xi32, #tpu.memory_space<vmem>>, vector<1x16xi32>,
        %get3A_1752 = vector.shape_cast %get3A_1751 : vector<1x16xi32> to vector<16xi32>
        %mul3A_1753 = arith.constant 11 : i32
        %mul3A_1754 = vector.broadcast %mul3A_1753 : i32 to vector<16xi32>
        %mul3A_1755 = arith.muli %get3A_1742, %mul3A_1754 : vector<16xi32>
        %add3A_1756 = arith.addi %mul3A_1755, %get3A_1747 : vector<16xi32>
        %mul3A_1757 = arith.constant 11 : i32
        %mul3A_1758 = vector.broadcast %mul3A_1757 : i32 to vector<16xi32>
        %mul3A_1759 = arith.muli %add3A_1756, %mul3A_1758 : vector<16xi32>
        %add3A_1760 = arith.addi %mul3A_1759, %get3A_1752 : vector<16xi32>
        %swap3A_1761 = arith.constant 112 : index
        %swap3A_1762 = tpu.vector_load %arg11[%swap3A_1761] {strides = array<i32>} : memref<256xi32, #tpu.memory_space<vmem>>, vector<16xi32>,
        %swap3A_1763 = vector.shape_cast %swap3A_1762 : vector<16xi32> to vector<16xi32>
        %swap3A_1764 = vector.shape_cast %add3A_1760 : vector<16xi32> to vector<16xi32>
        tpu.vector_store %arg11[%swap3A_1761], %swap3A_1764 {strides = array<i32>} : memref<256xi32, #tpu.memory_space<vmem>>, vector<16xi32>,
        %get3A_1765 = arith.constant 0 : i32
        %get3A_1766 = arith.index_cast %get3A_1765 : i32 to index
        %get3A_1767 = arith.constant 384 : index
        %get3A_1768 = tpu.vector_load %arg9[%get3A_1766, %get3A_1767] {strides = array<i32>} : memref<3x512xi32, #tpu.memory_space<vmem>>, vector<1x16xi32>,
        %get3A_1769 = vector.shape_cast %get3A_1768 : vector<1x16xi32> to vector<16xi32>
        %get3A_1770 = arith.constant 1 : i32
        %get3A_1771 = arith.index_cast %get3A_1770 : i32 to index
        %get3A_1772 = arith.constant 384 : index
        %get3A_1773 = tpu.vector_load %arg9[%get3A_1771, %get3A_1772] {strides = array<i32>} : memref<3x512xi32, #tpu.memory_space<vmem>>, vector<1x16xi32>,
        %get3A_1774 = vector.shape_cast %get3A_1773 : vector<1x16xi32> to vector<16xi32>
        %get3A_1775 = arith.constant 2 : i32
        %get3A_1776 = arith.index_cast %get3A_1775 : i32 to index
        %get3A_1777 = arith.constant 384 : index
        %get3A_1778 = tpu.vector_load %arg9[%get3A_1776, %get3A_1777] {strides = array<i32>} : memref<3x512xi32, #tpu.memory_space<vmem>>, vector<1x16xi32>,
        %get3A_1779 = vector.shape_cast %get3A_1778 : vector<1x16xi32> to vector<16xi32>
        %mul3A_1780 = arith.constant 11 : i32
        %mul3A_1781 = vector.broadcast %mul3A_1780 : i32 to vector<16xi32>
        %mul3A_1782 = arith.muli %get3A_1769, %mul3A_1781 : vector<16xi32>
        %add3A_1783 = arith.addi %mul3A_1782, %get3A_1774 : vector<16xi32>
        %mul3A_1784 = arith.constant 11 : i32
        %mul3A_1785 = vector.broadcast %mul3A_1784 : i32 to vector<16xi32>
        %mul3A_1786 = arith.muli %add3A_1783, %mul3A_1785 : vector<16xi32>
        %add3A_1787 = arith.addi %mul3A_1786, %get3A_1779 : vector<16xi32>
        %swap3A_1788 = arith.constant 128 : index
        %swap3A_1789 = tpu.vector_load %arg11[%swap3A_1788] {strides = array<i32>} : memref<256xi32, #tpu.memory_space<vmem>>, vector<16xi32>,
        %swap3A_1790 = vector.shape_cast %swap3A_1789 : vector<16xi32> to vector<16xi32>
        %swap3A_1791 = vector.shape_cast %add3A_1787 : vector<16xi32> to vector<16xi32>
        tpu.vector_store %arg11[%swap3A_1788], %swap3A_1791 {strides = array<i32>} : memref<256xi32, #tpu.memory_space<vmem>>, vector<16xi32>,
        %get3A_1792 = arith.constant 0 : i32
        %get3A_1793 = arith.index_cast %get3A_1792 : i32 to index
        %get3A_1794 = arith.constant 400 : index
        %get3A_1795 = tpu.vector_load %arg9[%get3A_1793, %get3A_1794] {strides = array<i32>} : memref<3x512xi32, #tpu.memory_space<vmem>>, vector<1x16xi32>,
        %get3A_1796 = vector.shape_cast %get3A_1795 : vector<1x16xi32> to vector<16xi32>
        %get3A_1797 = arith.constant 1 : i32
        %get3A_1798 = arith.index_cast %get3A_1797 : i32 to index
        %get3A_1799 = arith.constant 400 : index
        %get3A_1800 = tpu.vector_load %arg9[%get3A_1798, %get3A_1799] {strides = array<i32>} : memref<3x512xi32, #tpu.memory_space<vmem>>, vector<1x16xi32>,
        %get3A_1801 = vector.shape_cast %get3A_1800 : vector<1x16xi32> to vector<16xi32>
        %get3A_1802 = arith.constant 2 : i32
        %get3A_1803 = arith.index_cast %get3A_1802 : i32 to index
        %get3A_1804 = arith.constant 400 : index
        %get3A_1805 = tpu.vector_load %arg9[%get3A_1803, %get3A_1804] {strides = array<i32>} : memref<3x512xi32, #tpu.memory_space<vmem>>, vector<1x16xi32>,
        %get3A_1806 = vector.shape_cast %get3A_1805 : vector<1x16xi32> to vector<16xi32>
        %mul3A_1807 = arith.constant 11 : i32
        %mul3A_1808 = vector.broadcast %mul3A_1807 : i32 to vector<16xi32>
        %mul3A_1809 = arith.muli %get3A_1796, %mul3A_1808 : vector<16xi32>
        %add3A_1810 = arith.addi %mul3A_1809, %get3A_1801 : vector<16xi32>
        %mul3A_1811 = arith.constant 11 : i32
        %mul3A_1812 = vector.broadcast %mul3A_1811 : i32 to vector<16xi32>
        %mul3A_1813 = arith.muli %add3A_1810, %mul3A_1812 : vector<16xi32>
        %add3A_1814 = arith.addi %mul3A_1813, %get3A_1806 : vector<16xi32>
        %swap3A_1815 = arith.constant 144 : index
        %swap3A_1816 = tpu.vector_load %arg11[%swap3A_1815] {strides = array<i32>} : memref<256xi32, #tpu.memory_space<vmem>>, vector<16xi32>,
        %swap3A_1817 = vector.shape_cast %swap3A_1816 : vector<16xi32> to vector<16xi32>
        %swap3A_1818 = vector.shape_cast %add3A_1814 : vector<16xi32> to vector<16xi32>
        tpu.vector_store %arg11[%swap3A_1815], %swap3A_1818 {strides = array<i32>} : memref<256xi32, #tpu.memory_space<vmem>>, vector<16xi32>,
        %get3A_1819 = arith.constant 0 : i32
        %get3A_1820 = arith.index_cast %get3A_1819 : i32 to index
        %get3A_1821 = arith.constant 416 : index
        %get3A_1822 = tpu.vector_load %arg9[%get3A_1820, %get3A_1821] {strides = array<i32>} : memref<3x512xi32, #tpu.memory_space<vmem>>, vector<1x16xi32>,
        %get3A_1823 = vector.shape_cast %get3A_1822 : vector<1x16xi32> to vector<16xi32>
        %get3A_1824 = arith.constant 1 : i32
        %get3A_1825 = arith.index_cast %get3A_1824 : i32 to index
        %get3A_1826 = arith.constant 416 : index
        %get3A_1827 = tpu.vector_load %arg9[%get3A_1825, %get3A_1826] {strides = array<i32>} : memref<3x512xi32, #tpu.memory_space<vmem>>, vector<1x16xi32>,
        %get3A_1828 = vector.shape_cast %get3A_1827 : vector<1x16xi32> to vector<16xi32>
        %get3A_1829 = arith.constant 2 : i32
        %get3A_1830 = arith.index_cast %get3A_1829 : i32 to index
        %get3A_1831 = arith.constant 416 : index
        %get3A_1832 = tpu.vector_load %arg9[%get3A_1830, %get3A_1831] {strides = array<i32>} : memref<3x512xi32, #tpu.memory_space<vmem>>, vector<1x16xi32>,
        %get3A_1833 = vector.shape_cast %get3A_1832 : vector<1x16xi32> to vector<16xi32>
        %mul3A_1834 = arith.constant 11 : i32
        %mul3A_1835 = vector.broadcast %mul3A_1834 : i32 to vector<16xi32>
        %mul3A_1836 = arith.muli %get3A_1823, %mul3A_1835 : vector<16xi32>
        %add3A_1837 = arith.addi %mul3A_1836, %get3A_1828 : vector<16xi32>
        %mul3A_1838 = arith.constant 11 : i32
        %mul3A_1839 = vector.broadcast %mul3A_1838 : i32 to vector<16xi32>
        %mul3A_1840 = arith.muli %add3A_1837, %mul3A_1839 : vector<16xi32>
        %add3A_1841 = arith.addi %mul3A_1840, %get3A_1833 : vector<16xi32>
        %swap3A_1842 = arith.constant 160 : index
        %swap3A_1843 = tpu.vector_load %arg11[%swap3A_1842] {strides = array<i32>} : memref<256xi32, #tpu.memory_space<vmem>>, vector<16xi32>,
        %swap3A_1844 = vector.shape_cast %swap3A_1843 : vector<16xi32> to vector<16xi32>
        %swap3A_1845 = vector.shape_cast %add3A_1841 : vector<16xi32> to vector<16xi32>
        tpu.vector_store %arg11[%swap3A_1842], %swap3A_1845 {strides = array<i32>} : memref<256xi32, #tpu.memory_space<vmem>>, vector<16xi32>,
        %get3A_1846 = arith.constant 0 : i32
        %get3A_1847 = arith.index_cast %get3A_1846 : i32 to index
        %get3A_1848 = arith.constant 432 : index
        %get3A_1849 = tpu.vector_load %arg9[%get3A_1847, %get3A_1848] {strides = array<i32>} : memref<3x512xi32, #tpu.memory_space<vmem>>, vector<1x16xi32>,
        %get3A_1850 = vector.shape_cast %get3A_1849 : vector<1x16xi32> to vector<16xi32>
        %get3A_1851 = arith.constant 1 : i32
        %get3A_1852 = arith.index_cast %get3A_1851 : i32 to index
        %get3A_1853 = arith.constant 432 : index
        %get3A_1854 = tpu.vector_load %arg9[%get3A_1852, %get3A_1853] {strides = array<i32>} : memref<3x512xi32, #tpu.memory_space<vmem>>, vector<1x16xi32>,
        %get3A_1855 = vector.shape_cast %get3A_1854 : vector<1x16xi32> to vector<16xi32>
        %get3A_1856 = arith.constant 2 : i32
        %get3A_1857 = arith.index_cast %get3A_1856 : i32 to index
        %get3A_1858 = arith.constant 432 : index
        %get3A_1859 = tpu.vector_load %arg9[%get3A_1857, %get3A_1858] {strides = array<i32>} : memref<3x512xi32, #tpu.memory_space<vmem>>, vector<1x16xi32>,
        %get3A_1860 = vector.shape_cast %get3A_1859 : vector<1x16xi32> to vector<16xi32>
        %mul3A_1861 = arith.constant 11 : i32
        %mul3A_1862 = vector.broadcast %mul3A_1861 : i32 to vector<16xi32>
        %mul3A_1863 = arith.muli %get3A_1850, %mul3A_1862 : vector<16xi32>
        %add3A_1864 = arith.addi %mul3A_1863, %get3A_1855 : vector<16xi32>
        %mul3A_1865 = arith.constant 11 : i32
        %mul3A_1866 = vector.broadcast %mul3A_1865 : i32 to vector<16xi32>
        %mul3A_1867 = arith.muli %add3A_1864, %mul3A_1866 : vector<16xi32>
        %add3A_1868 = arith.addi %mul3A_1867, %get3A_1860 : vector<16xi32>
        %swap3A_1869 = arith.constant 176 : index
        %swap3A_1870 = tpu.vector_load %arg11[%swap3A_1869] {strides = array<i32>} : memref<256xi32, #tpu.memory_space<vmem>>, vector<16xi32>,
        %swap3A_1871 = vector.shape_cast %swap3A_1870 : vector<16xi32> to vector<16xi32>
        %swap3A_1872 = vector.shape_cast %add3A_1868 : vector<16xi32> to vector<16xi32>
        tpu.vector_store %arg11[%swap3A_1869], %swap3A_1872 {strides = array<i32>} : memref<256xi32, #tpu.memory_space<vmem>>, vector<16xi32>,
        %get3A_1873 = arith.constant 0 : i32
        %get3A_1874 = arith.index_cast %get3A_1873 : i32 to index
        %get3A_1875 = arith.constant 448 : index
        %get3A_1876 = tpu.vector_load %arg9[%get3A_1874, %get3A_1875] {strides = array<i32>} : memref<3x512xi32, #tpu.memory_space<vmem>>, vector<1x16xi32>,
        %get3A_1877 = vector.shape_cast %get3A_1876 : vector<1x16xi32> to vector<16xi32>
        %get3A_1878 = arith.constant 1 : i32
        %get3A_1879 = arith.index_cast %get3A_1878 : i32 to index
        %get3A_1880 = arith.constant 448 : index
        %get3A_1881 = tpu.vector_load %arg9[%get3A_1879, %get3A_1880] {strides = array<i32>} : memref<3x512xi32, #tpu.memory_space<vmem>>, vector<1x16xi32>,
        %get3A_1882 = vector.shape_cast %get3A_1881 : vector<1x16xi32> to vector<16xi32>
        %get3A_1883 = arith.constant 2 : i32
        %get3A_1884 = arith.index_cast %get3A_1883 : i32 to index
        %get3A_1885 = arith.constant 448 : index
        %get3A_1886 = tpu.vector_load %arg9[%get3A_1884, %get3A_1885] {strides = array<i32>} : memref<3x512xi32, #tpu.memory_space<vmem>>, vector<1x16xi32>,
        %get3A_1887 = vector.shape_cast %get3A_1886 : vector<1x16xi32> to vector<16xi32>
        %mul3A_1888 = arith.constant 11 : i32
        %mul3A_1889 = vector.broadcast %mul3A_1888 : i32 to vector<16xi32>
        %mul3A_1890 = arith.muli %get3A_1877, %mul3A_1889 : vector<16xi32>
        %add3A_1891 = arith.addi %mul3A_1890, %get3A_1882 : vector<16xi32>
        %mul3A_1892 = arith.constant 11 : i32
        %mul3A_1893 = vector.broadcast %mul3A_1892 : i32 to vector<16xi32>
        %mul3A_1894 = arith.muli %add3A_1891, %mul3A_1893 : vector<16xi32>
        %add3A_1895 = arith.addi %mul3A_1894, %get3A_1887 : vector<16xi32>
        %swap3A_1896 = arith.constant 192 : index
        %swap3A_1897 = tpu.vector_load %arg11[%swap3A_1896] {strides = array<i32>} : memref<256xi32, #tpu.memory_space<vmem>>, vector<16xi32>,
        %swap3A_1898 = vector.shape_cast %swap3A_1897 : vector<16xi32> to vector<16xi32>
        %swap3A_1899 = vector.shape_cast %add3A_1895 : vector<16xi32> to vector<16xi32>
        tpu.vector_store %arg11[%swap3A_1896], %swap3A_1899 {strides = array<i32>} : memref<256xi32, #tpu.memory_space<vmem>>, vector<16xi32>,
        %get3A_1900 = arith.constant 0 : i32
        %get3A_1901 = arith.index_cast %get3A_1900 : i32 to index
        %get3A_1902 = arith.constant 464 : index
        %get3A_1903 = tpu.vector_load %arg9[%get3A_1901, %get3A_1902] {strides = array<i32>} : memref<3x512xi32, #tpu.memory_space<vmem>>, vector<1x16xi32>,
        %get3A_1904 = vector.shape_cast %get3A_1903 : vector<1x16xi32> to vector<16xi32>
        %get3A_1905 = arith.constant 1 : i32
        %get3A_1906 = arith.index_cast %get3A_1905 : i32 to index
        %get3A_1907 = arith.constant 464 : index
        %get3A_1908 = tpu.vector_load %arg9[%get3A_1906, %get3A_1907] {strides = array<i32>} : memref<3x512xi32, #tpu.memory_space<vmem>>, vector<1x16xi32>,
        %get3A_1909 = vector.shape_cast %get3A_1908 : vector<1x16xi32> to vector<16xi32>
        %get3A_1910 = arith.constant 2 : i32
        %get3A_1911 = arith.index_cast %get3A_1910 : i32 to index
        %get3A_1912 = arith.constant 464 : index
        %get3A_1913 = tpu.vector_load %arg9[%get3A_1911, %get3A_1912] {strides = array<i32>} : memref<3x512xi32, #tpu.memory_space<vmem>>, vector<1x16xi32>,
        %get3A_1914 = vector.shape_cast %get3A_1913 : vector<1x16xi32> to vector<16xi32>
        %mul3A_1915 = arith.constant 11 : i32
        %mul3A_1916 = vector.broadcast %mul3A_1915 : i32 to vector<16xi32>
        %mul3A_1917 = arith.muli %get3A_1904, %mul3A_1916 : vector<16xi32>
        %add3A_1918 = arith.addi %mul3A_1917, %get3A_1909 : vector<16xi32>
        %mul3A_1919 = arith.constant 11 : i32
        %mul3A_1920 = vector.broadcast %mul3A_1919 : i32 to vector<16xi32>
        %mul3A_1921 = arith.muli %add3A_1918, %mul3A_1920 : vector<16xi32>
        %add3A_1922 = arith.addi %mul3A_1921, %get3A_1914 : vector<16xi32>
        %swap3A_1923 = arith.constant 208 : index
        %swap3A_1924 = tpu.vector_load %arg11[%swap3A_1923] {strides = array<i32>} : memref<256xi32, #tpu.memory_space<vmem>>, vector<16xi32>,
        %swap3A_1925 = vector.shape_cast %swap3A_1924 : vector<16xi32> to vector<16xi32>
        %swap3A_1926 = vector.shape_cast %add3A_1922 : vector<16xi32> to vector<16xi32>
        tpu.vector_store %arg11[%swap3A_1923], %swap3A_1926 {strides = array<i32>} : memref<256xi32, #tpu.memory_space<vmem>>, vector<16xi32>,
        %get3A_1927 = arith.constant 0 : i32
        %get3A_1928 = arith.index_cast %get3A_1927 : i32 to index
        %get3A_1929 = arith.constant 480 : index
        %get3A_1930 = tpu.vector_load %arg9[%get3A_1928, %get3A_1929] {strides = array<i32>} : memref<3x512xi32, #tpu.memory_space<vmem>>, vector<1x16xi32>,
        %get3A_1931 = vector.shape_cast %get3A_1930 : vector<1x16xi32> to vector<16xi32>
        %get3A_1932 = arith.constant 1 : i32
        %get3A_1933 = arith.index_cast %get3A_1932 : i32 to index
        %get3A_1934 = arith.constant 480 : index
        %get3A_1935 = tpu.vector_load %arg9[%get3A_1933, %get3A_1934] {strides = array<i32>} : memref<3x512xi32, #tpu.memory_space<vmem>>, vector<1x16xi32>,
        %get3A_1936 = vector.shape_cast %get3A_1935 : vector<1x16xi32> to vector<16xi32>
        %get3A_1937 = arith.constant 2 : i32
        %get3A_1938 = arith.index_cast %get3A_1937 : i32 to index
        %get3A_1939 = arith.constant 480 : index
        %get3A_1940 = tpu.vector_load %arg9[%get3A_1938, %get3A_1939] {strides = array<i32>} : memref<3x512xi32, #tpu.memory_space<vmem>>, vector<1x16xi32>,
        %get3A_1941 = vector.shape_cast %get3A_1940 : vector<1x16xi32> to vector<16xi32>
        %mul3A_1942 = arith.constant 11 : i32
        %mul3A_1943 = vector.broadcast %mul3A_1942 : i32 to vector<16xi32>
        %mul3A_1944 = arith.muli %get3A_1931, %mul3A_1943 : vector<16xi32>
        %add3A_1945 = arith.addi %mul3A_1944, %get3A_1936 : vector<16xi32>
        %mul3A_1946 = arith.constant 11 : i32
        %mul3A_1947 = vector.broadcast %mul3A_1946 : i32 to vector<16xi32>
        %mul3A_1948 = arith.muli %add3A_1945, %mul3A_1947 : vector<16xi32>
        %add3A_1949 = arith.addi %mul3A_1948, %get3A_1941 : vector<16xi32>
        %swap3A_1950 = arith.constant 224 : index
        %swap3A_1951 = tpu.vector_load %arg11[%swap3A_1950] {strides = array<i32>} : memref<256xi32, #tpu.memory_space<vmem>>, vector<16xi32>,
        %swap3A_1952 = vector.shape_cast %swap3A_1951 : vector<16xi32> to vector<16xi32>
        %swap3A_1953 = vector.shape_cast %add3A_1949 : vector<16xi32> to vector<16xi32>
        tpu.vector_store %arg11[%swap3A_1950], %swap3A_1953 {strides = array<i32>} : memref<256xi32, #tpu.memory_space<vmem>>, vector<16xi32>,
        %get3A_1954 = arith.constant 0 : i32
        %get3A_1955 = arith.index_cast %get3A_1954 : i32 to index
        %get3A_1956 = arith.constant 496 : index
        %get3A_1957 = tpu.vector_load %arg9[%get3A_1955, %get3A_1956] {strides = array<i32>} : memref<3x512xi32, #tpu.memory_space<vmem>>, vector<1x16xi32>,
        %get3A_1958 = vector.shape_cast %get3A_1957 : vector<1x16xi32> to vector<16xi32>
        %get3A_1959 = arith.constant 1 : i32
        %get3A_1960 = arith.index_cast %get3A_1959 : i32 to index
        %get3A_1961 = arith.constant 496 : index
        %get3A_1962 = tpu.vector_load %arg9[%get3A_1960, %get3A_1961] {strides = array<i32>} : memref<3x512xi32, #tpu.memory_space<vmem>>, vector<1x16xi32>,
        %get3A_1963 = vector.shape_cast %get3A_1962 : vector<1x16xi32> to vector<16xi32>
        %get3A_1964 = arith.constant 2 : i32
        %get3A_1965 = arith.index_cast %get3A_1964 : i32 to index
        %get3A_1966 = arith.constant 496 : index
        %get3A_1967 = tpu.vector_load %arg9[%get3A_1965, %get3A_1966] {strides = array<i32>} : memref<3x512xi32, #tpu.memory_space<vmem>>, vector<1x16xi32>,
        %get3A_1968 = vector.shape_cast %get3A_1967 : vector<1x16xi32> to vector<16xi32>
        %mul3A_1969 = arith.constant 11 : i32
        %mul3A_1970 = vector.broadcast %mul3A_1969 : i32 to vector<16xi32>
        %mul3A_1971 = arith.muli %get3A_1958, %mul3A_1970 : vector<16xi32>
        %add3A_1972 = arith.addi %mul3A_1971, %get3A_1963 : vector<16xi32>
        %mul3A_1973 = arith.constant 11 : i32
        %mul3A_1974 = vector.broadcast %mul3A_1973 : i32 to vector<16xi32>
        %mul3A_1975 = arith.muli %add3A_1972, %mul3A_1974 : vector<16xi32>
        %add3A_1976 = arith.addi %mul3A_1975, %get3A_1968 : vector<16xi32>
        %swap3A_1977 = arith.constant 240 : index
        %swap3A_1978 = tpu.vector_load %arg11[%swap3A_1977] {strides = array<i32>} : memref<256xi32, #tpu.memory_space<vmem>>, vector<16xi32>,
        %swap3A_1979 = vector.shape_cast %swap3A_1978 : vector<16xi32> to vector<16xi32>
        %swap3A_1980 = vector.shape_cast %add3A_1976 : vector<16xi32> to vector<16xi32>
        tpu.vector_store %arg11[%swap3A_1977], %swap3A_1980 {strides = array<i32>} : memref<256xi32, #tpu.memory_space<vmem>>, vector<16xi32>,
        %gt3A_1981 = arith.constant 0 : i32
        %gt3A_1982 = arith.cmpi sgt, %add3A_1071, %gt3A_1981 : i32
        %convert_element_type3A_1983 = arith.extui %gt3A_1982 : i1 to i32
        %cond3A_1984 = arith.constant 0 : i32
        %cond3A_1985 = arith.cmpi ne, %convert_element_type3A_1983, %cond3A_1984 : i32
        scf.if %cond3A_1985 {
          %dma_wait3A_2026 = arith.constant 0 : i32
          %dma_wait3A_2027 = arith.constant 0 : i32
          %dma_wait3A_2028 = tpu.memref_slice %arg4[%dma_wait3A_2026, %mul3A_2, %dma_wait3A_2027] : memref<49x16384x128xf32, #tpu.memory_space<hbm>> -> memref<1x256x128xf32, #tpu.memory_space<hbm>>
          %dma_wait3A_2029 = tpu.memref_squeeze %dma_wait3A_2028 : memref<1x256x128xf32, #tpu.memory_space<hbm>> -> memref<256x128xf32, #tpu.memory_space<hbm>>
          %dma_wait3A_2030 = arith.constant 0 : i32
          %dma_wait3A_2031 = tpu.memref_slice %arg4[%dma_wait3A_2026, %mul3A_2, %dma_wait3A_2030] : memref<49x16384x128xf32, #tpu.memory_space<hbm>> -> memref<1x256x128xf32, #tpu.memory_space<hbm>>
          %dma_wait3A_2032 = tpu.memref_squeeze %dma_wait3A_2031 : memref<1x256x128xf32, #tpu.memory_space<hbm>> -> memref<256x128xf32, #tpu.memory_space<hbm>>
          tpu.wait_dma2 semaphore(%arg16 : memref<!tpu.dma_semaphore, #tpu.memory_space<semaphore_mem>>) src(%arg13 : memref<256x128xf32, #tpu.memory_space<vmem>>) dst(%dma_wait3A_2032 : memref<256x128xf32, #tpu.memory_space<hbm>>)
        } else {
        }
        %dma_start3A_1986 = arith.constant 0 : i32
        %dma_start3A_1987 = arith.constant 0 : i32
        %dma_start3A_1988 = tpu.memref_slice %arg13[%dma_start3A_1986, %dma_start3A_1987] : memref<256x128xf32, #tpu.memory_space<vmem>> -> memref<128x128xf32, #tpu.memory_space<vmem>>
        %dma_start3A_1989 = arith.constant 0 : i32
        %dma_start3A_1990 = tpu.memref_slice %arg11[%dma_start3A_1989] : memref<256xi32, #tpu.memory_space<vmem>> -> memref<128xi32, #tpu.memory_space<vmem>>
        %dma_start3A_1991 = arith.constant 0 : i32
        %dma_start3A_1992 = arith.constant 0 : i32
        %dma_start3A_1993 = tpu.memref_slice %arg7[%dma_start3A_1991, %dma_start3A_1992] : memref<1344x128xf32, #tpu.memory_space<vmem_shared>> -> memref<1344x128xf32, #tpu.memory_space<vmem_shared>>
        tpu.enqueue_indirect_dma source(%dma_start3A_1993 : memref<1344x128xf32, #tpu.memory_space<vmem_shared>>) target(%dma_start3A_1988 : memref<128x128xf32, #tpu.memory_space<vmem>>) offsets(%dma_start3A_1990 : memref<128xi32, #tpu.memory_space<vmem>>) semaphore(%arg14 : memref<!tpu.dma_semaphore, #tpu.memory_space<semaphore_mem>>)
        %dma_start3A_1994 = arith.constant 128 : i32
        %dma_start3A_1995 = arith.constant 0 : i32
        %dma_start3A_1996 = tpu.memref_slice %arg13[%dma_start3A_1994, %dma_start3A_1995] : memref<256x128xf32, #tpu.memory_space<vmem>> -> memref<128x128xf32, #tpu.memory_space<vmem>>
        %dma_start3A_1997 = arith.constant 128 : i32
        %dma_start3A_1998 = tpu.memref_slice %arg11[%dma_start3A_1997] : memref<256xi32, #tpu.memory_space<vmem>> -> memref<128xi32, #tpu.memory_space<vmem>>
        %dma_start3A_1999 = arith.constant 0 : i32
        %dma_start3A_2000 = arith.constant 0 : i32
        %dma_start3A_2001 = tpu.memref_slice %arg7[%dma_start3A_1999, %dma_start3A_2000] : memref<1344x128xf32, #tpu.memory_space<vmem_shared>> -> memref<1344x128xf32, #tpu.memory_space<vmem_shared>>
        tpu.enqueue_indirect_dma source(%dma_start3A_2001 : memref<1344x128xf32, #tpu.memory_space<vmem_shared>>) target(%dma_start3A_1996 : memref<128x128xf32, #tpu.memory_space<vmem>>) offsets(%dma_start3A_1998 : memref<128xi32, #tpu.memory_space<vmem>>) semaphore(%arg14 : memref<!tpu.dma_semaphore, #tpu.memory_space<semaphore_mem>>)
        %dma_wait3A_2002 = arith.constant 0 : i32
        %dma_wait3A_2003 = arith.constant 0 : i32
        %dma_wait3A_2004 = tpu.memref_slice %arg13[%dma_wait3A_2002, %dma_wait3A_2003] : memref<256x128xf32, #tpu.memory_space<vmem>> -> memref<128x128xf32, #tpu.memory_space<vmem>>
        %dma_wait3A_2005 = arith.constant 0 : i32
        %dma_wait3A_2006 = tpu.memref_slice %arg11[%dma_wait3A_2005] : memref<256xi32, #tpu.memory_space<vmem>> -> memref<128xi32, #tpu.memory_space<vmem>>
        %dma_wait3A_2007 = arith.constant 0 : i32
        %dma_wait3A_2008 = arith.constant 0 : i32
        %dma_wait3A_2009 = tpu.memref_slice %arg7[%dma_wait3A_2007, %dma_wait3A_2008] : memref<1344x128xf32, #tpu.memory_space<vmem_shared>> -> memref<1344x128xf32, #tpu.memory_space<vmem_shared>>
        tpu.wait_indirect_dma semaphore(%arg14 : memref<!tpu.dma_semaphore, #tpu.memory_space<semaphore_mem>>) src(%dma_wait3A_2009 : memref<1344x128xf32, #tpu.memory_space<vmem_shared>>) dst(%dma_wait3A_2004 : memref<128x128xf32, #tpu.memory_space<vmem>>)
        %dma_wait3A_2010 = arith.constant 128 : i32
        %dma_wait3A_2011 = arith.constant 0 : i32
        %dma_wait3A_2012 = tpu.memref_slice %arg13[%dma_wait3A_2010, %dma_wait3A_2011] : memref<256x128xf32, #tpu.memory_space<vmem>> -> memref<128x128xf32, #tpu.memory_space<vmem>>
        %dma_wait3A_2013 = arith.constant 128 : i32
        %dma_wait3A_2014 = tpu.memref_slice %arg11[%dma_wait3A_2013] : memref<256xi32, #tpu.memory_space<vmem>> -> memref<128xi32, #tpu.memory_space<vmem>>
        %dma_wait3A_2015 = arith.constant 0 : i32
        %dma_wait3A_2016 = arith.constant 0 : i32
        %dma_wait3A_2017 = tpu.memref_slice %arg7[%dma_wait3A_2015, %dma_wait3A_2016] : memref<1344x128xf32, #tpu.memory_space<vmem_shared>> -> memref<1344x128xf32, #tpu.memory_space<vmem_shared>>
        tpu.wait_indirect_dma semaphore(%arg14 : memref<!tpu.dma_semaphore, #tpu.memory_space<semaphore_mem>>) src(%dma_wait3A_2017 : memref<1344x128xf32, #tpu.memory_space<vmem_shared>>) dst(%dma_wait3A_2012 : memref<128x128xf32, #tpu.memory_space<vmem>>)
        %add3A_2018 = arith.constant 256 : i32
        %add3A_2019 = arith.addi %mul3A_2, %add3A_2018 : i32
        %dma_start3A_2020 = arith.constant 0 : i32
        %dma_start3A_2021 = tpu.memref_slice %arg4[%add3A_1071, %add3A_2019, %dma_start3A_2020] : memref<49x16384x128xf32, #tpu.memory_space<hbm>> -> memref<1x256x128xf32, #tpu.memory_space<hbm>>
        %dma_start3A_2022 = tpu.memref_squeeze %dma_start3A_2021 : memref<1x256x128xf32, #tpu.memory_space<hbm>> -> memref<256x128xf32, #tpu.memory_space<hbm>>
        %dma_start3A_2023 = arith.constant 0 : i32
        %dma_start3A_2024 = tpu.memref_slice %arg4[%add3A_1071, %add3A_2019, %dma_start3A_2023] : memref<49x16384x128xf32, #tpu.memory_space<hbm>> -> memref<1x256x128xf32, #tpu.memory_space<hbm>>
        %dma_start3A_2025 = tpu.memref_squeeze %dma_start3A_2024 : memref<1x256x128xf32, #tpu.memory_space<hbm>> -> memref<256x128xf32, #tpu.memory_space<hbm>>
        tpu.enqueue_dma source(%arg13 : memref<256x128xf32, #tpu.memory_space<vmem>>) target(%dma_start3A_2025 : memref<256x128xf32, #tpu.memory_space<hbm>>) target_semaphore(%arg16 : memref<!tpu.dma_semaphore, #tpu.memory_space<semaphore_mem>>)
      } else {
      }
      %scan3A_1055 = arith.constant 0 : i32
      scf.yield %scan3A_1055 : i32
    }
    %scan3A_68 = arith.constant 25 : i32
    %dma_wait3A = arith.constant 0 : i32
    %dma_wait3A_69 = arith.constant 0 : i32
    %dma_wait3A_70 = tpu.memref_slice %arg4[%dma_wait3A, %mul3A_2, %dma_wait3A_69] : memref<49x16384x128xf32, #tpu.memory_space<hbm>> -> memref<1x256x128xf32, #tpu.memory_space<hbm>>
    %dma_wait3A_71 = tpu.memref_squeeze %dma_wait3A_70 : memref<1x256x128xf32, #tpu.memory_space<hbm>> -> memref<256x128xf32, #tpu.memory_space<hbm>>
    %dma_wait3A_72 = arith.constant 0 : i32
    %dma_wait3A_73 = tpu.memref_slice %arg4[%dma_wait3A, %mul3A_2, %dma_wait3A_72] : memref<49x16384x128xf32, #tpu.memory_space<hbm>> -> memref<1x256x128xf32, #tpu.memory_space<hbm>>
    %dma_wait3A_74 = tpu.memref_squeeze %dma_wait3A_73 : memref<1x256x128xf32, #tpu.memory_space<hbm>> -> memref<256x128xf32, #tpu.memory_space<hbm>>
    tpu.wait_dma2 semaphore(%arg15 : memref<!tpu.dma_semaphore, #tpu.memory_space<semaphore_mem>>) src(%arg12 : memref<256x128xf32, #tpu.memory_space<vmem>>) dst(%dma_wait3A_74 : memref<256x128xf32, #tpu.memory_space<hbm>>)
    %dma_wait3A_75 = arith.constant 0 : i32
    %dma_wait3A_76 = arith.constant 0 : i32
    %dma_wait3A_77 = tpu.memref_slice %arg4[%dma_wait3A_75, %mul3A_2, %dma_wait3A_76] : memref<49x16384x128xf32, #tpu.memory_space<hbm>> -> memref<1x256x128xf32, #tpu.memory_space<hbm>>
    %dma_wait3A_78 = tpu.memref_squeeze %dma_wait3A_77 : memref<1x256x128xf32, #tpu.memory_space<hbm>> -> memref<256x128xf32, #tpu.memory_space<hbm>>
    %dma_wait3A_79 = arith.constant 0 : i32
    %dma_wait3A_80 = tpu.memref_slice %arg4[%dma_wait3A_75, %mul3A_2, %dma_wait3A_79] : memref<49x16384x128xf32, #tpu.memory_space<hbm>> -> memref<1x256x128xf32, #tpu.memory_space<hbm>>
    %dma_wait3A_81 = tpu.memref_squeeze %dma_wait3A_80 : memref<1x256x128xf32, #tpu.memory_space<hbm>> -> memref<256x128xf32, #tpu.memory_space<hbm>>
    tpu.wait_dma2 semaphore(%arg16 : memref<!tpu.dma_semaphore, #tpu.memory_space<semaphore_mem>>) src(%arg13 : memref<256x128xf32, #tpu.memory_space<vmem>>) dst(%dma_wait3A_81 : memref<256x128xf32, #tpu.memory_space<hbm>>)
    return
  }
}

</mosaic_0001>

<sc_bundles>
// kernel: kernel.3.cloned.1.call-start
scs
__scs_entry_jumppad:
0x0: {  	(pc) =	sbr.rel $0x88, $3  }
0x1: {  	(tag) =	ssettag $0x0;
	lr =	simm.s32 $0x1  }
0x2: {  	[smem:$0x3F9F] =	sst lr;
	_ =	strace $0xD0000000  }
0x3: {  	_ = 	snop  }
0x4: {  	_ = 	snop  }
0x5: {  	_ = 	snop  }
0x6: {  	_ = 	snop  }
0x7: {  	_ = 	snop  }
__scs_overlays_trampoline_lowered:
0x8: {  	[smem:$0x3FAE] =	sst s0  }
0x9: {  	[smem:$0x3FAF] =	sst s1  }
0xa: {  	[smem:$0x3FB0] =	sst s2  }
0xb: {  	[smem:$0x3FB1] =	sst s3  }
0xc: {  	[smem:$0x3FB2] =	sst s4  }
0xd: {  	[smem:$0x3FB3] =	sst s5  }
0xe: {  	[smem:$0x3FB4] =	sst s6  }
0xf: {  	[smem:$0x3FB5] =	sst s7  }
0x10: {  	[smem:$0x3FB6] =	sst s8  }
0x11: {  	[smem:$0x3FB7] =	sst s9;
	s0 =	simm.s32 @!p0 $0x0  }
0x12: {  	s1 =	sld [smem:$0x3F9D];
	s0 =	simm.s32 @p0 $0x1  }
0x13: {  	[smem:$0x3FB8] =	sst s0;
	s0 =	simm.s32 @!p1 $0x0  }
0x14: {  	s2 =	sld [smem:$0x3F9C];
	s0 =	simm.s32 @p1 $0x1  }
0x15: {  	[smem:$0x3FB9] =	sst s0;
	s0 =	simm.s32 @!p2 $0x0  }
0x16: {  	s3 =	sld [smem:$0x3FDB];
	s0 =	simm.s32 @p2 $0x1  }
0x17: {  	s4 =	simm.s32 $0x1BF5;
	[smem:$0x3FBB] =	sst s0  }
0x18: {  	s0 =	sld [smem:$0x3F9E];
	_ =	swait.ge [sflag:s4], $0x0  }
0x19: {  	s7 =	sld [smem:$0x3F9F]  }
0x1a: {  	s8 =	sadd.s32 $0xFFFFE003, lr  }
0x1b: {  	s9 =	sadd.s32 $0xFFFFFEF7, lr;
	s5 =	simm.s32 $0xFFFFFFFF;
	p2 =	slt.u32 s8, $0xFFFFF086  }
0x1c: {  	p1 =	slt.u32 s9, $0xF7A;
	s5 =	simm.s32 @!p2 $0x0  }
0x1d: {  	s5 =	simm.s32 @p1 $0x1;
	p0 =	seq.s32 s7, s2  }
0x1e: {  	s7 =	smul.u32 @!p0 $0xF7A, s2;
	p2 =	seq.s32 @!p0 s5, $0x0  }
0x1f: {  	s9 =	smul.u32 $0xF7A, s1;
	s8 =	simm.s32 @!p0 $0x1BF5;
	p2 =	por !p2, p0  }
0x20: {  	[sflag:s8] =	ssyncset.s32 @!p0 $0xFFFFF086;
	s6 =	sadd.s32 @!p0 s3, s7;
	s7 =	simm.s32 @!p0 $0x108  }
0x21: {  	s3 =	sadd.s32 s3, s9;
	s6 =	sadd.s32 @!p0 $0x88, s6;
	s7 =	simm.s32 @p2 $0x1082  }
0x22: {  	[simem:s7], [sflag:s8] =	dma.local @!p0 [hbm:s6], $0xF7A  }
0x23: {  	s9 =	sor.u32 $0xD0000000, s2;
	s6 =	simm.s32 $0x108;
	_ =	swait.ge @!p0 [sflag:s8], $0x0  }
0x24: {  	s3 =	sadd.s32 $0x88, s3;
	s6 =	simm.s32 @!p1 $0x1082;
	[sflag:s4] =	ssyncset.s32 $0xFFFFF086  }
0x25: {  	[simem:s6], [sflag:s4] =	dma.local [hbm:s3], $0xF7A  }
0x26: {  	[smem:$0x3F9F] =	sst s1;
	(tag) =	ssettag s2;
	_ =	strace s9  }
0x27: {  	s1 =	sld [smem:$0x3FAF]  }
0x28: {  	s2 =	sld [smem:$0x3FB0]  }
0x29: {  	s4 =	sld [smem:$0x3FB2]  }
0x2a: {  	p0 =	seq.s32 s5, $0x0;
	s5 =	sld [smem:$0x3FB3]  }
0x2b: {  	s6 =	sld [smem:$0x3FB4]  }
0x2c: {  	s7 =	sld [smem:$0x3FB5]  }
0x2d: {  	s3 =	simm.s32 $0x108;
	s8 =	sld [smem:$0x3FB6]  }
0x2e: {  	s3 =	simm.s32 @!p0 $0x1082;
	s9 =	sld [smem:$0x3FB7]  }
0x2f: {  	lr =	sadd.s32 s0, s3;
	s0 =	sld [smem:$0x3FAE]  }
0x30: {  	s3 =	sld [smem:$0x3FB1]  }
0x31: {  	[smem:$0x3FBA] =	sst s10  }
0x32: {  	s10 =	sld [smem:$0x3FB8];
	_ =	sdelay $0x3  }
0x33: {  	p0 =	seq.s32 s10, $0x1;
	s10 =	sld [smem:$0x3FBA];
	_ =	sdelay $0x3  }
0x34: {  	[smem:$0x3FBA] =	sst s10  }
0x35: {  	s10 =	sld [smem:$0x3FB9];
	_ =	sdelay $0x3  }
0x36: {  	p1 =	seq.s32 s10, $0x1;
	s10 =	sld [smem:$0x3FBA];
	_ =	sdelay $0x3  }
0x37: {  	[smem:$0x3FBA] =	sst s10  }
0x38: {  	s10 =	sld [smem:$0x3FBB]  }
0x39: {  	_ = 	snop;
	(pc) =	sbr.ind lr, $3  }
0x3a: {  	_ = 	snop  }
0x3b: {  	_ = 	snop  }
0x3c: {  	p2 =	seq.s32 s10, $0x1;
	s10 =	sld [smem:$0x3FBA]  }
0x3d: {  	_ =	shalt  }
0x3e: {  	_ =	shalt  }
0x3f: {  	_ =	shalt  }
0x40: {  	_ =	shalt  }
0x41: {  	_ =	shalt  }
0x42: {  	_ =	shalt  }
0x43: {  	_ =	shalt  }
0x44: {  	_ =	shalt  }
0x45: {  	_ =	shalt  }
0x46: {  	_ =	shalt  }
0x47: {  	_ =	shalt  }
0x48: {  	_ =	shalt  }
0x49: {  	_ =	shalt  }
0x4a: {  	_ =	shalt  }
0x4b: {  	_ =	shalt  }
0x4c: {  	_ =	shalt  }
0x4d: {  	_ =	shalt  }
0x4e: {  	_ =	shalt  }
0x4f: {  	_ =	shalt  }
0x50: {  	_ =	shalt  }
0x51: {  	_ =	shalt  }
0x52: {  	_ =	shalt  }
0x53: {  	_ =	shalt  }
0x54: {  	_ =	shalt  }
0x55: {  	_ =	shalt  }
0x56: {  	_ =	shalt  }
0x57: {  	_ =	shalt  }
0x58: {  	_ =	shalt  }
0x59: {  	_ =	shalt  }
0x5a: {  	_ =	shalt  }
0x5b: {  	_ =	shalt  }
0x5c: {  	_ =	shalt  }
0x5d: {  	_ =	shalt  }
0x5e: {  	_ =	shalt  }
0x5f: {  	_ =	shalt  }
0x60: {  	_ =	shalt  }
0x61: {  	_ =	shalt  }
0x62: {  	_ =	shalt  }
0x63: {  	_ =	shalt  }
0x64: {  	_ =	shalt  }
0x65: {  	_ =	shalt  }
0x66: {  	_ =	shalt  }
0x67: {  	_ =	shalt  }
0x68: {  	_ =	shalt  }
0x69: {  	_ =	shalt  }
0x6a: {  	_ =	shalt  }
0x6b: {  	_ =	shalt  }
0x6c: {  	_ =	shalt  }
0x6d: {  	_ =	shalt  }
0x6e: {  	_ =	shalt  }
0x6f: {  	_ =	shalt  }
0x70: {  	_ =	shalt  }
0x71: {  	_ =	shalt  }
0x72: {  	_ =	shalt  }
0x73: {  	_ =	shalt  }
0x74: {  	_ =	shalt  }
0x75: {  	_ =	shalt  }
0x76: {  	_ =	shalt  }
0x77: {  	_ =	shalt  }
0x78: {  	_ =	shalt  }
0x79: {  	_ =	shalt  }
0x7a: {  	_ =	shalt  }
0x7b: {  	_ =	shalt  }
0x7c: {  	_ =	shalt  }
0x7d: {  	_ =	shalt  }
0x7e: {  	_ =	shalt  }
0x7f: {  	_ =	shalt  }
0x80: {  	_ =	shalt  }
0x81: {  	_ =	shalt  }
0x82: {  	_ =	shalt  }
0x83: {  	_ =	shalt  }
0x84: {  	_ =	shalt  }
0x85: {  	_ =	shalt  }
0x86: {  	_ =	shalt  }
0x87: {  	_ =	shalt  }
.Lfunc_end0:
.L_simem_size_0:
called_computation_lowered:
.L_overlay_start_0:
0x88: {  	s2 =	sld [smem:$0x3FD9]  }
0x89: {  	s3 =	sld [smem:$0x3FFE];
	_ =	sdelay $0x1  }
0x8a: {  	s1 =	srdreg.scid  }
0x8b: {  	s0 =	sand.u32 $0x1, s1  }
0x8c: {  	s17 =	sshll.u32 s0, $0xA;
	s2 =	sadd.s32 s3, s2  }
0x8d: {  	s2 =	sadd.s32 s2, s17  }
0x8e: {  	[smem:$0x3FC6] =	sst s2  }
0x8f: {  	_ = 	snop  }
0x90: {  	s2 =	sld [smem:$0x3FC8]  }
0x91: {  	s18 =	sld [smem:$0x3FD0];
	(tm) =	ssettm $0x1  }
0x92: {  	s4 =	sld [smem:$0x3FFB];
	_ =	sdelay $0x3  }
0x93: {  	_ =	strace s4  }
0x94: {  	s4 =	sld [smem:$0x3FFC];
	_ =	sdelay $0x3  }
0x95: {  	_ =	strace s4  }
0x96: {  	s4 =	sld [smem:$0x3FFD];
	_ =	sdelay $0x3  }
0x97: {  	_ =	strace s4  }
0x98: {  	_ =	strace $0x8FFFFFFF  }
0x99: {  	s19 =	sld [smem:$0x3FDB];
	_ =	sdelay $0x1  }
0x9a: {  	s5 =	simm.s32 $_scs_section_size  }
0x9b: {  	s6 =	simm.s32 $_size__tile_overlayer_lowered;
	s7 =	simm.s32 $_tile_overlayer_lowered  }
0x9c: {  	s22 =	simm.s32 $0x1BFF;
	s21 =	sshll.u32 s7, $0x1;
	s4 =	sadd.s32 s5, s19  }
0x9d: {  	s8 =	simm.s32 $0x0;
	s20 =	sshll.u32 s6, $0x1;
	s6 =	sadd.s32 s21, s4  }
0x9e: {  	[timem:s8], [sflag:s22] =	dma.local [hbm:s6], s20  }
0x9f: {  	_ =	swait.ge [sflag:s22], s20  }
0xa0: {  	s5 =	ssub.s32 $0x0, s20;
	[sflag:s22] =	ssyncset.done $0x0  }
0xa1: {  	[sflag:s22] =	ssyncadd.s32 s5;
	_ =	sdelay $0x1  }
0xa2: {  	s23 =	simm.s32 $0x1B8B  }
0xa3: {  	_ =	swait.ge [sflag:s23], $0x1  }
0xa4: {  	[sflag:s23] =	ssyncset.done $0x0  }
0xa5: {  	s25 =	simm.s32 $0x1B8E;
	s24 =	sld [smem:$0x3FFE];
	[sflag:s23] =	ssyncadd.s32 $0xFFFFFFFF  }
0xa6: {  	s26 =	simm.s32 $execute0_lowered;
	[smem:$0x3FD2] =	sst s25  }
0xa7: {  	s6 =	sshll.u32 s26, $0x1;
	_ =	strace $0x80000046;
	[dreg:$0x1] =	wrdreg $0xFFFFFFFF  }
0xa8: {  	s28 =	simm.s32 $_size_execute0_lowered;
	s4 =	sadd.s32 s4, s6;
	[dreg:$0x0] =	wrdreg $0x0  }
0xa9: {  	s6 =	sshll.u32 s28, $0x1;
	[dreg:$0x2] =	wrdreg s4  }
0xaa: {  	[dreg:$0x3] =	wrdreg s6  }
0xab: {  	[dreg:$0x4] =	wrdreg $0xC0  }
0xac: {  	_ =	task [dreg:s8], $0x5FFFF  }
0xad: {  	[dreg:$0x1] =	wrdreg $0xFFFFFFFF  }
0xae: {  	[dreg:$0x0] =	wrdreg $0x60  }
0xaf: {  	[dreg:$0x2] =	wrdreg s24  }
0xb0: {  	[dreg:$0x3] =	wrdreg s2  }
0xb1: {  	[dreg:$0x4] =	wrdreg s18  }
0xb2: {  	[dreg:$0x5] =	wrdreg $0x40000  }
0xb3: {  	[dreg:$0x6] =	wrdreg $0x9  }
0xb4: {  	_ =	task.clear_ibuf [dreg:s8], $0x7FFFF;
	_ =	strace $0x90000046  }
0xb5: {  	s29 =	simm.s32 $0x9;
	_ =	strace $0x80000048  }
0xb6: {  	_ =	swait.ge [sflag:s29], $0x1  }
0xb7: {  	[sflag:s29] =	ssyncadd.s32 $0xFFFFFFFF  }
0xb8: {  	_ =	strace $0x90000048  }
0xb9: {  	_ =	sfence  }
0xba: {  	s30 =	sld [smem:$0x0];
	_ =	sdelay $0x2  }
0xbb: {  	s31 =	sshll.u32 s1, $0xD;
	s1 =	sshrl.u32 s1, $0x2  }
0xbc: {  	s3 =	sand.u32 $0x4000, s31;
	s1 =	sadd.s32 s1, s30  }
0xbd: {  	s0 =	sor.u32 s3, s0;
	s1 =	sshll.u32 s1, $0x11  }
0xbe: {  	s0 =	sor.u32 s1, s0  }
0xbf: {  	s0 =	sadd.s32 $0x8F2B, s0  }
0xc0: {  	[sflag:s0] =	ssyncadd.remote.s32 $0x1  }
0xc1: {  	_ =	sfence.sel $0xFFFF  }
0xc2: {  	[dreg:$0x0] =	wrdreg $0xFFFFFFFF;
	(pc) =	sbr.abs _section_cstart, $3  }
0xc3: {  	[dreg:$0x1] =	wrdreg $0xFFFFFFFF  }
0xc4: {  	_ =	task.clear_ibuf [dreg:s8], $0x2FFFF;
	_ =	strace $0x9FFFFFFF  }
0xc5: {  	(tm) =	ssettm $0x7FFFFFFF  }
tec
execute0_lowered:
.L_overlay_start_1:
0x0: {  	(tag) =	ssettag $0x1  }
0x1: {  	s0 =	rddreg [dreg:$0x0]  }
0x2: {  	s10 =	stileid.u32;
	s2 =	rddreg [dreg:$0x2]  }
0x3: {  	s4 =	rddreg [dreg:$0x3];
	s5 =	simm.s32 $0x0;
	s6 =	srdreg.scid  }
0x4: {  	s28 =	simm.s32 $0x7A80;
	s29 =	simm.s32 $0xBC00;
	s1 =	smul.u32 $0x2C70C, s10  }
0x5: {  	s30 =	simm.s32 $0x7B00;
	s31 =	simm.s32 $0xFC00;
	s3 =	smul.u32 $0x54, s10  }
0x6: {  	[smem:$0x7FF] =	sst s5;
	s13 =	sand.u32 $0x1, s6;
	s7 =	sshll.u32 s10, $0xA  }
0x7: {  	s19 =	smul.u32 $0xA800, s10;
	s10 =	sshll.u32 s10, $0x11;
	s1 =	sshrl.u32 s1, $0x12  }
0x8: {  	s8 =	sshll.u32 s13, $0x9;
	[dreg:$0x5] =	wrdreg s1;
	s1 =	smul.u32 $0xFFFFFF87, s1  }
0x9: {  	s17 =	ssub.s32 $0x2, s13;
	s7 =	sor.u32 s8, s7;
	s8 =	simm.s32 $0x1  }
0xa: {  	s18 =	sshrl.u32 s17, $0x1;
	s0 =	sadd.s32 s7, s0;
	s1 =	sadd.s32 s3, s1  }
0xb: {  	_ =	strace $0x80000047;
	s3 =	sshll.u32 s13, $0x10;
	s14 =	smul.u32 $0xFFFF8BA3, s1  }
0xc: {  	s9 =	smul.u32 $0x1746, s1;
	p0 =	slt.s32 s1, $0x1;
	s3 =	sor.u32 s3, s10  }
0xd: {  	s10 =	sadd.s32 $0x400, s0;
	s22 =	sor.u32 $0x8000, s3;
	s25 =	sor.u32 $0x208000, s3  }
0xe: {  	s26 =	sor.u32 $0x200000, s3;
	s3 =	sshrl.u32 s3, $0x3;
	s6 =	sadd.s32 $0xBA2, s14  }
0xf: {  	s15 =	sshrl.u32 s9, $0x1F;
	s16 =	sshrl.u32 s9, $0x10;
	s24 =	sshrl.u32 s22, $0x3  }
0x10: {  	s0 =	sshrl.u32 s25, $0x3;
	s13 =	sadd.s32 s3, s2;
	s25 =	simm.s32 $0x7A00  }
0x11: {  	s9 =	simm.s32 $0x3;
	s6 =	sand.u32 $0xFFFF, s6;
	s7 =	sadd.s32 s15, s16  }
0x12: {  	s12 =	sadd.s32 s24, s2;
	s14 =	sadd.s32 s0, s2;
	p1 =	sgt.u32 s6, $0x1744  }
0x13: {  	s24 =	simm.s32 $0x4;
	s0 =	simm.s32 $0x13C00;
	p0 =	por !p0, !p1  }
0x14: {  	s7 =	sshll.u32 s7, $0x10;
	s6 =	ssub.s32 s17, s18;
	p0 =	por !p0, !p0  }
0x15: {  	s18 =	simm.s32 $0x80;
	s7 =	sshra.s32 s7, $0x10;
	s8 =	simm.s32 @!p0 $0x0  }
0x16: {  	s17 =	simm.s32 $0x2;
	[dreg:$0xa] =	wrdreg s14;
	s7 =	ssub.s32 s7, s8  }
0x17: {  	s23 =	smax.u32 s6, $0x1;
	s6 =	simm.s32 $0x0;
	s20 =	smul.u32 $0xFFFFFFF5, s7  }
.Ltmp0:
0x18: {  	[dreg:$0x9] =	wrdreg s23;
	s8 =	sshrl.u32 s19, $0x2;
	(pc) =	sbr.rel .LBB2_1-.Ltmp0, $4  }
0x19: {  	s19 =	simm.s32 $0xE0000;
	[dreg:$0x6] =	wrdreg s7;
	s21 =	sadd.s32 s8, s4  }
0x1a: {  	s7 =	simm.s32 $0x1;
	[dreg:$0x8] =	wrdreg s21;
	s1 =	sadd.s32 s1, s20  }
0x1b: {  	[dreg:$0x7] =	wrdreg s1;
	s1 =	sshrl.u32 s26, $0x3;
	s26 =	simm.s32 $0x7C00  }
0x1c: {  	s15 =	sadd.s32 s1, s2;
	s1 =	simm.s32 $0x7B80;
	s2 =	simm.s32 $0x5  }
.LBB2_7:
0x1d: {  	_ =	swait.ge [sflag:s17], $0x8000  }
0x1e: {  	[sflag:s17] =	ssyncset.done $0x0  }
0x1f: {  	[sflag:s17] =	ssyncadd.s32 $0xFFFF8000  }
0x20: {  	_ =	swait.ge [sflag:s9], $0x8000  }
0x21: {  	s6 =	rddreg [dreg:$0xb]  }
0x22: {  	s3 =	rddreg [dreg:$0x9];
	s6 =	sadd.s32 $0x1, s6  }
0x23: {  	p0 =	sne.s32 s6, s3  }
.Ltmp1:
0x24: {  	_ = 	snop;
	(pc) =	sbr.rel @!p0 .LBB2_8-.Ltmp1, $3  }
0x25: {  	_ =	sdelay $0x1  }
0x26: {  	[sflag:s9] =	ssyncset.done $0x0  }
0x27: {  	[sflag:s9] =	ssyncadd.s32 $0xFFFF8000  }
.LBB2_1:
0x28: {  	[dreg:$0xb] =	wrdreg s6  }
0x29: {  	s3 =	rddreg [dreg:$0x1];
	s16 =	simm.s32 $0x6  }
0x2a: {  	[tilespmem:s5], [sflag:$0x6] =	stream.linear.gather [hbm4b:s3+s5], $0x1080, $0x38;
	[tilespmem:$0x17C00] =	vst v63  }
0x2b: {  	_ =	swait.ge [sflag:s16], $0x1080  }
0x2c: {  	s21 =	rddreg [dreg:$0x5]  }
0x2d: {  	[sflag:s16] =	ssyncset.done $0x0;
	s14 =	rddreg [dreg:$0x6];
	s20 =	sshll.u32 s21, $0x9  }
0x2e: {  	[sflag:s16] =	ssyncadd.s32 $0xFFFFEF80;
	s22 =	sshll.u32 s14, $0x9;
	s20 =	sshra.s32 s20, $0x2  }
0x2f: {  	s11 =	rddreg [dreg:$0x7];
	s3 =	sshra.s32 s22, $0x2;
	v0 =	vld [tilespmem:s20+$0x0]  }
0x30: {  	s23 =	sshll.u32 s11, $0x9;
	v1 =	vld [tilespmem:s3+$0x580]  }
0x31: {  	s8 =	sshra.s32 s23, $0x2  }
0x32: {  	v2 =	vld [tilespmem:s8+$0xB00];
	_ =	sdelay $0x2  }
0x33: {  	v0 =	vadd.f32 v1, v0;
	_ =	sdelay $0x1  }
0x34: {  	v0 =	vadd.f32 v2, v0  }
0x35: {  	s6 =	simm.s32 $0x0  }
0x36: {  	[tilespmem:s6+$0x1400] =	vst v0  }
0x37: {  	v0 =	vld [tilespmem:s20+$0x10]  }
0x38: {  	v1 =	vld [tilespmem:s3+$0x590];
	_ =	sdelay $0x1  }
0x39: {  	v2 =	vld [tilespmem:s8+$0xB10];
	_ =	sdelay $0x2  }
0x3a: {  	v0 =	vadd.f32 v1, v0;
	_ =	sdelay $0x1  }
0x3b: {  	v0 =	vadd.f32 v2, v0;
	_ =	sdelay $0x1  }
0x3c: {  	[tilespmem:s6+$0x1410] =	vst v0  }
0x3d: {  	v0 =	vld [tilespmem:s20+$0x20]  }
0x3e: {  	v1 =	vld [tilespmem:s3+$0x5A0];
	_ =	sdelay $0x1  }
0x3f: {  	v2 =	vld [tilespmem:s8+$0xB20];
	_ =	sdelay $0x2  }
0x40: {  	v0 =	vadd.f32 v1, v0;
	_ =	sdelay $0x1  }
0x41: {  	v0 =	vadd.f32 v2, v0;
	_ =	sdelay $0x1  }
0x42: {  	[tilespmem:s6+$0x1420] =	vst v0  }
0x43: {  	v0 =	vld [tilespmem:s20+$0x30]  }
0x44: {  	v1 =	vld [tilespmem:s3+$0x5B0];
	_ =	sdelay $0x1  }
0x45: {  	v2 =	vld [tilespmem:s8+$0xB30];
	_ =	sdelay $0x2  }
0x46: {  	v0 =	vadd.f32 v1, v0;
	_ =	sdelay $0x1  }
0x47: {  	v0 =	vadd.f32 v2, v0;
	_ =	sdelay $0x1  }
0x48: {  	[tilespmem:s6+$0x1430] =	vst v0  }
0x49: {  	v0 =	vld [tilespmem:s20+$0x40]  }
0x4a: {  	v1 =	vld [tilespmem:s3+$0x5C0];
	_ =	sdelay $0x1  }
0x4b: {  	v2 =	vld [tilespmem:s8+$0xB40];
	_ =	sdelay $0x2  }
0x4c: {  	v0 =	vadd.f32 v1, v0;
	_ =	sdelay $0x1  }
0x4d: {  	v0 =	vadd.f32 v2, v0;
	_ =	sdelay $0x1  }
0x4e: {  	[tilespmem:s6+$0x1440] =	vst v0  }
0x4f: {  	v0 =	vld [tilespmem:s20+$0x50]  }
0x50: {  	v1 =	vld [tilespmem:s3+$0x5D0];
	_ =	sdelay $0x1  }
0x51: {  	v2 =	vld [tilespmem:s8+$0xB50];
	_ =	sdelay $0x2  }
0x52: {  	v0 =	vadd.f32 v1, v0;
	_ =	sdelay $0x1  }
0x53: {  	v0 =	vadd.f32 v2, v0;
	_ =	sdelay $0x1  }
0x54: {  	[tilespmem:s6+$0x1450] =	vst v0  }
0x55: {  	v0 =	vld [tilespmem:s20+$0x60]  }
0x56: {  	v1 =	vld [tilespmem:s3+$0x5E0];
	_ =	sdelay $0x1  }
0x57: {  	v2 =	vld [tilespmem:s8+$0xB60];
	_ =	sdelay $0x2  }
0x58: {  	v0 =	vadd.f32 v1, v0;
	_ =	sdelay $0x1  }
0x59: {  	p1 =	seq.s32 s11, $0xA;
	p0 =	seq.s32 s14, $0xA;
	v0 =	vadd.f32 v2, v0  }
0x5a: {  	s11 =	sadd.s32 $0x1, s11;
	s16 =	simm.s32 $0x200;
	p0 =	por !p0, !p1  }
0x5b: {  	s23 =	sadd.s32 $0x1, s14;
	s22 =	simm.s32 $0x1;
	p0 =	por !p0, !p0;
	[tilespmem:s6+$0x1460] =	vst v0  }
0x5c: {  	s11 =	simm.s32 @p1 $0x0;
	s23 =	simm.s32 @p0 $0x0;
	s22 =	simm.s32 @!p0 $0x0;
	v0 =	vld [tilespmem:s20+$0x70]  }
.LBB2_2:
0x5d: {  	p0 =	sne.s32 s16, $0xA600;
	v1 =	vld [tilespmem:s3+$0x5F0];
	s14 =	smov.u32 @p1 s23;
	s21 =	sadd.s32 s22, s21  }
0x5e: {  	s23 =	smov.u32 s16;
	s16 =	sadd.s32 $0x200, s16;
	v2 =	vld [tilespmem:s8+$0xB70];
	_ =	sdelay $0x3  }
0x5f: {  	v0 =	vadd.f32 v1, v0;
	_ =	sdelay $0x1  }
0x60: {  	s3 =	sshll.u32 s21, $0x9;
	s8 =	sshll.u32 s14, $0x9;
	v0 =	vadd.f32 v2, v0  }
0x61: {  	s22 =	sshra.s32 s3, $0x2;
	s3 =	sshra.s32 s8, $0x2  }
0x62: {  	[tilespmem:s6+$0x1470] =	vst v0  }
0x63: {  	s6 =	sshll.u32 s11, $0x9;
	v0 =	vld [tilespmem:s22+$0x0]  }
0x64: {  	s8 =	sshra.s32 s6, $0x2;
	v1 =	vld [tilespmem:s3+$0x580]  }
0x65: {  	v2 =	vld [tilespmem:s8+$0xB00];
	_ =	sdelay $0x3  }
0x66: {  	v0 =	vadd.f32 v1, v0;
	_ =	sdelay $0x1  }
0x67: {  	v0 =	vadd.f32 v2, v0  }
0x68: {  	s6 =	sshra.s32 s23, $0x2  }
0x69: {  	[tilespmem:s6+$0x1400] =	vst v0  }
0x6a: {  	v0 =	vld [tilespmem:s22+$0x10]  }
0x6b: {  	v1 =	vld [tilespmem:s3+$0x590];
	_ =	sdelay $0x1  }
0x6c: {  	v2 =	vld [tilespmem:s8+$0xB10];
	_ =	sdelay $0x2  }
0x6d: {  	v0 =	vadd.f32 v1, v0;
	_ =	sdelay $0x1  }
0x6e: {  	v0 =	vadd.f32 v2, v0;
	_ =	sdelay $0x1  }
0x6f: {  	[tilespmem:s6+$0x1410] =	vst v0  }
0x70: {  	v0 =	vld [tilespmem:s22+$0x20]  }
0x71: {  	v1 =	vld [tilespmem:s3+$0x5A0];
	_ =	sdelay $0x1  }
0x72: {  	v2 =	vld [tilespmem:s8+$0xB20];
	_ =	sdelay $0x2  }
0x73: {  	v0 =	vadd.f32 v1, v0;
	_ =	sdelay $0x1  }
0x74: {  	v0 =	vadd.f32 v2, v0;
	_ =	sdelay $0x1  }
0x75: {  	[tilespmem:s6+$0x1420] =	vst v0  }
0x76: {  	v0 =	vld [tilespmem:s22+$0x30]  }
0x77: {  	v1 =	vld [tilespmem:s3+$0x5B0]  }
0x78: {  	v2 =	vld [tilespmem:s8+$0xB30];
	_ =	sdelay $0x3  }
0x79: {  	v0 =	vadd.f32 v1, v0;
	_ =	sdelay $0x1  }
0x7a: {  	v0 =	vadd.f32 v2, v0;
	_ =	sdelay $0x1  }
0x7b: {  	[tilespmem:s6+$0x1430] =	vst v0  }
0x7c: {  	v0 =	vld [tilespmem:s22+$0x40]  }
0x7d: {  	v1 =	vld [tilespmem:s3+$0x5C0]  }
0x7e: {  	v2 =	vld [tilespmem:s8+$0xB40];
	_ =	sdelay $0x3  }
0x7f: {  	v0 =	vadd.f32 v1, v0;
	_ =	sdelay $0x1  }
0x80: {  	v0 =	vadd.f32 v2, v0;
	_ =	sdelay $0x1  }
0x81: {  	[tilespmem:s6+$0x1440] =	vst v0  }
0x82: {  	v0 =	vld [tilespmem:s22+$0x50]  }
0x83: {  	v1 =	vld [tilespmem:s3+$0x5D0]  }
0x84: {  	v2 =	vld [tilespmem:s8+$0xB50];
	_ =	sdelay $0x3  }
0x85: {  	v0 =	vadd.f32 v1, v0;
	_ =	sdelay $0x1  }
0x86: {  	v0 =	vadd.f32 v2, v0;
	_ =	sdelay $0x1  }
0x87: {  	[tilespmem:s6+$0x1450] =	vst v0  }
0x88: {  	v0 =	vld [tilespmem:s22+$0x60]  }
0x89: {  	v1 =	vld [tilespmem:s3+$0x5E0]  }
0x8a: {  	v2 =	vld [tilespmem:s8+$0xB60];
	_ =	sdelay $0x3  }
0x8b: {  	v0 =	vadd.f32 v1, v0  }
0x8c: {  	p1 =	seq.s32 s11, $0xA  }
.Ltmp2:
0x8d: {  	p2 =	seq.s32 s14, $0xA;
	s11 =	sadd.s32 $0x1, s11;
	v0 =	vadd.f32 v2, v0;
	(pc) =	sbr.rel @p0 .LBB2_2-.Ltmp2, $4  }
0x8e: {  	p2 =	por !p2, !p1;
	s11 =	simm.s32 @p1 $0x0  }
0x8f: {  	p2 =	por !p2, !p2;
	s23 =	sadd.s32 $0x1, s14;
	[tilespmem:s6+$0x1460] =	vst v0  }
0x90: {  	v0 =	vld [tilespmem:s22+$0x70];
	s22 =	simm.s32 $0x1  }
0x91: {  	s23 =	simm.s32 @p2 $0x0;
	s22 =	simm.s32 @!p2 $0x0  }
0x92: {  	v1 =	vld [tilespmem:s3+$0x5F0];
	_ =	sdelay $0x1  }
0x93: {  	v2 =	vld [tilespmem:s8+$0xB70];
	_ =	sdelay $0x2  }
0x94: {  	v0 =	vadd.f32 v1, v0;
	_ =	sdelay $0x1  }
0x95: {  	v0 =	vadd.f32 v2, v0;
	_ =	sdelay $0x1  }
0x96: {  	s22 =	rddreg [dreg:$0x8];
	s23 =	simm.s32 $0x1400;
	s8 =	simm.s32 $0x6;
	[tilespmem:s6+$0x1470] =	vst v0  }
0x97: {  	[spmem:s22] =	stream.linear.scatter [tilespmem:s23], [sflag:$0x6], $0x2A00, $0x38;
	[tilespmem:$0x17C00] =	vst v63  }
0x98: {  	_ =	swait.ge [sflag:s8], $0x2A00  }
0x99: {  	[sflag:s8] =	ssyncset.done $0x0  }
0x9a: {  	[sflag:s8] =	ssyncadd.s32 $0xFFFFD600  }
0x9b: {  	s11 =	simm.s32 $0x6A00;
	[bflag:$0x0] =	sbarrier.arrive $0xFFFF  }
0x9c: {  	[tilespmem:s11], [sflag:$0x4] =	stream.strided.gather [hbm4b:s10+s18], $0x180, s19, s18, $0x38;
	[tilespmem:$0x17C00] =	vst v63  }
0x9d: {  	s14 =	sadd.s32 $0x80, s10;
	s16 =	simm.s32 $0x6C00;
	s20 =	sadd.s32 $0x100, s10  }
0x9e: {  	[tilespmem:s16], [sflag:$0x4] =	stream.strided.gather [hbm4b:s14+s18], $0x180, s19, s18, $0x38;
	[tilespmem:$0x17C00] =	vst v63  }
.Ltmp3:
0x9f: {  	s21 =	simm.s32 $0x6E00;
	s3 =	simm.s32 $0x20;
	(pc) =	sbr.rel .LBB2_4-.Ltmp3, $4  }
0xa0: {  	s6 =	simm.s32 $0x0;
	s22 =	sadd.s32 $0x180, s10;
	s23 =	simm.s32 $0x7000  }
0xa1: {  	[tilespmem:s21], [sflag:$0x4] =	stream.strided.gather [hbm4b:s20+s18], $0x180, s19, s18, $0x38;
	[tilespmem:$0x17C00] =	vst v63  }
0xa2: {  	s8 =	simm.s32 $0x1;
	s16 =	simm.s32 $0x0;
	s14 =	rddreg [dreg:$0xa]  }
0xa3: {  	[tilespmem:s23], [sflag:$0x4] =	stream.strided.gather [hbm4b:s22+s18], $0x180, s19, s18, $0x38;
	[tilespmem:$0x17C00] =	vst v63  }
.LBB2_6:
0xa4: {  	s16 =	sadd.s32 $0x80000, s16  }
0xa5: {  	p0 =	sne.s32 s16, $0xC80000  }
.Ltmp4:
0xa6: {  	_ = 	snop;
	(pc) =	sbr.rel @!p0 .LBB2_7-.Ltmp4, $2  }
0xa7: {  	_ =	sdelay $0x2  }
0xa8: {  	s3 =	sadd.s32 $0x20, s3;
	s8 =	sadd.s32 $0x2, s8;
	s6 =	smov.u32 s11  }
.LBB2_4:
0xa9: {  	p0 =	sgt.u32 s8, $0x30  }
0xaa: {  	_ =	swait.ge [sflag:s24], $0x600;
	s11 =	sadd.s32 @!p0 $0xFFFFFFF0, s3  }
0xab: {  	s20 =	sand.u32 @!p0 $0x1C000, s6;
	[sflag:s24] =	ssyncset.done $0x0;
	s11 =	sand.u32 @!p0 $0x70, s11  }
0xac: {  	s21 =	simm.s32 @!p0 $0xE0000;
	s22 =	simm.s32 @!p0 $0x7200;
	s11 =	sor.u32 @!p0 s11, s20  }
0xad: {  	[sflag:s24] =	ssyncadd.s32 $0xFFFFFA00;
	s20 =	simm.s32 @!p0 $0x80;
	s11 =	sadd.s32 @!p0 s11, s10  }
0xae: {  	[tilespmem:s22], [sflag:$0x5] =	stream.strided.gather @!p0 [hbm4b:s11+s20], $0x180, s21, s20, $0x38;
	[tilespmem:$0x17C00] =	vst v63  }
0xaf: {  	s23 =	simm.s32 @!p0 $0x7400;
	s22 =	sadd.s32 @!p0 $0x80, s11  }
0xb0: {  	[tilespmem:s23], [sflag:$0x5] =	stream.strided.gather @!p0 [hbm4b:s22+s20], $0x180, s21, s20, $0x38;
	[tilespmem:$0x17C00] =	vst v63  }
0xb1: {  	s22 =	sadd.s32 @!p0 $0x100, s11;
	s23 =	simm.s32 @!p0 $0x7600  }
0xb2: {  	[tilespmem:s23], [sflag:$0x5] =	stream.strided.gather @!p0 [hbm4b:s22+s20], $0x180, s21, s20, $0x38;
	[tilespmem:$0x17C00] =	vst v63  }
0xb3: {  	s11 =	sadd.s32 @!p0 $0x180, s11;
	s22 =	simm.s32 @!p0 $0x7800  }
0xb4: {  	[tilespmem:s22], [sflag:$0x5] =	stream.strided.gather @!p0 [hbm4b:s11+s20], $0x180, s21, s20, $0x38;
	[tilespmem:$0x17C00] =	vst v63  }
0xb5: {  	v0 =	vld [tilespmem:$0x6A00]  }
0xb6: {  	v1 =	vld [tilespmem:$0x6A80]  }
0xb7: {  	v2 =	vld [tilespmem:$0x6B00]  }
0xb8: {  	v3 =	vld [tilespmem:$0x6A10]  }
0xb9: {  	v4 =	vld [tilespmem:$0x6A90]  }
0xba: {  	v5 =	vld [tilespmem:$0x6B10]  }
0xbb: {  	v6 =	vld [tilespmem:$0x6A20]  }
0xbc: {  	v7 =	vld [tilespmem:$0x6AA0]  }
0xbd: {  	v8 =	vld [tilespmem:$0x6B20]  }
0xbe: {  	v9 =	vld [tilespmem:$0x6A30]  }
0xbf: {  	v10 =	vld [tilespmem:$0x6AB0]  }
0xc0: {  	v11 =	vld [tilespmem:$0x6B30]  }
0xc1: {  	v12 =	vld [tilespmem:$0x6A40]  }
0xc2: {  	v13 =	vld [tilespmem:$0x6AC0]  }
0xc3: {  	v14 =	vld [tilespmem:$0x6B40]  }
0xc4: {  	v15 =	vld [tilespmem:$0x6A50]  }
0xc5: {  	v16 =	vld [tilespmem:$0x6AD0]  }
0xc6: {  	v17 =	vld [tilespmem:$0x6B50]  }
0xc7: {  	v18 =	vld [tilespmem:$0x6A60]  }
0xc8: {  	v19 =	vld [tilespmem:$0x6AE0]  }
0xc9: {  	v20 =	vld [tilespmem:$0x6B60]  }
0xca: {  	v21 =	vld [tilespmem:$0x6A70]  }
0xcb: {  	v22 =	vld [tilespmem:$0x6AF0]  }
0xcc: {  	v23 =	vld [tilespmem:$0x6B70]  }
0xcd: {  	v24 =	vld [tilespmem:$0x6C00]  }
0xce: {  	v25 =	vld [tilespmem:$0x6C80]  }
0xcf: {  	v27 =	vld [tilespmem:$0x6C10]  }
0xd0: {  	v41 =	vld [tilespmem:$0x6C30]  }
0xd1: {  	v57 =	vld [tilespmem:$0x6C50]  }
0xd2: {  	v26 =	vld [tilespmem:$0x6D00];
	v0 =	vmul.u32 $0xB, v0  }
0xd3: {  	v28 =	vld [tilespmem:$0x6C90];
	v3 =	vmul.u32 $0xB, v3;
	v6 =	vmul.u32 $0xB, v6;
	v37 =	vmul.u32 $0xB, v9  }
0xd4: {  	v36 =	vld [tilespmem:$0x6C20];
	v40 =	vmul.u32 $0xB, v12;
	v42 =	vmul.u32 $0xB, v15;
	v44 =	vmul.u32 $0xB, v18  }
0xd5: {  	v35 =	vld [tilespmem:$0x6D10];
	v52 =	vmul.u32 $0xB, v21;
	v55 =	vmul.u32 $0xB, v24;
	v56 =	vmul.u32 $0xB, v27  }
0xd6: {  	v29 =	vld [tilespmem:$0x6CA0];
	v27 =	vmul.u32 $0xB, v41;
	v34 =	vmul.u32 $0xB, v57;
	v0 =	vadd.s32 v1, v0  }
0xd7: {  	v60 =	vld [tilespmem:$0x6CD0];
	v3 =	vadd.s32 v4, v3;
	v39 =	vadd.s32 v7, v6;
	v6 =	vadd.s32 v13, v40  }
0xd8: {  	v43 =	vld [tilespmem:$0x6CB0];
	v46 =	vadd.s32 v16, v42;
	v48 =	vadd.s32 v19, v44;
	v0 =	vmul.u32 $0xB, v0  }
0xd9: {  	v47 =	vld [tilespmem:$0x6C40];
	v59 =	vadd.s32 v22, v52;
	v4 =	vmul.u32 $0xB, v36;
	v3 =	vmul.u32 $0xB, v3  }
0xda: {  	v33 =	vld [tilespmem:$0x6D50];
	v62 =	vadd.s32 v25, v55;
	v6 =	vmul.u32 $0xB, v6;
	v0 =	vadd.s32 v2, v0  }
0xdb: {  	v38 =	vld [tilespmem:$0x6D20];
	v63 =	vadd.s32 v28, v56;
	v51 =	vmul.u32 $0xB, v48;
	v3 =	vadd.s32 v5, v3;
	[tilespmem:$0x7A00] =	vst v0  }
0xdc: {  	v45 =	vld [tilespmem:$0x6D30];
	v40 =	vadd.s32 v60, v34;
	v22 =	vmul.u32 $0xB, v63;
	v50 =	vadd.s32 v14, v6;
	[tilespmem:$0x7A10] =	vst v3  }
0xdd: {  	v49 =	vld [tilespmem:$0x6CC0];
	v32 =	vadd.s32 v43, v27;
	v42 =	vmul.u32 $0xB, v40;
	v58 =	vadd.s32 v20, v51;
	[tilespmem:$0x7A40] =	vst v50  }
0xde: {  	v24 =	vld [tilespmem:$0x6C70];
	v21 =	vmul.u32 $0xB, v62;
	v4 =	vadd.s32 v29, v4;
	v1 =	vadd.s32 v35, v22;
	[tilespmem:$0x7A60] =	vst v58  }
0xdf: {  	v29 =	vmul.u32 $0xB, v47;
	v5 =	vmul.u32 $0xB, v39;
	v20 =	vld [tilespmem:$0x6C60];
	v47 =	vadd.s32 v33, v42;
	[tilespmem:$0x7A90] =	vst v1  }
0xe0: {  	v30 =	vld [tilespmem:$0x6CF0];
	v2 =	vadd.s32 v10, v37;
	v25 =	vmul.u32 $0xB, v4;
	v0 =	vadd.s32 v26, v21;
	[tilespmem:$0x7AD0] =	vst v47  }
0xe1: {  	v28 =	vld [tilespmem:$0x6CE0];
	v35 =	vmul.u32 $0xB, v32;
	v5 =	vadd.s32 v8, v5;
	v8 =	vmul.u32 $0xB, v46;
	[tilespmem:$0x7A80] =	vst v0  }
0xe2: {  	v53 =	vld [tilespmem:$0x6D40];
	v61 =	vmul.u32 $0xB, v59;
	v2 =	vmul.u32 $0xB, v2;
	v31 =	vadd.s32 v38, v25;
	[tilespmem:$0x7A20] =	vst v5  }
0xe3: {  	v41 =	vld [tilespmem:$0x6D70];
	v0 =	vadd.s32 v45, v35;
	[tilespmem:$0x7AA0] =	vst v31;
	v54 =	vadd.s32 v17, v8;
	v8 =	vmul.u32 $0xB, v24  }
0xe4: {  	v37 =	vld [tilespmem:$0x6D60];
	v36 =	vadd.s32 v49, v29;
	v2 =	vadd.s32 v11, v2;
	[tilespmem:$0x7AB0] =	vst v0;
	v38 =	vmul.u32 $0xB, v20  }
0xe5: {  	v39 =	vmul.u32 $0xB, v36;
	[tilespmem:$0x7A30] =	vst v2;
	v46 =	vadd.s32 v30, v8  }
0xe6: {  	v2 =	vadd.s32 v23, v61;
	[tilespmem:$0x7A50] =	vst v54;
	v43 =	vadd.s32 v28, v38;
	v48 =	vmul.u32 $0xB, v46  }
0xe7: {  	v44 =	vadd.s32 v53, v39;
	[tilespmem:$0x7A70] =	vst v2;
	v45 =	vmul.u32 $0xB, v43  }
0xe8: {  	[tilespmem:$0x7AC0] =	vst v44;
	v50 =	vadd.s32 v41, v48  }
0xe9: {  	p1 =	seq.s32 s16, $0x0;
	v49 =	vadd.s32 v37, v45;
	[tilespmem:$0x7AF0] =	vst v50  }
0xea: {  	s11 =	simm.s32 @!p1 $0x2;
	[tilespmem:$0x7AE0] =	vst v49  }
0xeb: {  	_ =	swait.ge @!p1 [sflag:s11], $0x8000  }
0xec: {  	[sflag:s11] =	ssyncset.done @!p1 $0x0  }
0xed: {  	[sflag:s11] =	ssyncadd.s32 @!p1 $0xFFFF8000  }
0xee: {  	[tilespmem:s26], [sflag:$0x1] =	stream.indirect.gather [spmem:s4], $0x80, s25, s18, $0xb8;
	[tilespmem:$0x17C00] =	vst v63  }
0xef: {  	_ = 	snop  }
0xf0: {  	[tilespmem:s29], [sflag:$0x1] =	stream.indirect.gather [spmem:s4], $0x80, s28, s18, $0xb8;
	[tilespmem:$0x17C00] =	vst v63  }
0xf1: {  	_ =	swait.ge [sflag:s7], $0x4000  }
0xf2: {  	[sflag:s7] =	ssyncset.done $0x0  }
0xf3: {  	[sflag:s7] =	ssyncadd.s32 $0xFFFFC000  }
0xf4: {  	_ =	swait.ge [sflag:s7], $0x4000  }
0xf5: {  	[sflag:s7] =	ssyncset.done $0x0  }
0xf6: {  	s22 =	sadd.s32 s16, s13;
	[sflag:s7] =	ssyncadd.s32 $0xFFFFC000  }
0xf7: {  	[hbm4b:s22+s5] =	stream.linear.scatter [tilespmem:s26], [sflag:$0x2], $0x8000, $0x38;
	[tilespmem:$0x17C00] =	vst v63  }
0xf8: {  	v51 =	vld [tilespmem:$0x6E00]  }
0xf9: {  	v52 =	vld [tilespmem:$0x6E80]  }
0xfa: {  	v53 =	vld [tilespmem:$0x6F00]  }
0xfb: {  	v54 =	vld [tilespmem:$0x6E10]  }
0xfc: {  	v55 =	vld [tilespmem:$0x6E90]  }
0xfd: {  	v56 =	vld [tilespmem:$0x6F10]  }
0xfe: {  	v57 =	vld [tilespmem:$0x6E20]  }
0xff: {  	v58 =	vld [tilespmem:$0x6EA0]  }
0x100: {  	v59 =	vld [tilespmem:$0x6F20]  }
0x101: {  	v60 =	vld [tilespmem:$0x6E30]  }
0x102: {  	v61 =	vld [tilespmem:$0x6EB0]  }
0x103: {  	v62 =	vld [tilespmem:$0x6F30]  }
0x104: {  	v63 =	vld [tilespmem:$0x6E40]  }
0x105: {  	v32 =	vld [tilespmem:$0x6EC0]  }
0x106: {  	v33 =	vld [tilespmem:$0x6F40]  }
0x107: {  	v34 =	vld [tilespmem:$0x6E50]  }
0x108: {  	v35 =	vld [tilespmem:$0x6ED0]  }
0x109: {  	v36 =	vld [tilespmem:$0x6F50]  }
0x10a: {  	v37 =	vld [tilespmem:$0x6E60]  }
0x10b: {  	v38 =	vld [tilespmem:$0x6EE0]  }
0x10c: {  	v39 =	vld [tilespmem:$0x6F60]  }
0x10d: {  	v40 =	vld [tilespmem:$0x6E70]  }
0x10e: {  	v41 =	vld [tilespmem:$0x6EF0]  }
0x10f: {  	v23 =	vld [tilespmem:$0x6F70]  }
0x110: {  	v42 =	vld [tilespmem:$0x7000]  }
0x111: {  	v43 =	vld [tilespmem:$0x7080]  }
0x112: {  	v47 =	vld [tilespmem:$0x7020]  }
0x113: {  	v26 =	vld [tilespmem:$0x7100]  }
0x114: {  	v44 =	vld [tilespmem:$0x7010]  }
0x115: {  	v48 =	vld [tilespmem:$0x70A0];
	v0 =	vmul.u32 $0xB, v51  }
0x116: {  	v45 =	vld [tilespmem:$0x7090];
	v3 =	vmul.u32 $0xB, v54;
	v6 =	vmul.u32 $0xB, v57;
	v49 =	vmul.u32 $0xB, v60  }
0x117: {  	v46 =	vld [tilespmem:$0x7110];
	v54 =	vmul.u32 $0xB, v34;
	v31 =	vmul.u32 $0xB, v42;
	v4 =	vmul.u32 $0xB, v47  }
0x118: {  	v50 =	vld [tilespmem:$0x7120];
	v0 =	vadd.s32 v52, v0;
	v3 =	vadd.s32 v55, v3;
	v51 =	vadd.s32 v58, v6  }
0x119: {  	v15 =	vld [tilespmem:$0x7130];
	v52 =	vmul.u32 $0xB, v63;
	v2 =	vadd.s32 v61, v49;
	v57 =	vadd.s32 v35, v54  }
0x11a: {  	v21 =	vld [tilespmem:$0x7140];
	v63 =	vmul.u32 $0xB, v40;
	v4 =	vadd.s32 v48, v4;
	v0 =	vmul.u32 $0xB, v0  }
0x11b: {  	v60 =	vld [tilespmem:$0x70C0];
	v3 =	vmul.u32 $0xB, v3;
	v5 =	vmul.u32 $0xB, v51;
	v2 =	vmul.u32 $0xB, v2  }
0x11c: {  	v42 =	vld [tilespmem:$0x7070];
	v8 =	vmul.u32 $0xB, v57;
	v4 =	vmul.u32 $0xB, v4;
	v6 =	vadd.s32 v32, v52  }
0x11d: {  	v47 =	vld [tilespmem:$0x70F0];
	v0 =	vadd.s32 v53, v0;
	v3 =	vadd.s32 v56, v3;
	v56 =	vmul.u32 $0xB, v37  }
0x11e: {  	v32 =	vmul.u32 $0xB, v44;
	v35 =	vadd.s32 v41, v63;
	v53 =	vld [tilespmem:$0x7030];
	v5 =	vadd.s32 v59, v5;
	[tilespmem:$0x7B00] =	vst v0  }
0x11f: {  	v58 =	vld [tilespmem:$0x7040];
	v6 =	vmul.u32 $0xB, v6;
	v2 =	vadd.s32 v62, v2;
	[tilespmem:$0x7B10] =	vst v3;
	v59 =	vadd.s32 v38, v56  }
0x120: {  	v55 =	vld [tilespmem:$0x70B0];
	v30 =	vadd.s32 v36, v8;
	v37 =	vadd.s32 v43, v31;
	[tilespmem:$0x7B20] =	vst v5;
	v62 =	vmul.u32 $0xB, v59  }
0x121: {  	v48 =	vadd.s32 v50, v4;
	[tilespmem:$0x7B30] =	vst v2;
	v61 =	vadd.s32 v33, v6;
	v33 =	vld [tilespmem:$0x7050];
	v38 =	vadd.s32 v45, v32  }
0x122: {  	v40 =	vmul.u32 $0xB, v37;
	[tilespmem:$0x7B50] =	vst v30;
	v41 =	vmul.u32 $0xB, v38;
	v34 =	vadd.s32 v39, v62;
	v39 =	vld [tilespmem:$0x7060]  }
0x123: {  	v36 =	vld [tilespmem:$0x70D0];
	[tilespmem:$0x7BA0] =	vst v48;
	v6 =	vmul.u32 $0xB, v35;
	v44 =	vmul.u32 $0xB, v53  }
0x124: {  	v45 =	vld [tilespmem:$0x70E0];
	[tilespmem:$0x7B40] =	vst v61;
	v0 =	vadd.s32 v26, v40;
	v1 =	vadd.s32 v46, v41;
	v46 =	vmul.u32 $0xB, v58  }
0x125: {  	v57 =	vld [tilespmem:$0x7170];
	v8 =	vmul.u32 $0xB, v42;
	v43 =	vadd.s32 v23, v6;
	[tilespmem:$0x7B80] =	vst v0;
	v49 =	vadd.s32 v55, v44  }
0x126: {  	v50 =	vld [tilespmem:$0x7150];
	[tilespmem:$0x7B70] =	vst v43;
	v51 =	vmul.u32 $0xB, v33;
	v2 =	vadd.s32 v60, v46;
	v52 =	vmul.u32 $0xB, v49  }
0x127: {  	v53 =	vld [tilespmem:$0x7160];
	[tilespmem:$0x7B60] =	vst v34;
	v60 =	vadd.s32 v47, v8;
	v55 =	vmul.u32 $0xB, v2;
	v54 =	vmul.u32 $0xB, v39  }
0x128: {  	[tilespmem:$0x7B90] =	vst v1;
	v1 =	vmul.u32 $0xB, v60;
	v56 =	vadd.s32 v36, v51;
	v0 =	vadd.s32 v15, v52  }
0x129: {  	v2 =	vmul.u32 $0xB, v56;
	v59 =	vadd.s32 v21, v55;
	[tilespmem:$0x7BB0] =	vst v0;
	v58 =	vadd.s32 v45, v54  }
0x12a: {  	v63 =	vadd.s32 v57, v1;
	[tilespmem:$0x7BC0] =	vst v59;
	v3 =	vmul.u32 $0xB, v58  }
0x12b: {  	[tilespmem:$0x7BF0] =	vst v63;
	v61 =	vadd.s32 v50, v2  }
0x12c: {  	[tilespmem:$0x7BD0] =	vst v61;
	v62 =	vadd.s32 v53, v3  }
0x12d: {  	s11 =	simm.s32 @!p1 $0x3;
	[tilespmem:$0x7BE0] =	vst v62  }
0x12e: {  	_ =	swait.ge @!p1 [sflag:s11], $0x8000  }
0x12f: {  	[sflag:s11] =	ssyncset.done @!p1 $0x0  }
0x130: {  	[sflag:s11] =	ssyncadd.s32 @!p1 $0xFFFF8000  }
0x131: {  	[tilespmem:s31], [sflag:$0x1] =	stream.indirect.gather [spmem:s4], $0x80, s30, s18, $0xb8;
	[tilespmem:$0x17C00] =	vst v63  }
0x132: {  	_ = 	snop  }
0x133: {  	[tilespmem:s0], [sflag:$0x1] =	stream.indirect.gather [spmem:s4], $0x80, s1, s18, $0xb8;
	[tilespmem:$0x17C00] =	vst v63  }
0x134: {  	_ =	swait.ge [sflag:s7], $0x4000  }
0x135: {  	[sflag:s7] =	ssyncset.done $0x0  }
.Ltmp5:
0x136: {  	[sflag:s7] =	ssyncadd.s32 $0xFFFFC000;
	(pc) =	sbr.rel @p0 .LBB2_6-.Ltmp5, $4  }
0x137: {  	_ =	swait.ge [sflag:s7], $0x4000  }
0x138: {  	[sflag:s7] =	ssyncset.done $0x0  }
0x139: {  	s23 =	sadd.s32 s16, s12;
	s11 =	sadd.s32 $0x1000, s6;
	[sflag:s7] =	ssyncadd.s32 $0xFFFFC000  }
0x13a: {  	[hbm4b:s23+s5] =	stream.linear.scatter [tilespmem:s31], [sflag:$0x3], $0x8000, $0x38;
	[tilespmem:$0x17C00] =	vst v63  }
0x13b: {  	s6 =	sadd.s32 $0x1000, s6  }
0x13c: {  	_ =	swait.ge [sflag:s2], $0x600;
	s20 =	sand.u32 $0x60, s3;
	s6 =	sand.u32 $0x3C000, s6  }
0x13d: {  	[sflag:s2] =	ssyncset.done $0x0;
	s6 =	sor.u32 s20, s6  }
0x13e: {  	s22 =	simm.s32 $0x6A00;
	[sflag:s2] =	ssyncadd.s32 $0xFFFFFA00;
	s6 =	sadd.s32 s6, s10  }
0x13f: {  	[tilespmem:s22], [sflag:$0x4] =	stream.strided.gather [hbm4b:s6+s18], $0x180, s19, s18, $0x38;
	[tilespmem:$0x17C00] =	vst v63  }
0x140: {  	s21 =	simm.s32 $0x6C00;
	s23 =	sadd.s32 $0x80, s6  }
0x141: {  	[tilespmem:s21], [sflag:$0x4] =	stream.strided.gather [hbm4b:s23+s18], $0x180, s19, s18, $0x38;
	[tilespmem:$0x17C00] =	vst v63  }
0x142: {  	s22 =	sadd.s32 $0x100, s6;
	s23 =	simm.s32 $0x6E00  }
0x143: {  	[tilespmem:s23], [sflag:$0x4] =	stream.strided.gather [hbm4b:s22+s18], $0x180, s19, s18, $0x38;
	[tilespmem:$0x17C00] =	vst v63  }
0x144: {  	s6 =	sadd.s32 $0x180, s6;
	s21 =	simm.s32 $0x7000  }
0x145: {  	[tilespmem:s21], [sflag:$0x4] =	stream.strided.gather [hbm4b:s6+s18], $0x180, s19, s18, $0x38;
	[tilespmem:$0x17C00] =	vst v63  }
0x146: {  	v0 =	vld [tilespmem:$0x7200]  }
0x147: {  	v1 =	vld [tilespmem:$0x7280]  }
0x148: {  	v2 =	vld [tilespmem:$0x7300]  }
0x149: {  	v3 =	vld [tilespmem:$0x7210]  }
0x14a: {  	v4 =	vld [tilespmem:$0x7290]  }
0x14b: {  	v5 =	vld [tilespmem:$0x7310]  }
0x14c: {  	v6 =	vld [tilespmem:$0x7220]  }
0x14d: {  	v7 =	vld [tilespmem:$0x72A0]  }
0x14e: {  	v8 =	vld [tilespmem:$0x7320]  }
0x14f: {  	v9 =	vld [tilespmem:$0x7230]  }
0x150: {  	v10 =	vld [tilespmem:$0x72B0]  }
0x151: {  	v11 =	vld [tilespmem:$0x7330]  }
0x152: {  	v12 =	vld [tilespmem:$0x7240]  }
0x153: {  	v13 =	vld [tilespmem:$0x72C0]  }
0x154: {  	v14 =	vld [tilespmem:$0x7340]  }
0x155: {  	v15 =	vld [tilespmem:$0x7250]  }
0x156: {  	v16 =	vld [tilespmem:$0x72D0]  }
0x157: {  	v17 =	vld [tilespmem:$0x7350]  }
0x158: {  	v18 =	vld [tilespmem:$0x7260]  }
0x159: {  	v19 =	vld [tilespmem:$0x72E0]  }
0x15a: {  	v20 =	vld [tilespmem:$0x7360]  }
0x15b: {  	v21 =	vld [tilespmem:$0x7270]  }
0x15c: {  	v22 =	vld [tilespmem:$0x72F0]  }
0x15d: {  	v23 =	vld [tilespmem:$0x7370]  }
0x15e: {  	v24 =	vld [tilespmem:$0x7400]  }
0x15f: {  	v25 =	vld [tilespmem:$0x7480]  }
0x160: {  	v27 =	vld [tilespmem:$0x7410]  }
0x161: {  	v41 =	vld [tilespmem:$0x7430]  }
0x162: {  	v57 =	vld [tilespmem:$0x7450]  }
0x163: {  	v26 =	vld [tilespmem:$0x7500];
	v0 =	vmul.u32 $0xB, v0  }
0x164: {  	v28 =	vld [tilespmem:$0x7490];
	v3 =	vmul.u32 $0xB, v3;
	v6 =	vmul.u32 $0xB, v6;
	v37 =	vmul.u32 $0xB, v9  }
0x165: {  	v36 =	vld [tilespmem:$0x7420];
	v40 =	vmul.u32 $0xB, v12;
	v42 =	vmul.u32 $0xB, v15;
	v44 =	vmul.u32 $0xB, v18  }
0x166: {  	v35 =	vld [tilespmem:$0x7510];
	v52 =	vmul.u32 $0xB, v21;
	v55 =	vmul.u32 $0xB, v24;
	v56 =	vmul.u32 $0xB, v27  }
0x167: {  	v29 =	vld [tilespmem:$0x74A0];
	v27 =	vmul.u32 $0xB, v41;
	v34 =	vmul.u32 $0xB, v57;
	v0 =	vadd.s32 v1, v0  }
0x168: {  	v60 =	vld [tilespmem:$0x74D0];
	v3 =	vadd.s32 v4, v3;
	v39 =	vadd.s32 v7, v6;
	v6 =	vadd.s32 v13, v40  }
0x169: {  	v43 =	vld [tilespmem:$0x74B0];
	v46 =	vadd.s32 v16, v42;
	v48 =	vadd.s32 v19, v44;
	v0 =	vmul.u32 $0xB, v0  }
0x16a: {  	v47 =	vld [tilespmem:$0x7440];
	v59 =	vadd.s32 v22, v52;
	v4 =	vmul.u32 $0xB, v36;
	v3 =	vmul.u32 $0xB, v3  }
0x16b: {  	v33 =	vld [tilespmem:$0x7550];
	v62 =	vadd.s32 v25, v55;
	v6 =	vmul.u32 $0xB, v6;
	v0 =	vadd.s32 v2, v0  }
0x16c: {  	v38 =	vld [tilespmem:$0x7520];
	v63 =	vadd.s32 v28, v56;
	v51 =	vmul.u32 $0xB, v48;
	v3 =	vadd.s32 v5, v3;
	[tilespmem:$0x7A00] =	vst v0  }
0x16d: {  	v45 =	vld [tilespmem:$0x7530];
	v40 =	vadd.s32 v60, v34;
	v22 =	vmul.u32 $0xB, v63;
	v50 =	vadd.s32 v14, v6;
	[tilespmem:$0x7A10] =	vst v3  }
0x16e: {  	v49 =	vld [tilespmem:$0x74C0];
	v32 =	vadd.s32 v43, v27;
	v42 =	vmul.u32 $0xB, v40;
	v58 =	vadd.s32 v20, v51;
	[tilespmem:$0x7A40] =	vst v50  }
0x16f: {  	v24 =	vld [tilespmem:$0x7470];
	v21 =	vmul.u32 $0xB, v62;
	v4 =	vadd.s32 v29, v4;
	v1 =	vadd.s32 v35, v22;
	[tilespmem:$0x7A60] =	vst v58  }
0x170: {  	v29 =	vmul.u32 $0xB, v47;
	v5 =	vmul.u32 $0xB, v39;
	v20 =	vld [tilespmem:$0x7460];
	v47 =	vadd.s32 v33, v42;
	[tilespmem:$0x7A90] =	vst v1  }
0x171: {  	v30 =	vld [tilespmem:$0x74F0];
	v2 =	vadd.s32 v10, v37;
	v25 =	vmul.u32 $0xB, v4;
	v0 =	vadd.s32 v26, v21;
	[tilespmem:$0x7AD0] =	vst v47  }
0x172: {  	v28 =	vld [tilespmem:$0x74E0];
	v35 =	vmul.u32 $0xB, v32;
	v5 =	vadd.s32 v8, v5;
	v8 =	vmul.u32 $0xB, v46;
	[tilespmem:$0x7A80] =	vst v0  }
0x173: {  	v53 =	vld [tilespmem:$0x7540];
	v61 =	vmul.u32 $0xB, v59;
	v2 =	vmul.u32 $0xB, v2;
	v31 =	vadd.s32 v38, v25;
	[tilespmem:$0x7A20] =	vst v5  }
0x174: {  	v41 =	vld [tilespmem:$0x7570];
	v0 =	vadd.s32 v45, v35;
	[tilespmem:$0x7AA0] =	vst v31;
	v54 =	vadd.s32 v17, v8;
	v8 =	vmul.u32 $0xB, v24  }
0x175: {  	v37 =	vld [tilespmem:$0x7560];
	v36 =	vadd.s32 v49, v29;
	v2 =	vadd.s32 v11, v2;
	[tilespmem:$0x7AB0] =	vst v0;
	v38 =	vmul.u32 $0xB, v20  }
0x176: {  	v39 =	vmul.u32 $0xB, v36;
	[tilespmem:$0x7A30] =	vst v2;
	v46 =	vadd.s32 v30, v8  }
0x177: {  	v2 =	vadd.s32 v23, v61;
	[tilespmem:$0x7A50] =	vst v54;
	v43 =	vadd.s32 v28, v38;
	v48 =	vmul.u32 $0xB, v46  }
0x178: {  	v44 =	vadd.s32 v53, v39;
	[tilespmem:$0x7A70] =	vst v2;
	v45 =	vmul.u32 $0xB, v43  }
0x179: {  	[tilespmem:$0x7AC0] =	vst v44;
	v50 =	vadd.s32 v41, v48  }
0x17a: {  	v49 =	vadd.s32 v37, v45;
	[tilespmem:$0x7AF0] =	vst v50  }
0x17b: {  	[tilespmem:$0x7AE0] =	vst v49  }
0x17c: {  	_ =	swait.ge [sflag:s17], $0x8000  }
0x17d: {  	[sflag:s17] =	ssyncset.done $0x0  }
0x17e: {  	[sflag:s17] =	ssyncadd.s32 $0xFFFF8000  }
0x17f: {  	[tilespmem:s26], [sflag:$0x1] =	stream.indirect.gather [spmem:s4], $0x80, s25, s18, $0xb8;
	[tilespmem:$0x17C00] =	vst v63  }
0x180: {  	_ = 	snop  }
0x181: {  	[tilespmem:s29], [sflag:$0x1] =	stream.indirect.gather [spmem:s4], $0x80, s28, s18, $0xb8;
	[tilespmem:$0x17C00] =	vst v63  }
0x182: {  	_ =	swait.ge [sflag:s7], $0x4000  }
0x183: {  	[sflag:s7] =	ssyncset.done $0x0  }
0x184: {  	[sflag:s7] =	ssyncadd.s32 $0xFFFFC000  }
0x185: {  	_ =	swait.ge [sflag:s7], $0x4000  }
0x186: {  	[sflag:s7] =	ssyncset.done $0x0  }
0x187: {  	s22 =	sadd.s32 s16, s15;
	[sflag:s7] =	ssyncadd.s32 $0xFFFFC000  }
0x188: {  	[hbm4b:s22+s5] =	stream.linear.scatter [tilespmem:s26], [sflag:$0x2], $0x8000, $0x38;
	[tilespmem:$0x17C00] =	vst v63  }
0x189: {  	v51 =	vld [tilespmem:$0x7600]  }
0x18a: {  	v52 =	vld [tilespmem:$0x7680]  }
0x18b: {  	v53 =	vld [tilespmem:$0x7700]  }
0x18c: {  	v54 =	vld [tilespmem:$0x7610]  }
0x18d: {  	v55 =	vld [tilespmem:$0x7690]  }
0x18e: {  	v56 =	vld [tilespmem:$0x7710]  }
0x18f: {  	v57 =	vld [tilespmem:$0x7620]  }
0x190: {  	v58 =	vld [tilespmem:$0x76A0]  }
0x191: {  	v59 =	vld [tilespmem:$0x7720]  }
0x192: {  	v60 =	vld [tilespmem:$0x7630]  }
0x193: {  	v61 =	vld [tilespmem:$0x76B0]  }
0x194: {  	v62 =	vld [tilespmem:$0x7730]  }
0x195: {  	v63 =	vld [tilespmem:$0x7640]  }
0x196: {  	v32 =	vld [tilespmem:$0x76C0]  }
0x197: {  	v33 =	vld [tilespmem:$0x7740]  }
0x198: {  	v34 =	vld [tilespmem:$0x7650]  }
0x199: {  	v35 =	vld [tilespmem:$0x76D0]  }
0x19a: {  	v36 =	vld [tilespmem:$0x7750]  }
0x19b: {  	v37 =	vld [tilespmem:$0x7660]  }
0x19c: {  	v38 =	vld [tilespmem:$0x76E0]  }
0x19d: {  	v39 =	vld [tilespmem:$0x7760]  }
0x19e: {  	v40 =	vld [tilespmem:$0x7670]  }
0x19f: {  	v41 =	vld [tilespmem:$0x76F0]  }
0x1a0: {  	v23 =	vld [tilespmem:$0x7770]  }
0x1a1: {  	v42 =	vld [tilespmem:$0x7800]  }
0x1a2: {  	v43 =	vld [tilespmem:$0x7880]  }
0x1a3: {  	v47 =	vld [tilespmem:$0x7820]  }
0x1a4: {  	v26 =	vld [tilespmem:$0x7900]  }
0x1a5: {  	v44 =	vld [tilespmem:$0x7810]  }
0x1a6: {  	v48 =	vld [tilespmem:$0x78A0];
	v0 =	vmul.u32 $0xB, v51  }
0x1a7: {  	v45 =	vld [tilespmem:$0x7890];
	v3 =	vmul.u32 $0xB, v54;
	v6 =	vmul.u32 $0xB, v57;
	v49 =	vmul.u32 $0xB, v60  }
0x1a8: {  	v46 =	vld [tilespmem:$0x7910];
	v54 =	vmul.u32 $0xB, v34;
	v31 =	vmul.u32 $0xB, v42;
	v4 =	vmul.u32 $0xB, v47  }
0x1a9: {  	v50 =	vld [tilespmem:$0x7920];
	v0 =	vadd.s32 v52, v0;
	v3 =	vadd.s32 v55, v3;
	v51 =	vadd.s32 v58, v6  }
0x1aa: {  	v15 =	vld [tilespmem:$0x7930];
	v52 =	vmul.u32 $0xB, v63;
	v2 =	vadd.s32 v61, v49;
	v57 =	vadd.s32 v35, v54  }
0x1ab: {  	v21 =	vld [tilespmem:$0x7940];
	v63 =	vmul.u32 $0xB, v40;
	v4 =	vadd.s32 v48, v4;
	v0 =	vmul.u32 $0xB, v0  }
0x1ac: {  	v60 =	vld [tilespmem:$0x78C0];
	v3 =	vmul.u32 $0xB, v3;
	v5 =	vmul.u32 $0xB, v51;
	v2 =	vmul.u32 $0xB, v2  }
0x1ad: {  	v42 =	vld [tilespmem:$0x7870];
	v8 =	vmul.u32 $0xB, v57;
	v4 =	vmul.u32 $0xB, v4;
	v6 =	vadd.s32 v32, v52  }
0x1ae: {  	v47 =	vld [tilespmem:$0x78F0];
	v0 =	vadd.s32 v53, v0;
	v3 =	vadd.s32 v56, v3;
	v56 =	vmul.u32 $0xB, v37  }
0x1af: {  	v32 =	vmul.u32 $0xB, v44;
	v35 =	vadd.s32 v41, v63;
	v53 =	vld [tilespmem:$0x7830];
	v5 =	vadd.s32 v59, v5;
	[tilespmem:$0x7B00] =	vst v0  }
0x1b0: {  	v58 =	vld [tilespmem:$0x7840];
	v6 =	vmul.u32 $0xB, v6;
	v2 =	vadd.s32 v62, v2;
	[tilespmem:$0x7B10] =	vst v3;
	v59 =	vadd.s32 v38, v56  }
0x1b1: {  	v55 =	vld [tilespmem:$0x78B0];
	v30 =	vadd.s32 v36, v8;
	v37 =	vadd.s32 v43, v31;
	[tilespmem:$0x7B20] =	vst v5;
	v62 =	vmul.u32 $0xB, v59  }
0x1b2: {  	v48 =	vadd.s32 v50, v4;
	[tilespmem:$0x7B30] =	vst v2;
	v61 =	vadd.s32 v33, v6;
	v33 =	vld [tilespmem:$0x7850];
	v38 =	vadd.s32 v45, v32  }
0x1b3: {  	v40 =	vmul.u32 $0xB, v37;
	[tilespmem:$0x7B50] =	vst v30;
	v41 =	vmul.u32 $0xB, v38;
	v34 =	vadd.s32 v39, v62;
	v39 =	vld [tilespmem:$0x7860]  }
0x1b4: {  	v36 =	vld [tilespmem:$0x78D0];
	[tilespmem:$0x7BA0] =	vst v48;
	v6 =	vmul.u32 $0xB, v35;
	v44 =	vmul.u32 $0xB, v53  }
0x1b5: {  	v45 =	vld [tilespmem:$0x78E0];
	[tilespmem:$0x7B40] =	vst v61;
	v0 =	vadd.s32 v26, v40;
	v1 =	vadd.s32 v46, v41;
	v46 =	vmul.u32 $0xB, v58  }
0x1b6: {  	v57 =	vld [tilespmem:$0x7970];
	v8 =	vmul.u32 $0xB, v42;
	v43 =	vadd.s32 v23, v6;
	[tilespmem:$0x7B80] =	vst v0;
	v49 =	vadd.s32 v55, v44  }
0x1b7: {  	v50 =	vld [tilespmem:$0x7950];
	[tilespmem:$0x7B70] =	vst v43;
	v51 =	vmul.u32 $0xB, v33;
	v2 =	vadd.s32 v60, v46;
	v52 =	vmul.u32 $0xB, v49  }
0x1b8: {  	v53 =	vld [tilespmem:$0x7960];
	[tilespmem:$0x7B60] =	vst v34;
	v60 =	vadd.s32 v47, v8;
	v55 =	vmul.u32 $0xB, v2;
	v54 =	vmul.u32 $0xB, v39  }
0x1b9: {  	[tilespmem:$0x7B90] =	vst v1;
	v1 =	vmul.u32 $0xB, v60;
	v56 =	vadd.s32 v36, v51;
	v0 =	vadd.s32 v15, v52  }
0x1ba: {  	v2 =	vmul.u32 $0xB, v56;
	v59 =	vadd.s32 v21, v55;
	[tilespmem:$0x7BB0] =	vst v0;
	v58 =	vadd.s32 v45, v54  }
0x1bb: {  	v63 =	vadd.s32 v57, v1;
	[tilespmem:$0x7BC0] =	vst v59;
	v3 =	vmul.u32 $0xB, v58  }
0x1bc: {  	[tilespmem:$0x7BF0] =	vst v63;
	v61 =	vadd.s32 v50, v2  }
0x1bd: {  	[tilespmem:$0x7BD0] =	vst v61;
	v62 =	vadd.s32 v53, v3  }
0x1be: {  	[tilespmem:$0x7BE0] =	vst v62  }
0x1bf: {  	_ =	swait.ge [sflag:s9], $0x8000  }
0x1c0: {  	[sflag:s9] =	ssyncset.done $0x0  }
0x1c1: {  	[sflag:s9] =	ssyncadd.s32 $0xFFFF8000  }
0x1c2: {  	[tilespmem:s31], [sflag:$0x1] =	stream.indirect.gather [spmem:s4], $0x80, s30, s18, $0xb8;
	[tilespmem:$0x17C00] =	vst v63  }
0x1c3: {  	_ = 	snop  }
0x1c4: {  	[tilespmem:s0], [sflag:$0x1] =	stream.indirect.gather [spmem:s4], $0x80, s1, s18, $0xb8;
	[tilespmem:$0x17C00] =	vst v63  }
0x1c5: {  	_ =	swait.ge [sflag:s7], $0x4000  }
0x1c6: {  	[sflag:s7] =	ssyncset.done $0x0  }
.Ltmp6:
0x1c7: {  	[sflag:s7] =	ssyncadd.s32 $0xFFFFC000;
	(pc) =	sbr.rel .LBB2_6-.Ltmp6, $4  }
0x1c8: {  	_ =	swait.ge [sflag:s7], $0x4000  }
0x1c9: {  	[sflag:s7] =	ssyncset.done $0x0  }
0x1ca: {  	s23 =	sadd.s32 s16, s14;
	[sflag:s7] =	ssyncadd.s32 $0xFFFFC000  }
0x1cb: {  	[hbm4b:s23+s5] =	stream.linear.scatter [tilespmem:s31], [sflag:$0x3], $0x8000, $0x38;
	[tilespmem:$0x17C00] =	vst v63  }
.LBB2_8:
0x1cc: {  	_ =	sfence.sel $0x180000  }
0x1cd: {  	[bflag:$0x0] =	sbarrier.arrive $0xFFFF  }
0x1ce: {  	_ =	strace $0x90000047  }
0x1cf: {  	s0 =	stileid.u32;
	[bflag:$0x2] =	sbarrier.arrive $0xFFFF  }
0x1d0: {  	p0 =	sne.s32 s0, $0x0;
	s0 =	rddreg [dreg:$0x4]  }
0x1d1: {  	s0 =	sadd.s32 @!p0 $0x100000, s0  }
0x1d2: {  	[sflag:s0] =	ssyncadd.tile.s32 @!p0 $0x1;
	_ =	shalt  }
.Lfunc_end2:
_tile_overlayer_lowered:
.L_overlay_start_2:
0x1d3: {  	(tag) =	ssettag $0x2  }
0x1d4: {  	s0 =	rddreg [dreg:$0x0];
	s2 =	stileid.u32  }
0x1d5: {  	s1 =	rddreg [dreg:$0x1];
	p0 =	sne.s32 s2, $0x0  }
0x1d6: {  	s3 =	rddreg [dreg:$0x2];
	[bflag:$0x3] =	sbarrier.arrive $0xFFFF;
	s2 =	simm.s32 @!p0 $0x1C06  }
0x1d7: {  	[timem:s3], [sflag:s2] =	dma.local @!p0 [hbm:s0], s1  }
0x1d8: {  	s0 =	simm.s32 @!p0 $0x6  }
0x1d9: {  	_ =	swait.ge @!p0 [sflag:s0], s1  }
0x1da: {  	s1 =	ssub.s32 @!p0 $0x0, s1;
	[sflag:s0] =	ssyncset.done @!p0 $0x0  }
0x1db: {  	[sflag:s0] =	ssyncadd.s32 @!p0 s1  }
0x1dc: {  	[bflag:$0x3] =	sbarrier.arrive $0xFFFF  }
0x1dd: {  	_ =	shalt  }

</sc_bundles>
